<compile_context>
chip_gen: v7x
topology: tpu7x:2x2x1
jax: 0.10.2.dev20260603
libtpu: 0.0.44.dev20260713+nightly
codegen_flags: <defaults>
</compile_context>

<pallas_src>
import jax
import jax.numpy as jnp
from jax import lax
from jax.experimental import pallas as pl
from jax.experimental.pallas import tpu as pltpu
from jax.experimental.pallas import tpu_sc as plsc

NC, NS, L = 2, 16, 16
F = 48
CH = 128
R = 512


def _round_up(a, m):
    return (a + m - 1) // m * m


def _sc_degree(ei3, n_pad):
    epr = ei3.shape[1]
    cpt = epr // (NC * NS)
    extra = epr - cpt * NC * NS
    npt = n_pad // NS

    def body(ei_hbm, out_hbm, didx, ones, wbuf, acc):
        c = lax.axis_index("c")
        s = lax.axis_index("s")

        def fill_ones(k, _):
            ones[pl.ds(k * L, L)] = jnp.ones((L,), jnp.float32)
            return 0

        lax.fori_loop(0, CH // L, fill_ones, 0)

        def fill_zeros(k, _):
            wbuf[pl.ds(k * L, L)] = jnp.zeros((L,), jnp.float32)
            return 0

        lax.fori_loop(0, npt // L, fill_zeros, 0)
        pltpu.sync_copy(wbuf, acc.at[pl.ds(s * npt, npt)])
        plsc.subcore_barrier()

        row0 = (c * NS + s) * cpt
        pltpu.sync_copy(ei_hbm.at[1, pl.ds(row0, cpt)], didx)

        def step(j, _):
            pltpu.sync_copy(ones, acc.at[didx.at[j]], add=True)
            return 0

        lax.fori_loop(0, cpt, step, 0)

        @pl.when(jnp.logical_and(c == 0, s < extra))
        def _():
            pltpu.sync_copy(ei_hbm.at[1, pl.ds(NC * NS * cpt + s, 1)],
                            didx.at[pl.ds(0, 1)])
            pltpu.sync_copy(ones, acc.at[didx.at[0]], add=True)

        plsc.subcore_barrier()
        pltpu.sync_copy(acc.at[pl.ds(s * npt, npt)], wbuf)
        pltpu.sync_copy(wbuf, out_hbm.at[pl.ds(c * n_pad + s * npt, npt)])

    mesh = plsc.VectorSubcoreMesh(core_axis_name="c", subcore_axis_name="s",
                                  num_cores=NC, num_subcores=NS)
    return pl.kernel(
        body,
        compiler_params=pltpu.CompilerParams(use_tc_tiling_on_sc=False),
        out_type=jax.ShapeDtypeStruct((NC * n_pad,), jnp.float32),
        mesh=mesh,
        scratch_types=[
            pltpu.VMEM((cpt, CH), jnp.int32),
            pltpu.VMEM((CH,), jnp.float32),
            pltpu.VMEM((npt,), jnp.float32),
            pltpu.VMEM_SHARED((n_pad,), jnp.float32),
        ],
    )(ei3)


def _sc_hop(g, ei3, n_pad):
    epr = ei3.shape[1]
    cpt = epr // (NC * NS)
    extra = epr - cpt * NC * NS
    npt = n_pad // NS
    wo = npt // CH

    def body(g_hbm, ei_hbm, out_hbm, sidx, didx, rows0, rows1, acc,
             gsp, sem0, sem1, sems0, sems1):
        c = lax.axis_index("c")
        s = lax.axis_index("s")

        def fill_zero_row(i, _):
            for k in range(F // L):
                rows0[i, pl.ds(k * L, L)] = jnp.zeros((L,), jnp.float32)
            return 0

        lax.fori_loop(0, CH, fill_zero_row, 0)
        for k in range(wo):
            sl = pl.ds(s * npt + k * CH, CH)
            pltpu.sync_copy(rows0, acc.at[sl])
            pltpu.sync_copy(g_hbm.at[sl], rows1)
            pltpu.sync_copy(rows1, gsp.at[sl])
        plsc.subcore_barrier()

        def run_chunks(row0):
            pltpu.sync_copy(ei_hbm.at[0, pl.ds(row0, cpt)], sidx)
            pltpu.sync_copy(ei_hbm.at[1, pl.ds(row0, cpt)], didx)
            pltpu.async_copy(gsp.at[sidx.at[0]], rows0, sem0)
            half = cpt // 2

            def step(i, _):
                j0 = 2 * i

                @pl.when(i != 0)
                def _():
                    pltpu.make_async_copy(rows1, acc.at[didx.at[j0]], sems1).wait()

                pltpu.async_copy(gsp.at[sidx.at[j0 + 1]], rows1, sem1)
                pltpu.make_async_copy(gsp.at[sidx.at[j0]], rows0, sem0).wait()
                pltpu.async_copy(rows0, acc.at[didx.at[j0]], sems0, add=True)

                @pl.when(i != half - 1)
                def _():
                    pltpu.make_async_copy(rows0, acc.at[didx.at[j0]], sems0).wait()
                    pltpu.async_copy(gsp.at[sidx.at[j0 + 2]], rows0, sem0)

                pltpu.make_async_copy(gsp.at[sidx.at[j0 + 1]], rows1, sem1).wait()
                pltpu.async_copy(rows1, acc.at[didx.at[j0 + 1]], sems1, add=True)
                return 0

            lax.fori_loop(0, half, step, 0)
            pltpu.make_async_copy(rows0, acc.at[didx.at[0]], sems0).wait()
            pltpu.make_async_copy(rows1, acc.at[didx.at[0]], sems1).wait()

        run_chunks((c * NS + s) * cpt)

        @pl.when(jnp.logical_and(c == 0, s < extra))
        def _():
            pltpu.sync_copy(ei_hbm.at[0, pl.ds(NC * NS * cpt + s, 1)],
                            sidx.at[pl.ds(0, 1)])
            pltpu.sync_copy(ei_hbm.at[1, pl.ds(NC * NS * cpt + s, 1)],
                            didx.at[pl.ds(0, 1)])
            pltpu.sync_copy(gsp.at[sidx.at[0]], rows0)
            pltpu.sync_copy(rows0, acc.at[didx.at[0]], add=True)

        plsc.subcore_barrier()
        for k in range(wo):
            sl = pl.ds(s * npt + k * CH, CH)
            pltpu.sync_copy(acc.at[sl], rows0)
            pltpu.sync_copy(rows0, out_hbm.at[c, sl])

    mesh = plsc.VectorSubcoreMesh(core_axis_name="c", subcore_axis_name="s",
                                  num_cores=NC, num_subcores=NS)
    return pl.kernel(
        body,
        compiler_params=pltpu.CompilerParams(use_tc_tiling_on_sc=False),
        out_type=jax.ShapeDtypeStruct((NC, n_pad, F), jnp.float32),
        mesh=mesh,
        scratch_types=[
            pltpu.VMEM((cpt, CH), jnp.int32),
            pltpu.VMEM((cpt, CH), jnp.int32),
            pltpu.VMEM((CH, F), jnp.float32),
            pltpu.VMEM((CH, F), jnp.float32),
            pltpu.VMEM_SHARED((n_pad, F), jnp.float32),
            pltpu.VMEM_SHARED((n_pad, F), jnp.float32),
            pltpu.SemaphoreType.DMA,
            pltpu.SemaphoreType.DMA,
            pltpu.SemaphoreType.DMA,
            pltpu.SemaphoreType.DMA,
        ],
    )(g, ei3)


def _tc_project(xp, wp, deg_parts3):
    n_pad, d_in = xp.shape

    def body(x_ref, w_ref, dp_ref, g0_ref, dis_ref):
        z = jnp.dot(x_ref[...], w_ref[...],
                    preferred_element_type=jnp.float32,
                    precision=lax.Precision.HIGHEST)
        deg = dp_ref[0] + dp_ref[1] + 1.0
        dis = lax.rsqrt(deg)
        dis_ref[...] = dis
        g0_ref[...] = z * dis

    return pl.pallas_call(
        body,
        grid=(n_pad // R,),
        in_specs=[
            pl.BlockSpec((R, d_in), lambda i: (i, 0)),
            pl.BlockSpec((d_in, F), lambda i: (0, 0)),
            pl.BlockSpec((NC, R, 1), lambda i: (0, i, 0)),
        ],
        out_specs=[
            pl.BlockSpec((R, F), lambda i: (i, 0)),
            pl.BlockSpec((R, 1), lambda i: (i, 0)),
        ],
        out_shape=[
            jax.ShapeDtypeStruct((n_pad, F), jnp.float32),
            jax.ShapeDtypeStruct((n_pad, 1), jnp.float32),
        ],
    )(xp, wp, deg_parts3)


def _tc_rescale(parts, g, dis):
    n_pad = g.shape[0]

    def body(p_ref, g_ref, d_ref, o_ref):
        d = d_ref[...]
        o_ref[...] = (p_ref[0] + p_ref[1] + g_ref[...]) * (d * d)

    return pl.pallas_call(
        body,
        grid=(n_pad // R,),
        in_specs=[
            pl.BlockSpec((NC, R, F), lambda i: (0, i, 0)),
            pl.BlockSpec((R, F), lambda i: (i, 0)),
            pl.BlockSpec((R, 1), lambda i: (i, 0)),
        ],
        out_specs=pl.BlockSpec((R, F), lambda i: (i, 0)),
        out_shape=jax.ShapeDtypeStruct((n_pad, F), jnp.float32),
    )(parts, g, dis)


def _tc_finish(parts, g, dis, b2):
    n_pad = g.shape[0]
    c_out = b2.shape[1]

    def body(p_ref, g_ref, d_ref, b_ref, o_ref):
        h2 = (p_ref[0] + p_ref[1] + g_ref[...]) * d_ref[...]
        logits = h2[:, :c_out] + b_ref[...]
        m = jnp.max(logits, axis=1, keepdims=True)
        lse = m + jnp.log(jnp.sum(jnp.exp(logits - m), axis=1, keepdims=True))
        o_ref[...] = logits - lse

    return pl.pallas_call(
        body,
        grid=(n_pad // R,),
        in_specs=[
            pl.BlockSpec((NC, R, F), lambda i: (0, i, 0)),
            pl.BlockSpec((R, F), lambda i: (i, 0)),
            pl.BlockSpec((R, 1), lambda i: (i, 0)),
            pl.BlockSpec((1, c_out), lambda i: (0, 0)),
        ],
        out_specs=pl.BlockSpec((R, c_out), lambda i: (i, 0)),
        out_shape=jax.ShapeDtypeStruct((n_pad, c_out), jnp.float32),
    )(parts, g, dis, b2)


def kernel(x, edge_index, W, b):
    n, _ = x.shape
    e = edge_index.shape[1]
    n_pad = _round_up(n, NS * CH)

    ei3 = edge_index.reshape(2, e // CH, CH)
    xp = jnp.pad(x, ((0, n_pad - n), (0, 0)))
    wp = jnp.pad(W, ((0, 0), (0, F - W.shape[1])))

    deg_parts = _sc_degree(ei3, n_pad)
    g0, dis = _tc_project(xp, wp, deg_parts.reshape(NC, n_pad, 1))
    p1 = _sc_hop(g0, ei3, n_pad)
    g1 = _tc_rescale(p1, g0, dis)
    p2 = _sc_hop(g1, ei3, n_pad)
    out = _tc_finish(p2, g1, dis, b.reshape(1, -1))
    return out[:n]

# --- scband reference (transcript-rebuilt; emitter-appended) ---
"""Pipeline reference for scband-sgcn-84035330114212 (READ-ONLY COPY).

The authoritative reference and input builder live on the scoring server;
editing this copy changes nothing except your own understanding.
"""

import jax, jax.numpy as jnp
import numpy as np

N = 10000
E = 320000
D = 128
C = 40
K = 2

def setup_inputs(seed: int = 0) -> dict:
    key = jax.random.key(seed)
    k1, k2, k3 = jax.random.split(key, 3)
    x = jax.random.normal(k1, (N, D), dtype=jnp.float32)
    edge_index = jax.random.randint(k2, (2, E), 0, N, dtype=jnp.int32)
    # SGConv's internal linear layer parameters (num_features -> num_classes)
    W = jax.random.normal(k3, (D, C), dtype=jnp.float32) * (1.0 / np.sqrt(D))
    b = jnp.zeros((C,), dtype=jnp.float32)
    return {"x": x, "edge_index": edge_index, "W": W, "b": b}

def reference(x, edge_index, W, b):
    # SGConv with K propagation steps using GCN normalization (with self-loops),
    # followed by a linear layer; SGCN then applies log_softmax over classes.
    src = edge_index[0]
    dst = edge_index[1]
    self_loops = jnp.arange(N, dtype=edge_index.dtype)
    src = jnp.concatenate([src, self_loops])
    dst = jnp.concatenate([dst, self_loops])
    # symmetric normalization: deg^{-1/2}[src] * deg^{-1/2}[dst]
    deg = jnp.zeros((N,), dtype=x.dtype).at[dst].add(1.0)
    deg_inv_sqrt = jnp.where(deg > 0, 1.0 / jnp.sqrt(deg), 0.0)
    norm = deg_inv_sqrt[src] * deg_inv_sqrt[dst]
    h = x
    for _ in range(K):
        msgs = norm[:, None] * h[src]          # gather + scale
        h = jax.ops.segment_sum(msgs, dst, num_segments=N)  # scatter-add
    out = h @ W + b
    return out - jax.scipy.special.logsumexp(out, axis=1, keepdims=True)

if __name__ == "__main__":
    import jax
    _d = setup_inputs()
    print(jax.jit(kernel)(*tuple(_d.values())))

</pallas_src>

<mosaic_0001>
#map = affine_map<(d0, d1) -> (0, 0)>
#map1 = affine_map<(d0, d1) -> (0, 0, 0)>
module attributes {stable_mosaic.version = 14 : i64} {
  func.func @body(%arg0: i32, %arg1: i32, %arg2: memref<10240x48xf32, #tpu.memory_space<hbm>>, %arg3: memref<2x2500x128xi32, #tpu.memory_space<hbm>>, %arg4: memref<2x10240x48xf32, #tpu.memory_space<hbm>>, %arg5: memref<78x128xi32, #tpu.memory_space<vmem>>, %arg6: memref<78x128xi32, #tpu.memory_space<vmem>>, %arg7: memref<128x48xf32, #tpu.memory_space<vmem>>, %arg8: memref<128x48xf32, #tpu.memory_space<vmem>>, %arg9: memref<10240x48xf32, #tpu.memory_space<vmem_shared>>, %arg10: memref<10240x48xf32, #tpu.memory_space<vmem_shared>>, %arg11: memref<!tpu.dma_semaphore, #tpu.memory_space<semaphore_mem>>, %arg12: memref<!tpu.dma_semaphore, #tpu.memory_space<semaphore_mem>>, %arg13: memref<!tpu.dma_semaphore, #tpu.memory_space<semaphore_mem>>, %arg14: memref<!tpu.dma_semaphore, #tpu.memory_space<semaphore_mem>>) attributes {dimension_semantics = [#tpu.dimension_semantics<core_parallel>, #tpu.dimension_semantics<subcore_parallel>], iteration_bounds = array<i64: 2, 16>, scalar_prefetch = 0 : i64, scratch_operands = 10 : i64, tpu.core_type = #tpu.core_type<sc_vector_subcore>, window_params = [{transform_indices = #map}, {transform_indices = #map1}, {transform_indices = #map1}]} {
    %scan3A = arith.constant 0 : i32
    %scan3A_0 = arith.constant 0 : i32
    %scan3A_1 = arith.constant 128 : i32
    %scan3A_2 = arith.addi %scan3A_0, %scan3A_1 : i32
    %scan3A_3 = arith.constant 1 : i32
    %scan3A_4 = scf.for %scan3A_80 = %scan3A_0 to %scan3A_2 step %scan3A_3 iter_args(%scan3A_81 = %scan3A) -> (i32)  : i32 {
      %broadcast_in_dim3A = arith.constant 0.000000e+00 : f32
      %broadcast_in_dim3A_82 = vector.broadcast %broadcast_in_dim3A : f32 to vector<16xf32>
      %swap3A = arith.index_cast %scan3A_80 : i32 to index
      %swap3A_83 = arith.constant 0 : index
      %swap3A_84 = tpu.vector_load %arg7[%swap3A, %swap3A_83] {strides = array<i32>} : memref<128x48xf32, #tpu.memory_space<vmem>>, vector<1x16xf32>,
      %swap3A_85 = vector.shape_cast %swap3A_84 : vector<1x16xf32> to vector<16xf32>
      %swap3A_86 = vector.shape_cast %broadcast_in_dim3A_82 : vector<16xf32> to vector<1x16xf32>
      tpu.vector_store %arg7[%swap3A, %swap3A_83], %swap3A_86 {strides = array<i32>} : memref<128x48xf32, #tpu.memory_space<vmem>>, vector<1x16xf32>,
      %broadcast_in_dim3A_87 = arith.constant 0.000000e+00 : f32
      %broadcast_in_dim3A_88 = vector.broadcast %broadcast_in_dim3A_87 : f32 to vector<16xf32>
      %swap3A_89 = arith.index_cast %scan3A_80 : i32 to index
      %swap3A_90 = arith.constant 16 : index
      %swap3A_91 = tpu.vector_load %arg7[%swap3A_89, %swap3A_90] {strides = array<i32>} : memref<128x48xf32, #tpu.memory_space<vmem>>, vector<1x16xf32>,
      %swap3A_92 = vector.shape_cast %swap3A_91 : vector<1x16xf32> to vector<16xf32>
      %swap3A_93 = vector.shape_cast %broadcast_in_dim3A_88 : vector<16xf32> to vector<1x16xf32>
      tpu.vector_store %arg7[%swap3A_89, %swap3A_90], %swap3A_93 {strides = array<i32>} : memref<128x48xf32, #tpu.memory_space<vmem>>, vector<1x16xf32>,
      %broadcast_in_dim3A_94 = arith.constant 0.000000e+00 : f32
      %broadcast_in_dim3A_95 = vector.broadcast %broadcast_in_dim3A_94 : f32 to vector<16xf32>
      %swap3A_96 = arith.index_cast %scan3A_80 : i32 to index
      %swap3A_97 = arith.constant 32 : index
      %swap3A_98 = tpu.vector_load %arg7[%swap3A_96, %swap3A_97] {strides = array<i32>} : memref<128x48xf32, #tpu.memory_space<vmem>>, vector<1x16xf32>,
      %swap3A_99 = vector.shape_cast %swap3A_98 : vector<1x16xf32> to vector<16xf32>
      %swap3A_100 = vector.shape_cast %broadcast_in_dim3A_95 : vector<16xf32> to vector<1x16xf32>
      tpu.vector_store %arg7[%swap3A_96, %swap3A_97], %swap3A_100 {strides = array<i32>} : memref<128x48xf32, #tpu.memory_space<vmem>>, vector<1x16xf32>,
      %scan3A_101 = arith.constant 0 : i32
      scf.yield %scan3A_101 : i32
    }
    %scan3A_5 = arith.constant 128 : i32
    %mul3A = arith.constant 640 : i32
    %mul3A_6 = arith.muli %arg1, %mul3A : i32
    %add3A = arith.constant 0 : i32
    %add3A_7 = arith.addi %mul3A_6, %add3A : i32
    "tpu.region"() ({
      %run_scoped3A_80 = tpu.sem_alloc : memref<!tpu.dma_semaphore, #tpu.memory_space<semaphore_mem>>
      %dma_start3A_81 = arith.constant 0 : i32
      %dma_start3A_82 = tpu.memref_slice %arg9[%add3A_7, %dma_start3A_81] : memref<10240x48xf32, #tpu.memory_space<vmem_shared>> -> memref<128x48xf32, #tpu.memory_space<vmem_shared>>
      %dma_start3A_83 = arith.constant 0 : i32
      %dma_start3A_84 = tpu.memref_slice %arg9[%add3A_7, %dma_start3A_83] : memref<10240x48xf32, #tpu.memory_space<vmem_shared>> -> memref<128x48xf32, #tpu.memory_space<vmem_shared>>
      tpu.enqueue_dma source(%arg7 : memref<128x48xf32, #tpu.memory_space<vmem>>) target(%dma_start3A_84 : memref<128x48xf32, #tpu.memory_space<vmem_shared>>) target_semaphore(%run_scoped3A_80 : memref<!tpu.dma_semaphore, #tpu.memory_space<semaphore_mem>>)
      %dma_wait3A_85 = arith.constant 0 : i32
      %dma_wait3A_86 = tpu.memref_slice %arg9[%add3A_7, %dma_wait3A_85] : memref<10240x48xf32, #tpu.memory_space<vmem_shared>> -> memref<128x48xf32, #tpu.memory_space<vmem_shared>>
      %dma_wait3A_87 = arith.constant 0 : i32
      %dma_wait3A_88 = tpu.memref_slice %arg9[%add3A_7, %dma_wait3A_87] : memref<10240x48xf32, #tpu.memory_space<vmem_shared>> -> memref<128x48xf32, #tpu.memory_space<vmem_shared>>
      tpu.wait_dma2 semaphore(%run_scoped3A_80 : memref<!tpu.dma_semaphore, #tpu.memory_space<semaphore_mem>>) src(%arg7 : memref<128x48xf32, #tpu.memory_space<vmem>>) dst(%dma_wait3A_88 : memref<128x48xf32, #tpu.memory_space<vmem_shared>>)
      tpu.yield
    }) : () -> ()
    "tpu.region"() ({
      %run_scoped3A_80 = tpu.sem_alloc : memref<!tpu.dma_semaphore, #tpu.memory_space<semaphore_mem>>
      %dma_start3A_81 = arith.constant 0 : i32
      %dma_start3A_82 = tpu.memref_slice %arg2[%add3A_7, %dma_start3A_81] : memref<10240x48xf32, #tpu.memory_space<hbm>> -> memref<128x48xf32, #tpu.memory_space<hbm>>
      %dma_start3A_83 = arith.constant 0 : i32
      %dma_start3A_84 = tpu.memref_slice %arg2[%add3A_7, %dma_start3A_83] : memref<10240x48xf32, #tpu.memory_space<hbm>> -> memref<128x48xf32, #tpu.memory_space<hbm>>
      tpu.enqueue_dma source(%dma_start3A_84 : memref<128x48xf32, #tpu.memory_space<hbm>>) target(%arg8 : memref<128x48xf32, #tpu.memory_space<vmem>>) target_semaphore(%run_scoped3A_80 : memref<!tpu.dma_semaphore, #tpu.memory_space<semaphore_mem>>)
      %dma_wait3A_85 = arith.constant 0 : i32
      %dma_wait3A_86 = tpu.memref_slice %arg2[%add3A_7, %dma_wait3A_85] : memref<10240x48xf32, #tpu.memory_space<hbm>> -> memref<128x48xf32, #tpu.memory_space<hbm>>
      %dma_wait3A_87 = arith.constant 0 : i32
      %dma_wait3A_88 = tpu.memref_slice %arg2[%add3A_7, %dma_wait3A_87] : memref<10240x48xf32, #tpu.memory_space<hbm>> -> memref<128x48xf32, #tpu.memory_space<hbm>>
      tpu.wait_dma2 semaphore(%run_scoped3A_80 : memref<!tpu.dma_semaphore, #tpu.memory_space<semaphore_mem>>) src(%dma_wait3A_88 : memref<128x48xf32, #tpu.memory_space<hbm>>) dst(%arg8 : memref<128x48xf32, #tpu.memory_space<vmem>>)
      tpu.yield
    }) : () -> ()
    "tpu.region"() ({
      %run_scoped3A_80 = tpu.sem_alloc : memref<!tpu.dma_semaphore, #tpu.memory_space<semaphore_mem>>
      %dma_start3A_81 = arith.constant 0 : i32
      %dma_start3A_82 = tpu.memref_slice %arg10[%add3A_7, %dma_start3A_81] : memref<10240x48xf32, #tpu.memory_space<vmem_shared>> -> memref<128x48xf32, #tpu.memory_space<vmem_shared>>
      %dma_start3A_83 = arith.constant 0 : i32
      %dma_start3A_84 = tpu.memref_slice %arg10[%add3A_7, %dma_start3A_83] : memref<10240x48xf32, #tpu.memory_space<vmem_shared>> -> memref<128x48xf32, #tpu.memory_space<vmem_shared>>
      tpu.enqueue_dma source(%arg8 : memref<128x48xf32, #tpu.memory_space<vmem>>) target(%dma_start3A_84 : memref<128x48xf32, #tpu.memory_space<vmem_shared>>) target_semaphore(%run_scoped3A_80 : memref<!tpu.dma_semaphore, #tpu.memory_space<semaphore_mem>>)
      %dma_wait3A_85 = arith.constant 0 : i32
      %dma_wait3A_86 = tpu.memref_slice %arg10[%add3A_7, %dma_wait3A_85] : memref<10240x48xf32, #tpu.memory_space<vmem_shared>> -> memref<128x48xf32, #tpu.memory_space<vmem_shared>>
      %dma_wait3A_87 = arith.constant 0 : i32
      %dma_wait3A_88 = tpu.memref_slice %arg10[%add3A_7, %dma_wait3A_87] : memref<10240x48xf32, #tpu.memory_space<vmem_shared>> -> memref<128x48xf32, #tpu.memory_space<vmem_shared>>
      tpu.wait_dma2 semaphore(%run_scoped3A_80 : memref<!tpu.dma_semaphore, #tpu.memory_space<semaphore_mem>>) src(%arg8 : memref<128x48xf32, #tpu.memory_space<vmem>>) dst(%dma_wait3A_88 : memref<128x48xf32, #tpu.memory_space<vmem_shared>>)
      tpu.yield
    }) : () -> ()
    %mul3A_8 = arith.constant 640 : i32
    %mul3A_9 = arith.muli %arg1, %mul3A_8 : i32
    %add3A_10 = arith.constant 128 : i32
    %add3A_11 = arith.addi %mul3A_9, %add3A_10 : i32
    "tpu.region"() ({
      %run_scoped3A_80 = tpu.sem_alloc : memref<!tpu.dma_semaphore, #tpu.memory_space<semaphore_mem>>
      %dma_start3A_81 = arith.constant 0 : i32
      %dma_start3A_82 = tpu.memref_slice %arg9[%add3A_11, %dma_start3A_81] : memref<10240x48xf32, #tpu.memory_space<vmem_shared>> -> memref<128x48xf32, #tpu.memory_space<vmem_shared>>
      %dma_start3A_83 = arith.constant 0 : i32
      %dma_start3A_84 = tpu.memref_slice %arg9[%add3A_11, %dma_start3A_83] : memref<10240x48xf32, #tpu.memory_space<vmem_shared>> -> memref<128x48xf32, #tpu.memory_space<vmem_shared>>
      tpu.enqueue_dma source(%arg7 : memref<128x48xf32, #tpu.memory_space<vmem>>) target(%dma_start3A_84 : memref<128x48xf32, #tpu.memory_space<vmem_shared>>) target_semaphore(%run_scoped3A_80 : memref<!tpu.dma_semaphore, #tpu.memory_space<semaphore_mem>>)
      %dma_wait3A_85 = arith.constant 0 : i32
      %dma_wait3A_86 = tpu.memref_slice %arg9[%add3A_11, %dma_wait3A_85] : memref<10240x48xf32, #tpu.memory_space<vmem_shared>> -> memref<128x48xf32, #tpu.memory_space<vmem_shared>>
      %dma_wait3A_87 = arith.constant 0 : i32
      %dma_wait3A_88 = tpu.memref_slice %arg9[%add3A_11, %dma_wait3A_87] : memref<10240x48xf32, #tpu.memory_space<vmem_shared>> -> memref<128x48xf32, #tpu.memory_space<vmem_shared>>
      tpu.wait_dma2 semaphore(%run_scoped3A_80 : memref<!tpu.dma_semaphore, #tpu.memory_space<semaphore_mem>>) src(%arg7 : memref<128x48xf32, #tpu.memory_space<vmem>>) dst(%dma_wait3A_88 : memref<128x48xf32, #tpu.memory_space<vmem_shared>>)
      tpu.yield
    }) : () -> ()
    "tpu.region"() ({
      %run_scoped3A_80 = tpu.sem_alloc : memref<!tpu.dma_semaphore, #tpu.memory_space<semaphore_mem>>
      %dma_start3A_81 = arith.constant 0 : i32
      %dma_start3A_82 = tpu.memref_slice %arg2[%add3A_11, %dma_start3A_81] : memref<10240x48xf32, #tpu.memory_space<hbm>> -> memref<128x48xf32, #tpu.memory_space<hbm>>
      %dma_start3A_83 = arith.constant 0 : i32
      %dma_start3A_84 = tpu.memref_slice %arg2[%add3A_11, %dma_start3A_83] : memref<10240x48xf32, #tpu.memory_space<hbm>> -> memref<128x48xf32, #tpu.memory_space<hbm>>
      tpu.enqueue_dma source(%dma_start3A_84 : memref<128x48xf32, #tpu.memory_space<hbm>>) target(%arg8 : memref<128x48xf32, #tpu.memory_space<vmem>>) target_semaphore(%run_scoped3A_80 : memref<!tpu.dma_semaphore, #tpu.memory_space<semaphore_mem>>)
      %dma_wait3A_85 = arith.constant 0 : i32
      %dma_wait3A_86 = tpu.memref_slice %arg2[%add3A_11, %dma_wait3A_85] : memref<10240x48xf32, #tpu.memory_space<hbm>> -> memref<128x48xf32, #tpu.memory_space<hbm>>
      %dma_wait3A_87 = arith.constant 0 : i32
      %dma_wait3A_88 = tpu.memref_slice %arg2[%add3A_11, %dma_wait3A_87] : memref<10240x48xf32, #tpu.memory_space<hbm>> -> memref<128x48xf32, #tpu.memory_space<hbm>>
      tpu.wait_dma2 semaphore(%run_scoped3A_80 : memref<!tpu.dma_semaphore, #tpu.memory_space<semaphore_mem>>) src(%dma_wait3A_88 : memref<128x48xf32, #tpu.memory_space<hbm>>) dst(%arg8 : memref<128x48xf32, #tpu.memory_space<vmem>>)
      tpu.yield
    }) : () -> ()
    "tpu.region"() ({
      %run_scoped3A_80 = tpu.sem_alloc : memref<!tpu.dma_semaphore, #tpu.memory_space<semaphore_mem>>
      %dma_start3A_81 = arith.constant 0 : i32
      %dma_start3A_82 = tpu.memref_slice %arg10[%add3A_11, %dma_start3A_81] : memref<10240x48xf32, #tpu.memory_space<vmem_shared>> -> memref<128x48xf32, #tpu.memory_space<vmem_shared>>
      %dma_start3A_83 = arith.constant 0 : i32
      %dma_start3A_84 = tpu.memref_slice %arg10[%add3A_11, %dma_start3A_83] : memref<10240x48xf32, #tpu.memory_space<vmem_shared>> -> memref<128x48xf32, #tpu.memory_space<vmem_shared>>
      tpu.enqueue_dma source(%arg8 : memref<128x48xf32, #tpu.memory_space<vmem>>) target(%dma_start3A_84 : memref<128x48xf32, #tpu.memory_space<vmem_shared>>) target_semaphore(%run_scoped3A_80 : memref<!tpu.dma_semaphore, #tpu.memory_space<semaphore_mem>>)
      %dma_wait3A_85 = arith.constant 0 : i32
      %dma_wait3A_86 = tpu.memref_slice %arg10[%add3A_11, %dma_wait3A_85] : memref<10240x48xf32, #tpu.memory_space<vmem_shared>> -> memref<128x48xf32, #tpu.memory_space<vmem_shared>>
      %dma_wait3A_87 = arith.constant 0 : i32
      %dma_wait3A_88 = tpu.memref_slice %arg10[%add3A_11, %dma_wait3A_87] : memref<10240x48xf32, #tpu.memory_space<vmem_shared>> -> memref<128x48xf32, #tpu.memory_space<vmem_shared>>
      tpu.wait_dma2 semaphore(%run_scoped3A_80 : memref<!tpu.dma_semaphore, #tpu.memory_space<semaphore_mem>>) src(%arg8 : memref<128x48xf32, #tpu.memory_space<vmem>>) dst(%dma_wait3A_88 : memref<128x48xf32, #tpu.memory_space<vmem_shared>>)
      tpu.yield
    }) : () -> ()
    %mul3A_12 = arith.constant 640 : i32
    %mul3A_13 = arith.muli %arg1, %mul3A_12 : i32
    %add3A_14 = arith.constant 256 : i32
    %add3A_15 = arith.addi %mul3A_13, %add3A_14 : i32
    "tpu.region"() ({
      %run_scoped3A_80 = tpu.sem_alloc : memref<!tpu.dma_semaphore, #tpu.memory_space<semaphore_mem>>
      %dma_start3A_81 = arith.constant 0 : i32
      %dma_start3A_82 = tpu.memref_slice %arg9[%add3A_15, %dma_start3A_81] : memref<10240x48xf32, #tpu.memory_space<vmem_shared>> -> memref<128x48xf32, #tpu.memory_space<vmem_shared>>
      %dma_start3A_83 = arith.constant 0 : i32
      %dma_start3A_84 = tpu.memref_slice %arg9[%add3A_15, %dma_start3A_83] : memref<10240x48xf32, #tpu.memory_space<vmem_shared>> -> memref<128x48xf32, #tpu.memory_space<vmem_shared>>
      tpu.enqueue_dma source(%arg7 : memref<128x48xf32, #tpu.memory_space<vmem>>) target(%dma_start3A_84 : memref<128x48xf32, #tpu.memory_space<vmem_shared>>) target_semaphore(%run_scoped3A_80 : memref<!tpu.dma_semaphore, #tpu.memory_space<semaphore_mem>>)
      %dma_wait3A_85 = arith.constant 0 : i32
      %dma_wait3A_86 = tpu.memref_slice %arg9[%add3A_15, %dma_wait3A_85] : memref<10240x48xf32, #tpu.memory_space<vmem_shared>> -> memref<128x48xf32, #tpu.memory_space<vmem_shared>>
      %dma_wait3A_87 = arith.constant 0 : i32
      %dma_wait3A_88 = tpu.memref_slice %arg9[%add3A_15, %dma_wait3A_87] : memref<10240x48xf32, #tpu.memory_space<vmem_shared>> -> memref<128x48xf32, #tpu.memory_space<vmem_shared>>
      tpu.wait_dma2 semaphore(%run_scoped3A_80 : memref<!tpu.dma_semaphore, #tpu.memory_space<semaphore_mem>>) src(%arg7 : memref<128x48xf32, #tpu.memory_space<vmem>>) dst(%dma_wait3A_88 : memref<128x48xf32, #tpu.memory_space<vmem_shared>>)
      tpu.yield
    }) : () -> ()
    "tpu.region"() ({
      %run_scoped3A_80 = tpu.sem_alloc : memref<!tpu.dma_semaphore, #tpu.memory_space<semaphore_mem>>
      %dma_start3A_81 = arith.constant 0 : i32
      %dma_start3A_82 = tpu.memref_slice %arg2[%add3A_15, %dma_start3A_81] : memref<10240x48xf32, #tpu.memory_space<hbm>> -> memref<128x48xf32, #tpu.memory_space<hbm>>
      %dma_start3A_83 = arith.constant 0 : i32
      %dma_start3A_84 = tpu.memref_slice %arg2[%add3A_15, %dma_start3A_83] : memref<10240x48xf32, #tpu.memory_space<hbm>> -> memref<128x48xf32, #tpu.memory_space<hbm>>
      tpu.enqueue_dma source(%dma_start3A_84 : memref<128x48xf32, #tpu.memory_space<hbm>>) target(%arg8 : memref<128x48xf32, #tpu.memory_space<vmem>>) target_semaphore(%run_scoped3A_80 : memref<!tpu.dma_semaphore, #tpu.memory_space<semaphore_mem>>)
      %dma_wait3A_85 = arith.constant 0 : i32
      %dma_wait3A_86 = tpu.memref_slice %arg2[%add3A_15, %dma_wait3A_85] : memref<10240x48xf32, #tpu.memory_space<hbm>> -> memref<128x48xf32, #tpu.memory_space<hbm>>
      %dma_wait3A_87 = arith.constant 0 : i32
      %dma_wait3A_88 = tpu.memref_slice %arg2[%add3A_15, %dma_wait3A_87] : memref<10240x48xf32, #tpu.memory_space<hbm>> -> memref<128x48xf32, #tpu.memory_space<hbm>>
      tpu.wait_dma2 semaphore(%run_scoped3A_80 : memref<!tpu.dma_semaphore, #tpu.memory_space<semaphore_mem>>) src(%dma_wait3A_88 : memref<128x48xf32, #tpu.memory_space<hbm>>) dst(%arg8 : memref<128x48xf32, #tpu.memory_space<vmem>>)
      tpu.yield
    }) : () -> ()
    "tpu.region"() ({
      %run_scoped3A_80 = tpu.sem_alloc : memref<!tpu.dma_semaphore, #tpu.memory_space<semaphore_mem>>
      %dma_start3A_81 = arith.constant 0 : i32
      %dma_start3A_82 = tpu.memref_slice %arg10[%add3A_15, %dma_start3A_81] : memref<10240x48xf32, #tpu.memory_space<vmem_shared>> -> memref<128x48xf32, #tpu.memory_space<vmem_shared>>
      %dma_start3A_83 = arith.constant 0 : i32
      %dma_start3A_84 = tpu.memref_slice %arg10[%add3A_15, %dma_start3A_83] : memref<10240x48xf32, #tpu.memory_space<vmem_shared>> -> memref<128x48xf32, #tpu.memory_space<vmem_shared>>
      tpu.enqueue_dma source(%arg8 : memref<128x48xf32, #tpu.memory_space<vmem>>) target(%dma_start3A_84 : memref<128x48xf32, #tpu.memory_space<vmem_shared>>) target_semaphore(%run_scoped3A_80 : memref<!tpu.dma_semaphore, #tpu.memory_space<semaphore_mem>>)
      %dma_wait3A_85 = arith.constant 0 : i32
      %dma_wait3A_86 = tpu.memref_slice %arg10[%add3A_15, %dma_wait3A_85] : memref<10240x48xf32, #tpu.memory_space<vmem_shared>> -> memref<128x48xf32, #tpu.memory_space<vmem_shared>>
      %dma_wait3A_87 = arith.constant 0 : i32
      %dma_wait3A_88 = tpu.memref_slice %arg10[%add3A_15, %dma_wait3A_87] : memref<10240x48xf32, #tpu.memory_space<vmem_shared>> -> memref<128x48xf32, #tpu.memory_space<vmem_shared>>
      tpu.wait_dma2 semaphore(%run_scoped3A_80 : memref<!tpu.dma_semaphore, #tpu.memory_space<semaphore_mem>>) src(%arg8 : memref<128x48xf32, #tpu.memory_space<vmem>>) dst(%dma_wait3A_88 : memref<128x48xf32, #tpu.memory_space<vmem_shared>>)
      tpu.yield
    }) : () -> ()
    %mul3A_16 = arith.constant 640 : i32
    %mul3A_17 = arith.muli %arg1, %mul3A_16 : i32
    %add3A_18 = arith.constant 384 : i32
    %add3A_19 = arith.addi %mul3A_17, %add3A_18 : i32
    "tpu.region"() ({
      %run_scoped3A_80 = tpu.sem_alloc : memref<!tpu.dma_semaphore, #tpu.memory_space<semaphore_mem>>
      %dma_start3A_81 = arith.constant 0 : i32
      %dma_start3A_82 = tpu.memref_slice %arg9[%add3A_19, %dma_start3A_81] : memref<10240x48xf32, #tpu.memory_space<vmem_shared>> -> memref<128x48xf32, #tpu.memory_space<vmem_shared>>
      %dma_start3A_83 = arith.constant 0 : i32
      %dma_start3A_84 = tpu.memref_slice %arg9[%add3A_19, %dma_start3A_83] : memref<10240x48xf32, #tpu.memory_space<vmem_shared>> -> memref<128x48xf32, #tpu.memory_space<vmem_shared>>
      tpu.enqueue_dma source(%arg7 : memref<128x48xf32, #tpu.memory_space<vmem>>) target(%dma_start3A_84 : memref<128x48xf32, #tpu.memory_space<vmem_shared>>) target_semaphore(%run_scoped3A_80 : memref<!tpu.dma_semaphore, #tpu.memory_space<semaphore_mem>>)
      %dma_wait3A_85 = arith.constant 0 : i32
      %dma_wait3A_86 = tpu.memref_slice %arg9[%add3A_19, %dma_wait3A_85] : memref<10240x48xf32, #tpu.memory_space<vmem_shared>> -> memref<128x48xf32, #tpu.memory_space<vmem_shared>>
      %dma_wait3A_87 = arith.constant 0 : i32
      %dma_wait3A_88 = tpu.memref_slice %arg9[%add3A_19, %dma_wait3A_87] : memref<10240x48xf32, #tpu.memory_space<vmem_shared>> -> memref<128x48xf32, #tpu.memory_space<vmem_shared>>
      tpu.wait_dma2 semaphore(%run_scoped3A_80 : memref<!tpu.dma_semaphore, #tpu.memory_space<semaphore_mem>>) src(%arg7 : memref<128x48xf32, #tpu.memory_space<vmem>>) dst(%dma_wait3A_88 : memref<128x48xf32, #tpu.memory_space<vmem_shared>>)
      tpu.yield
    }) : () -> ()
    "tpu.region"() ({
      %run_scoped3A_80 = tpu.sem_alloc : memref<!tpu.dma_semaphore, #tpu.memory_space<semaphore_mem>>
      %dma_start3A_81 = arith.constant 0 : i32
      %dma_start3A_82 = tpu.memref_slice %arg2[%add3A_19, %dma_start3A_81] : memref<10240x48xf32, #tpu.memory_space<hbm>> -> memref<128x48xf32, #tpu.memory_space<hbm>>
      %dma_start3A_83 = arith.constant 0 : i32
      %dma_start3A_84 = tpu.memref_slice %arg2[%add3A_19, %dma_start3A_83] : memref<10240x48xf32, #tpu.memory_space<hbm>> -> memref<128x48xf32, #tpu.memory_space<hbm>>
      tpu.enqueue_dma source(%dma_start3A_84 : memref<128x48xf32, #tpu.memory_space<hbm>>) target(%arg8 : memref<128x48xf32, #tpu.memory_space<vmem>>) target_semaphore(%run_scoped3A_80 : memref<!tpu.dma_semaphore, #tpu.memory_space<semaphore_mem>>)
      %dma_wait3A_85 = arith.constant 0 : i32
      %dma_wait3A_86 = tpu.memref_slice %arg2[%add3A_19, %dma_wait3A_85] : memref<10240x48xf32, #tpu.memory_space<hbm>> -> memref<128x48xf32, #tpu.memory_space<hbm>>
      %dma_wait3A_87 = arith.constant 0 : i32
      %dma_wait3A_88 = tpu.memref_slice %arg2[%add3A_19, %dma_wait3A_87] : memref<10240x48xf32, #tpu.memory_space<hbm>> -> memref<128x48xf32, #tpu.memory_space<hbm>>
      tpu.wait_dma2 semaphore(%run_scoped3A_80 : memref<!tpu.dma_semaphore, #tpu.memory_space<semaphore_mem>>) src(%dma_wait3A_88 : memref<128x48xf32, #tpu.memory_space<hbm>>) dst(%arg8 : memref<128x48xf32, #tpu.memory_space<vmem>>)
      tpu.yield
    }) : () -> ()
    "tpu.region"() ({
      %run_scoped3A_80 = tpu.sem_alloc : memref<!tpu.dma_semaphore, #tpu.memory_space<semaphore_mem>>
      %dma_start3A_81 = arith.constant 0 : i32
      %dma_start3A_82 = tpu.memref_slice %arg10[%add3A_19, %dma_start3A_81] : memref<10240x48xf32, #tpu.memory_space<vmem_shared>> -> memref<128x48xf32, #tpu.memory_space<vmem_shared>>
      %dma_start3A_83 = arith.constant 0 : i32
      %dma_start3A_84 = tpu.memref_slice %arg10[%add3A_19, %dma_start3A_83] : memref<10240x48xf32, #tpu.memory_space<vmem_shared>> -> memref<128x48xf32, #tpu.memory_space<vmem_shared>>
      tpu.enqueue_dma source(%arg8 : memref<128x48xf32, #tpu.memory_space<vmem>>) target(%dma_start3A_84 : memref<128x48xf32, #tpu.memory_space<vmem_shared>>) target_semaphore(%run_scoped3A_80 : memref<!tpu.dma_semaphore, #tpu.memory_space<semaphore_mem>>)
      %dma_wait3A_85 = arith.constant 0 : i32
      %dma_wait3A_86 = tpu.memref_slice %arg10[%add3A_19, %dma_wait3A_85] : memref<10240x48xf32, #tpu.memory_space<vmem_shared>> -> memref<128x48xf32, #tpu.memory_space<vmem_shared>>
      %dma_wait3A_87 = arith.constant 0 : i32
      %dma_wait3A_88 = tpu.memref_slice %arg10[%add3A_19, %dma_wait3A_87] : memref<10240x48xf32, #tpu.memory_space<vmem_shared>> -> memref<128x48xf32, #tpu.memory_space<vmem_shared>>
      tpu.wait_dma2 semaphore(%run_scoped3A_80 : memref<!tpu.dma_semaphore, #tpu.memory_space<semaphore_mem>>) src(%arg8 : memref<128x48xf32, #tpu.memory_space<vmem>>) dst(%dma_wait3A_88 : memref<128x48xf32, #tpu.memory_space<vmem_shared>>)
      tpu.yield
    }) : () -> ()
    %mul3A_20 = arith.constant 640 : i32
    %mul3A_21 = arith.muli %arg1, %mul3A_20 : i32
    %add3A_22 = arith.constant 512 : i32
    %add3A_23 = arith.addi %mul3A_21, %add3A_22 : i32
    "tpu.region"() ({
      %run_scoped3A_80 = tpu.sem_alloc : memref<!tpu.dma_semaphore, #tpu.memory_space<semaphore_mem>>
      %dma_start3A_81 = arith.constant 0 : i32
      %dma_start3A_82 = tpu.memref_slice %arg9[%add3A_23, %dma_start3A_81] : memref<10240x48xf32, #tpu.memory_space<vmem_shared>> -> memref<128x48xf32, #tpu.memory_space<vmem_shared>>
      %dma_start3A_83 = arith.constant 0 : i32
      %dma_start3A_84 = tpu.memref_slice %arg9[%add3A_23, %dma_start3A_83] : memref<10240x48xf32, #tpu.memory_space<vmem_shared>> -> memref<128x48xf32, #tpu.memory_space<vmem_shared>>
      tpu.enqueue_dma source(%arg7 : memref<128x48xf32, #tpu.memory_space<vmem>>) target(%dma_start3A_84 : memref<128x48xf32, #tpu.memory_space<vmem_shared>>) target_semaphore(%run_scoped3A_80 : memref<!tpu.dma_semaphore, #tpu.memory_space<semaphore_mem>>)
      %dma_wait3A_85 = arith.constant 0 : i32
      %dma_wait3A_86 = tpu.memref_slice %arg9[%add3A_23, %dma_wait3A_85] : memref<10240x48xf32, #tpu.memory_space<vmem_shared>> -> memref<128x48xf32, #tpu.memory_space<vmem_shared>>
      %dma_wait3A_87 = arith.constant 0 : i32
      %dma_wait3A_88 = tpu.memref_slice %arg9[%add3A_23, %dma_wait3A_87] : memref<10240x48xf32, #tpu.memory_space<vmem_shared>> -> memref<128x48xf32, #tpu.memory_space<vmem_shared>>
      tpu.wait_dma2 semaphore(%run_scoped3A_80 : memref<!tpu.dma_semaphore, #tpu.memory_space<semaphore_mem>>) src(%arg7 : memref<128x48xf32, #tpu.memory_space<vmem>>) dst(%dma_wait3A_88 : memref<128x48xf32, #tpu.memory_space<vmem_shared>>)
      tpu.yield
    }) : () -> ()
    "tpu.region"() ({
      %run_scoped3A_80 = tpu.sem_alloc : memref<!tpu.dma_semaphore, #tpu.memory_space<semaphore_mem>>
      %dma_start3A_81 = arith.constant 0 : i32
      %dma_start3A_82 = tpu.memref_slice %arg2[%add3A_23, %dma_start3A_81] : memref<10240x48xf32, #tpu.memory_space<hbm>> -> memref<128x48xf32, #tpu.memory_space<hbm>>
      %dma_start3A_83 = arith.constant 0 : i32
      %dma_start3A_84 = tpu.memref_slice %arg2[%add3A_23, %dma_start3A_83] : memref<10240x48xf32, #tpu.memory_space<hbm>> -> memref<128x48xf32, #tpu.memory_space<hbm>>
      tpu.enqueue_dma source(%dma_start3A_84 : memref<128x48xf32, #tpu.memory_space<hbm>>) target(%arg8 : memref<128x48xf32, #tpu.memory_space<vmem>>) target_semaphore(%run_scoped3A_80 : memref<!tpu.dma_semaphore, #tpu.memory_space<semaphore_mem>>)
      %dma_wait3A_85 = arith.constant 0 : i32
      %dma_wait3A_86 = tpu.memref_slice %arg2[%add3A_23, %dma_wait3A_85] : memref<10240x48xf32, #tpu.memory_space<hbm>> -> memref<128x48xf32, #tpu.memory_space<hbm>>
      %dma_wait3A_87 = arith.constant 0 : i32
      %dma_wait3A_88 = tpu.memref_slice %arg2[%add3A_23, %dma_wait3A_87] : memref<10240x48xf32, #tpu.memory_space<hbm>> -> memref<128x48xf32, #tpu.memory_space<hbm>>
      tpu.wait_dma2 semaphore(%run_scoped3A_80 : memref<!tpu.dma_semaphore, #tpu.memory_space<semaphore_mem>>) src(%dma_wait3A_88 : memref<128x48xf32, #tpu.memory_space<hbm>>) dst(%arg8 : memref<128x48xf32, #tpu.memory_space<vmem>>)
      tpu.yield
    }) : () -> ()
    "tpu.region"() ({
      %run_scoped3A_80 = tpu.sem_alloc : memref<!tpu.dma_semaphore, #tpu.memory_space<semaphore_mem>>
      %dma_start3A_81 = arith.constant 0 : i32
      %dma_start3A_82 = tpu.memref_slice %arg10[%add3A_23, %dma_start3A_81] : memref<10240x48xf32, #tpu.memory_space<vmem_shared>> -> memref<128x48xf32, #tpu.memory_space<vmem_shared>>
      %dma_start3A_83 = arith.constant 0 : i32
      %dma_start3A_84 = tpu.memref_slice %arg10[%add3A_23, %dma_start3A_83] : memref<10240x48xf32, #tpu.memory_space<vmem_shared>> -> memref<128x48xf32, #tpu.memory_space<vmem_shared>>
      tpu.enqueue_dma source(%arg8 : memref<128x48xf32, #tpu.memory_space<vmem>>) target(%dma_start3A_84 : memref<128x48xf32, #tpu.memory_space<vmem_shared>>) target_semaphore(%run_scoped3A_80 : memref<!tpu.dma_semaphore, #tpu.memory_space<semaphore_mem>>)
      %dma_wait3A_85 = arith.constant 0 : i32
      %dma_wait3A_86 = tpu.memref_slice %arg10[%add3A_23, %dma_wait3A_85] : memref<10240x48xf32, #tpu.memory_space<vmem_shared>> -> memref<128x48xf32, #tpu.memory_space<vmem_shared>>
      %dma_wait3A_87 = arith.constant 0 : i32
      %dma_wait3A_88 = tpu.memref_slice %arg10[%add3A_23, %dma_wait3A_87] : memref<10240x48xf32, #tpu.memory_space<vmem_shared>> -> memref<128x48xf32, #tpu.memory_space<vmem_shared>>
      tpu.wait_dma2 semaphore(%run_scoped3A_80 : memref<!tpu.dma_semaphore, #tpu.memory_space<semaphore_mem>>) src(%arg8 : memref<128x48xf32, #tpu.memory_space<vmem>>) dst(%dma_wait3A_88 : memref<128x48xf32, #tpu.memory_space<vmem_shared>>)
      tpu.yield
    }) : () -> ()
    %barrier3A = arith.constant 0 : index
    tpu.barrier barrier_id(%barrier3A)
    %mul3A_24 = arith.constant 16 : i32
    %mul3A_25 = arith.muli %arg0, %mul3A_24 : i32
    %add3A_26 = arith.addi %mul3A_25, %arg1 : i32
    %mul3A_27 = arith.constant 78 : i32
    %mul3A_28 = arith.muli %add3A_26, %mul3A_27 : i32
    %run_scoped3A = arith.constant 0 : i32
    "tpu.region"() ({
      %run_scoped3A_80 = tpu.sem_alloc : memref<!tpu.dma_semaphore, #tpu.memory_space<semaphore_mem>>
      %dma_start3A_81 = arith.constant 0 : i32
      %dma_start3A_82 = tpu.memref_slice %arg3[%run_scoped3A, %mul3A_28, %dma_start3A_81] : memref<2x2500x128xi32, #tpu.memory_space<hbm>> -> memref<1x78x128xi32, #tpu.memory_space<hbm>>
      %dma_start3A_83 = tpu.memref_squeeze %dma_start3A_82 : memref<1x78x128xi32, #tpu.memory_space<hbm>> -> memref<78x128xi32, #tpu.memory_space<hbm>>
      %dma_start3A_84 = arith.constant 0 : i32
      %dma_start3A_85 = tpu.memref_slice %arg3[%run_scoped3A, %mul3A_28, %dma_start3A_84] : memref<2x2500x128xi32, #tpu.memory_space<hbm>> -> memref<1x78x128xi32, #tpu.memory_space<hbm>>
      %dma_start3A_86 = tpu.memref_squeeze %dma_start3A_85 : memref<1x78x128xi32, #tpu.memory_space<hbm>> -> memref<78x128xi32, #tpu.memory_space<hbm>>
      tpu.enqueue_dma source(%dma_start3A_86 : memref<78x128xi32, #tpu.memory_space<hbm>>) target(%arg5 : memref<78x128xi32, #tpu.memory_space<vmem>>) target_semaphore(%run_scoped3A_80 : memref<!tpu.dma_semaphore, #tpu.memory_space<semaphore_mem>>)
      %dma_wait3A_87 = arith.constant 0 : i32
      %dma_wait3A_88 = tpu.memref_slice %arg3[%run_scoped3A, %mul3A_28, %dma_wait3A_87] : memref<2x2500x128xi32, #tpu.memory_space<hbm>> -> memref<1x78x128xi32, #tpu.memory_space<hbm>>
      %dma_wait3A_89 = tpu.memref_squeeze %dma_wait3A_88 : memref<1x78x128xi32, #tpu.memory_space<hbm>> -> memref<78x128xi32, #tpu.memory_space<hbm>>
      %dma_wait3A_90 = arith.constant 0 : i32
      %dma_wait3A_91 = tpu.memref_slice %arg3[%run_scoped3A, %mul3A_28, %dma_wait3A_90] : memref<2x2500x128xi32, #tpu.memory_space<hbm>> -> memref<1x78x128xi32, #tpu.memory_space<hbm>>
      %dma_wait3A_92 = tpu.memref_squeeze %dma_wait3A_91 : memref<1x78x128xi32, #tpu.memory_space<hbm>> -> memref<78x128xi32, #tpu.memory_space<hbm>>
      tpu.wait_dma2 semaphore(%run_scoped3A_80 : memref<!tpu.dma_semaphore, #tpu.memory_space<semaphore_mem>>) src(%dma_wait3A_92 : memref<78x128xi32, #tpu.memory_space<hbm>>) dst(%arg5 : memref<78x128xi32, #tpu.memory_space<vmem>>)
      tpu.yield
    }) : () -> ()
    %run_scoped3A_29 = arith.constant 1 : i32
    "tpu.region"() ({
      %run_scoped3A_80 = tpu.sem_alloc : memref<!tpu.dma_semaphore, #tpu.memory_space<semaphore_mem>>
      %dma_start3A_81 = arith.constant 0 : i32
      %dma_start3A_82 = tpu.memref_slice %arg3[%run_scoped3A_29, %mul3A_28, %dma_start3A_81] : memref<2x2500x128xi32, #tpu.memory_space<hbm>> -> memref<1x78x128xi32, #tpu.memory_space<hbm>>
      %dma_start3A_83 = tpu.memref_squeeze %dma_start3A_82 : memref<1x78x128xi32, #tpu.memory_space<hbm>> -> memref<78x128xi32, #tpu.memory_space<hbm>>
      %dma_start3A_84 = arith.constant 0 : i32
      %dma_start3A_85 = tpu.memref_slice %arg3[%run_scoped3A_29, %mul3A_28, %dma_start3A_84] : memref<2x2500x128xi32, #tpu.memory_space<hbm>> -> memref<1x78x128xi32, #tpu.memory_space<hbm>>
      %dma_start3A_86 = tpu.memref_squeeze %dma_start3A_85 : memref<1x78x128xi32, #tpu.memory_space<hbm>> -> memref<78x128xi32, #tpu.memory_space<hbm>>
      tpu.enqueue_dma source(%dma_start3A_86 : memref<78x128xi32, #tpu.memory_space<hbm>>) target(%arg6 : memref<78x128xi32, #tpu.memory_space<vmem>>) target_semaphore(%run_scoped3A_80 : memref<!tpu.dma_semaphore, #tpu.memory_space<semaphore_mem>>)
      %dma_wait3A_87 = arith.constant 0 : i32
      %dma_wait3A_88 = tpu.memref_slice %arg3[%run_scoped3A_29, %mul3A_28, %dma_wait3A_87] : memref<2x2500x128xi32, #tpu.memory_space<hbm>> -> memref<1x78x128xi32, #tpu.memory_space<hbm>>
      %dma_wait3A_89 = tpu.memref_squeeze %dma_wait3A_88 : memref<1x78x128xi32, #tpu.memory_space<hbm>> -> memref<78x128xi32, #tpu.memory_space<hbm>>
      %dma_wait3A_90 = arith.constant 0 : i32
      %dma_wait3A_91 = tpu.memref_slice %arg3[%run_scoped3A_29, %mul3A_28, %dma_wait3A_90] : memref<2x2500x128xi32, #tpu.memory_space<hbm>> -> memref<1x78x128xi32, #tpu.memory_space<hbm>>
      %dma_wait3A_92 = tpu.memref_squeeze %dma_wait3A_91 : memref<1x78x128xi32, #tpu.memory_space<hbm>> -> memref<78x128xi32, #tpu.memory_space<hbm>>
      tpu.wait_dma2 semaphore(%run_scoped3A_80 : memref<!tpu.dma_semaphore, #tpu.memory_space<semaphore_mem>>) src(%dma_wait3A_92 : memref<78x128xi32, #tpu.memory_space<hbm>>) dst(%arg6 : memref<78x128xi32, #tpu.memory_space<vmem>>)
      tpu.yield
    }) : () -> ()
    %dma_start3A = arith.constant 0 : i32
    %dma_start3A_30 = arith.constant 0 : i32
    %dma_start3A_31 = tpu.memref_slice %arg5[%dma_start3A, %dma_start3A_30] : memref<78x128xi32, #tpu.memory_space<vmem>> -> memref<1x128xi32, #tpu.memory_space<vmem>>
    %dma_start3A_32 = tpu.memref_squeeze %dma_start3A_31 : memref<1x128xi32, #tpu.memory_space<vmem>> -> memref<128xi32, #tpu.memory_space<vmem>>
    %dma_start3A_33 = arith.constant 0 : i32
    %dma_start3A_34 = arith.constant 0 : i32
    %dma_start3A_35 = tpu.memref_slice %arg10[%dma_start3A_33, %dma_start3A_34] : memref<10240x48xf32, #tpu.memory_space<vmem_shared>> -> memref<10240x48xf32, #tpu.memory_space<vmem_shared>>
    tpu.enqueue_indirect_dma source(%dma_start3A_35 : memref<10240x48xf32, #tpu.memory_space<vmem_shared>>) target(%arg7 : memref<128x48xf32, #tpu.memory_space<vmem>>) offsets(%dma_start3A_32 : memref<128xi32, #tpu.memory_space<vmem>>) semaphore(%arg11 : memref<!tpu.dma_semaphore, #tpu.memory_space<semaphore_mem>>)
    %scan3A_36 = arith.constant 0 : i32
    %scan3A_37 = arith.constant 0 : i32
    %scan3A_38 = arith.constant 39 : i32
    %scan3A_39 = arith.addi %scan3A_37, %scan3A_38 : i32
    %scan3A_40 = arith.constant 1 : i32
    %scan3A_41 = scf.for %scan3A_80 = %scan3A_37 to %scan3A_39 step %scan3A_40 iter_args(%scan3A_81 = %scan3A_36) -> (i32)  : i32 {
      %mul3A_82 = arith.constant 2 : i32
      %mul3A_83 = arith.muli %mul3A_82, %scan3A_80 : i32
      %ne3A = arith.constant 0 : i32
      %ne3A_84 = arith.cmpi ne, %scan3A_80, %ne3A : i32
      %convert_element_type3A_85 = arith.extui %ne3A_84 : i1 to i32
      %cond3A_86 = arith.constant 0 : i32
      %cond3A_87 = arith.cmpi ne, %convert_element_type3A_85, %cond3A_86 : i32
      scf.if %cond3A_87 {
        %dma_wait3A_130 = arith.constant 0 : i32
        %dma_wait3A_131 = tpu.memref_slice %arg6[%mul3A_83, %dma_wait3A_130] : memref<78x128xi32, #tpu.memory_space<vmem>> -> memref<1x128xi32, #tpu.memory_space<vmem>>
        %dma_wait3A_132 = tpu.memref_squeeze %dma_wait3A_131 : memref<1x128xi32, #tpu.memory_space<vmem>> -> memref<128xi32, #tpu.memory_space<vmem>>
        %dma_wait3A_133 = arith.constant 0 : i32
        %dma_wait3A_134 = arith.constant 0 : i32
        %dma_wait3A_135 = tpu.memref_slice %arg9[%dma_wait3A_133, %dma_wait3A_134] : memref<10240x48xf32, #tpu.memory_space<vmem_shared>> -> memref<10240x48xf32, #tpu.memory_space<vmem_shared>>
        tpu.wait_indirect_dma semaphore(%arg14 : memref<!tpu.dma_semaphore, #tpu.memory_space<semaphore_mem>>) src(%arg8 : memref<128x48xf32, #tpu.memory_space<vmem>>) dst(%dma_wait3A_135 : memref<10240x48xf32, #tpu.memory_space<vmem_shared>>)
      } else {
      }
      %add3A_88 = arith.constant 1 : i32
      %add3A_89 = arith.addi %mul3A_83, %add3A_88 : i32
      %dma_start3A_90 = arith.constant 0 : i32
      %dma_start3A_91 = tpu.memref_slice %arg5[%add3A_89, %dma_start3A_90] : memref<78x128xi32, #tpu.memory_space<vmem>> -> memref<1x128xi32, #tpu.memory_space<vmem>>
      %dma_start3A_92 = tpu.memref_squeeze %dma_start3A_91 : memref<1x128xi32, #tpu.memory_space<vmem>> -> memref<128xi32, #tpu.memory_space<vmem>>
      %dma_start3A_93 = arith.constant 0 : i32
      %dma_start3A_94 = arith.constant 0 : i32
      %dma_start3A_95 = tpu.memref_slice %arg10[%dma_start3A_93, %dma_start3A_94] : memref<10240x48xf32, #tpu.memory_space<vmem_shared>> -> memref<10240x48xf32, #tpu.memory_space<vmem_shared>>
      tpu.enqueue_indirect_dma source(%dma_start3A_95 : memref<10240x48xf32, #tpu.memory_space<vmem_shared>>) target(%arg8 : memref<128x48xf32, #tpu.memory_space<vmem>>) offsets(%dma_start3A_92 : memref<128xi32, #tpu.memory_space<vmem>>) semaphore(%arg12 : memref<!tpu.dma_semaphore, #tpu.memory_space<semaphore_mem>>)
      %dma_wait3A_96 = arith.constant 0 : i32
      %dma_wait3A_97 = tpu.memref_slice %arg5[%mul3A_83, %dma_wait3A_96] : memref<78x128xi32, #tpu.memory_space<vmem>> -> memref<1x128xi32, #tpu.memory_space<vmem>>
      %dma_wait3A_98 = tpu.memref_squeeze %dma_wait3A_97 : memref<1x128xi32, #tpu.memory_space<vmem>> -> memref<128xi32, #tpu.memory_space<vmem>>
      %dma_wait3A_99 = arith.constant 0 : i32
      %dma_wait3A_100 = arith.constant 0 : i32
      %dma_wait3A_101 = tpu.memref_slice %arg10[%dma_wait3A_99, %dma_wait3A_100] : memref<10240x48xf32, #tpu.memory_space<vmem_shared>> -> memref<10240x48xf32, #tpu.memory_space<vmem_shared>>
      tpu.wait_indirect_dma semaphore(%arg11 : memref<!tpu.dma_semaphore, #tpu.memory_space<semaphore_mem>>) src(%dma_wait3A_101 : memref<10240x48xf32, #tpu.memory_space<vmem_shared>>) dst(%arg7 : memref<128x48xf32, #tpu.memory_space<vmem>>)
      %dma_start3A_102 = arith.constant 0 : i32
      %dma_start3A_103 = tpu.memref_slice %arg6[%mul3A_83, %dma_start3A_102] : memref<78x128xi32, #tpu.memory_space<vmem>> -> memref<1x128xi32, #tpu.memory_space<vmem>>
      %dma_start3A_104 = tpu.memref_squeeze %dma_start3A_103 : memref<1x128xi32, #tpu.memory_space<vmem>> -> memref<128xi32, #tpu.memory_space<vmem>>
      %dma_start3A_105 = arith.constant 0 : i32
      %dma_start3A_106 = arith.constant 0 : i32
      %dma_start3A_107 = tpu.memref_slice %arg9[%dma_start3A_105, %dma_start3A_106] : memref<10240x48xf32, #tpu.memory_space<vmem_shared>> -> memref<10240x48xf32, #tpu.memory_space<vmem_shared>>
      tpu.enqueue_indirect_dma source(%arg7 : memref<128x48xf32, #tpu.memory_space<vmem>>) target(%dma_start3A_107 : memref<10240x48xf32, #tpu.memory_space<vmem_shared>>) offsets(%dma_start3A_104 : memref<128xi32, #tpu.memory_space<vmem>>) semaphore(%arg13 : memref<!tpu.dma_semaphore, #tpu.memory_space<semaphore_mem>>) {add = true}
      %ne3A_108 = arith.constant 38 : i32
      %ne3A_109 = arith.cmpi ne, %scan3A_80, %ne3A_108 : i32
      %convert_element_type3A_110 = arith.extui %ne3A_109 : i1 to i32
      %cond3A_111 = arith.constant 0 : i32
      %cond3A_112 = arith.cmpi ne, %convert_element_type3A_110, %cond3A_111 : i32
      scf.if %cond3A_112 {
        %dma_wait3A_130 = arith.constant 0 : i32
        %dma_wait3A_131 = tpu.memref_slice %arg6[%mul3A_83, %dma_wait3A_130] : memref<78x128xi32, #tpu.memory_space<vmem>> -> memref<1x128xi32, #tpu.memory_space<vmem>>
        %dma_wait3A_132 = tpu.memref_squeeze %dma_wait3A_131 : memref<1x128xi32, #tpu.memory_space<vmem>> -> memref<128xi32, #tpu.memory_space<vmem>>
        %dma_wait3A_133 = arith.constant 0 : i32
        %dma_wait3A_134 = arith.constant 0 : i32
        %dma_wait3A_135 = tpu.memref_slice %arg9[%dma_wait3A_133, %dma_wait3A_134] : memref<10240x48xf32, #tpu.memory_space<vmem_shared>> -> memref<10240x48xf32, #tpu.memory_space<vmem_shared>>
        tpu.wait_indirect_dma semaphore(%arg13 : memref<!tpu.dma_semaphore, #tpu.memory_space<semaphore_mem>>) src(%arg7 : memref<128x48xf32, #tpu.memory_space<vmem>>) dst(%dma_wait3A_135 : memref<10240x48xf32, #tpu.memory_space<vmem_shared>>)
        %add3A_136 = arith.constant 2 : i32
        %add3A_137 = arith.addi %mul3A_83, %add3A_136 : i32
        %dma_start3A_138 = arith.constant 0 : i32
        %dma_start3A_139 = tpu.memref_slice %arg5[%add3A_137, %dma_start3A_138] : memref<78x128xi32, #tpu.memory_space<vmem>> -> memref<1x128xi32, #tpu.memory_space<vmem>>
        %dma_start3A_140 = tpu.memref_squeeze %dma_start3A_139 : memref<1x128xi32, #tpu.memory_space<vmem>> -> memref<128xi32, #tpu.memory_space<vmem>>
        %dma_start3A_141 = arith.constant 0 : i32
        %dma_start3A_142 = arith.constant 0 : i32
        %dma_start3A_143 = tpu.memref_slice %arg10[%dma_start3A_141, %dma_start3A_142] : memref<10240x48xf32, #tpu.memory_space<vmem_shared>> -> memref<10240x48xf32, #tpu.memory_space<vmem_shared>>
        tpu.enqueue_indirect_dma source(%dma_start3A_143 : memref<10240x48xf32, #tpu.memory_space<vmem_shared>>) target(%arg7 : memref<128x48xf32, #tpu.memory_space<vmem>>) offsets(%dma_start3A_140 : memref<128xi32, #tpu.memory_space<vmem>>) semaphore(%arg11 : memref<!tpu.dma_semaphore, #tpu.memory_space<semaphore_mem>>)
      } else {
      }
      %add3A_113 = arith.constant 1 : i32
      %add3A_114 = arith.addi %mul3A_83, %add3A_113 : i32
      %dma_wait3A_115 = arith.constant 0 : i32
      %dma_wait3A_116 = tpu.memref_slice %arg5[%add3A_114, %dma_wait3A_115] : memref<78x128xi32, #tpu.memory_space<vmem>> -> memref<1x128xi32, #tpu.memory_space<vmem>>
      %dma_wait3A_117 = tpu.memref_squeeze %dma_wait3A_116 : memref<1x128xi32, #tpu.memory_space<vmem>> -> memref<128xi32, #tpu.memory_space<vmem>>
      %dma_wait3A_118 = arith.constant 0 : i32
      %dma_wait3A_119 = arith.constant 0 : i32
      %dma_wait3A_120 = tpu.memref_slice %arg10[%dma_wait3A_118, %dma_wait3A_119] : memref<10240x48xf32, #tpu.memory_space<vmem_shared>> -> memref<10240x48xf32, #tpu.memory_space<vmem_shared>>
      tpu.wait_indirect_dma semaphore(%arg12 : memref<!tpu.dma_semaphore, #tpu.memory_space<semaphore_mem>>) src(%dma_wait3A_120 : memref<10240x48xf32, #tpu.memory_space<vmem_shared>>) dst(%arg8 : memref<128x48xf32, #tpu.memory_space<vmem>>)
      %add3A_121 = arith.constant 1 : i32
      %add3A_122 = arith.addi %mul3A_83, %add3A_121 : i32
      %dma_start3A_123 = arith.constant 0 : i32
      %dma_start3A_124 = tpu.memref_slice %arg6[%add3A_122, %dma_start3A_123] : memref<78x128xi32, #tpu.memory_space<vmem>> -> memref<1x128xi32, #tpu.memory_space<vmem>>
      %dma_start3A_125 = tpu.memref_squeeze %dma_start3A_124 : memref<1x128xi32, #tpu.memory_space<vmem>> -> memref<128xi32, #tpu.memory_space<vmem>>
      %dma_start3A_126 = arith.constant 0 : i32
      %dma_start3A_127 = arith.constant 0 : i32
      %dma_start3A_128 = tpu.memref_slice %arg9[%dma_start3A_126, %dma_start3A_127] : memref<10240x48xf32, #tpu.memory_space<vmem_shared>> -> memref<10240x48xf32, #tpu.memory_space<vmem_shared>>
      tpu.enqueue_indirect_dma source(%arg8 : memref<128x48xf32, #tpu.memory_space<vmem>>) target(%dma_start3A_128 : memref<10240x48xf32, #tpu.memory_space<vmem_shared>>) offsets(%dma_start3A_125 : memref<128xi32, #tpu.memory_space<vmem>>) semaphore(%arg14 : memref<!tpu.dma_semaphore, #tpu.memory_space<semaphore_mem>>) {add = true}
      %scan3A_129 = arith.constant 0 : i32
      scf.yield %scan3A_129 : i32
    }
    %scan3A_42 = arith.constant 39 : i32
    %dma_wait3A = arith.constant 0 : i32
    %dma_wait3A_43 = arith.constant 0 : i32
    %dma_wait3A_44 = tpu.memref_slice %arg6[%dma_wait3A, %dma_wait3A_43] : memref<78x128xi32, #tpu.memory_space<vmem>> -> memref<1x128xi32, #tpu.memory_space<vmem>>
    %dma_wait3A_45 = tpu.memref_squeeze %dma_wait3A_44 : memref<1x128xi32, #tpu.memory_space<vmem>> -> memref<128xi32, #tpu.memory_space<vmem>>
    %dma_wait3A_46 = arith.constant 0 : i32
    %dma_wait3A_47 = arith.constant 0 : i32
    %dma_wait3A_48 = tpu.memref_slice %arg9[%dma_wait3A_46, %dma_wait3A_47] : memref<10240x48xf32, #tpu.memory_space<vmem_shared>> -> memref<10240x48xf32, #tpu.memory_space<vmem_shared>>
    tpu.wait_indirect_dma semaphore(%arg13 : memref<!tpu.dma_semaphore, #tpu.memory_space<semaphore_mem>>) src(%arg7 : memref<128x48xf32, #tpu.memory_space<vmem>>) dst(%dma_wait3A_48 : memref<10240x48xf32, #tpu.memory_space<vmem_shared>>)
    %dma_wait3A_49 = arith.constant 0 : i32
    %dma_wait3A_50 = arith.constant 0 : i32
    %dma_wait3A_51 = tpu.memref_slice %arg6[%dma_wait3A_49, %dma_wait3A_50] : memref<78x128xi32, #tpu.memory_space<vmem>> -> memref<1x128xi32, #tpu.memory_space<vmem>>
    %dma_wait3A_52 = tpu.memref_squeeze %dma_wait3A_51 : memref<1x128xi32, #tpu.memory_space<vmem>> -> memref<128xi32, #tpu.memory_space<vmem>>
    %dma_wait3A_53 = arith.constant 0 : i32
    %dma_wait3A_54 = arith.constant 0 : i32
    %dma_wait3A_55 = tpu.memref_slice %arg9[%dma_wait3A_53, %dma_wait3A_54] : memref<10240x48xf32, #tpu.memory_space<vmem_shared>> -> memref<10240x48xf32, #tpu.memory_space<vmem_shared>>
    tpu.wait_indirect_dma semaphore(%arg14 : memref<!tpu.dma_semaphore, #tpu.memory_space<semaphore_mem>>) src(%arg8 : memref<128x48xf32, #tpu.memory_space<vmem>>) dst(%dma_wait3A_55 : memref<10240x48xf32, #tpu.memory_space<vmem_shared>>)
    %eq3A = arith.constant 0 : i32
    %eq3A_56 = arith.cmpi eq, %arg0, %eq3A : i32
    %lt3A = arith.constant 4 : i32
    %lt3A_57 = arith.cmpi slt, %arg1, %lt3A : i32
    %and3A = arith.andi %eq3A_56, %lt3A_57 : i1
    %convert_element_type3A = arith.extui %and3A : i1 to i32
    %cond3A = arith.constant 0 : i32
    %cond3A_58 = arith.cmpi ne, %convert_element_type3A, %cond3A : i32
    scf.if %cond3A_58 {
      %add3A_80 = arith.constant 2496 : i32
      %add3A_81 = arith.addi %add3A_80, %arg1 : i32
      %run_scoped3A_82 = arith.constant 0 : i32
      "tpu.region"() ({
        %run_scoped3A_88 = tpu.sem_alloc : memref<!tpu.dma_semaphore, #tpu.memory_space<semaphore_mem>>
        %dma_start3A_89 = arith.constant 0 : i32
        %dma_start3A_90 = arith.constant 0 : i32
        %dma_start3A_91 = tpu.memref_slice %arg5[%dma_start3A_89, %dma_start3A_90] : memref<78x128xi32, #tpu.memory_space<vmem>> -> memref<1x128xi32, #tpu.memory_space<vmem>>
        %dma_start3A_92 = arith.constant 0 : i32
        %dma_start3A_93 = tpu.memref_slice %arg3[%run_scoped3A_82, %add3A_81, %dma_start3A_92] : memref<2x2500x128xi32, #tpu.memory_space<hbm>> -> memref<1x1x128xi32, #tpu.memory_space<hbm>>
        %dma_start3A_94 = tpu.memref_squeeze %dma_start3A_93 : memref<1x1x128xi32, #tpu.memory_space<hbm>> -> memref<1x128xi32, #tpu.memory_space<hbm>>
        %dma_start3A_95 = arith.constant 0 : i32
        %dma_start3A_96 = arith.constant 0 : i32
        %dma_start3A_97 = tpu.memref_slice %arg5[%dma_start3A_95, %dma_start3A_96] : memref<78x128xi32, #tpu.memory_space<vmem>> -> memref<1x128xi32, #tpu.memory_space<vmem>>
        %dma_start3A_98 = arith.constant 0 : i32
        %dma_start3A_99 = tpu.memref_slice %arg3[%run_scoped3A_82, %add3A_81, %dma_start3A_98] : memref<2x2500x128xi32, #tpu.memory_space<hbm>> -> memref<1x1x128xi32, #tpu.memory_space<hbm>>
        %dma_start3A_100 = tpu.memref_squeeze %dma_start3A_99 : memref<1x1x128xi32, #tpu.memory_space<hbm>> -> memref<1x128xi32, #tpu.memory_space<hbm>>
        tpu.enqueue_dma source(%dma_start3A_100 : memref<1x128xi32, #tpu.memory_space<hbm>>) target(%dma_start3A_97 : memref<1x128xi32, #tpu.memory_space<vmem>>) target_semaphore(%run_scoped3A_88 : memref<!tpu.dma_semaphore, #tpu.memory_space<semaphore_mem>>)
        %dma_wait3A_101 = arith.constant 0 : i32
        %dma_wait3A_102 = arith.constant 0 : i32
        %dma_wait3A_103 = tpu.memref_slice %arg5[%dma_wait3A_101, %dma_wait3A_102] : memref<78x128xi32, #tpu.memory_space<vmem>> -> memref<1x128xi32, #tpu.memory_space<vmem>>
        %dma_wait3A_104 = arith.constant 0 : i32
        %dma_wait3A_105 = tpu.memref_slice %arg3[%run_scoped3A_82, %add3A_81, %dma_wait3A_104] : memref<2x2500x128xi32, #tpu.memory_space<hbm>> -> memref<1x1x128xi32, #tpu.memory_space<hbm>>
        %dma_wait3A_106 = tpu.memref_squeeze %dma_wait3A_105 : memref<1x1x128xi32, #tpu.memory_space<hbm>> -> memref<1x128xi32, #tpu.memory_space<hbm>>
        %dma_wait3A_107 = arith.constant 0 : i32
        %dma_wait3A_108 = arith.constant 0 : i32
        %dma_wait3A_109 = tpu.memref_slice %arg5[%dma_wait3A_107, %dma_wait3A_108] : memref<78x128xi32, #tpu.memory_space<vmem>> -> memref<1x128xi32, #tpu.memory_space<vmem>>
        %dma_wait3A_110 = arith.constant 0 : i32
        %dma_wait3A_111 = tpu.memref_slice %arg3[%run_scoped3A_82, %add3A_81, %dma_wait3A_110] : memref<2x2500x128xi32, #tpu.memory_space<hbm>> -> memref<1x1x128xi32, #tpu.memory_space<hbm>>
        %dma_wait3A_112 = tpu.memref_squeeze %dma_wait3A_111 : memref<1x1x128xi32, #tpu.memory_space<hbm>> -> memref<1x128xi32, #tpu.memory_space<hbm>>
        tpu.wait_dma2 semaphore(%run_scoped3A_88 : memref<!tpu.dma_semaphore, #tpu.memory_space<semaphore_mem>>) src(%dma_wait3A_112 : memref<1x128xi32, #tpu.memory_space<hbm>>) dst(%dma_wait3A_109 : memref<1x128xi32, #tpu.memory_space<vmem>>)
        tpu.yield
      }) : () -> ()
      %add3A_83 = arith.constant 2496 : i32
      %add3A_84 = arith.addi %add3A_83, %arg1 : i32
      %run_scoped3A_85 = arith.constant 1 : i32
      "tpu.region"() ({
        %run_scoped3A_88 = tpu.sem_alloc : memref<!tpu.dma_semaphore, #tpu.memory_space<semaphore_mem>>
        %dma_start3A_89 = arith.constant 0 : i32
        %dma_start3A_90 = arith.constant 0 : i32
        %dma_start3A_91 = tpu.memref_slice %arg6[%dma_start3A_89, %dma_start3A_90] : memref<78x128xi32, #tpu.memory_space<vmem>> -> memref<1x128xi32, #tpu.memory_space<vmem>>
        %dma_start3A_92 = arith.constant 0 : i32
        %dma_start3A_93 = tpu.memref_slice %arg3[%run_scoped3A_85, %add3A_84, %dma_start3A_92] : memref<2x2500x128xi32, #tpu.memory_space<hbm>> -> memref<1x1x128xi32, #tpu.memory_space<hbm>>
        %dma_start3A_94 = tpu.memref_squeeze %dma_start3A_93 : memref<1x1x128xi32, #tpu.memory_space<hbm>> -> memref<1x128xi32, #tpu.memory_space<hbm>>
        %dma_start3A_95 = arith.constant 0 : i32
        %dma_start3A_96 = arith.constant 0 : i32
        %dma_start3A_97 = tpu.memref_slice %arg6[%dma_start3A_95, %dma_start3A_96] : memref<78x128xi32, #tpu.memory_space<vmem>> -> memref<1x128xi32, #tpu.memory_space<vmem>>
        %dma_start3A_98 = arith.constant 0 : i32
        %dma_start3A_99 = tpu.memref_slice %arg3[%run_scoped3A_85, %add3A_84, %dma_start3A_98] : memref<2x2500x128xi32, #tpu.memory_space<hbm>> -> memref<1x1x128xi32, #tpu.memory_space<hbm>>
        %dma_start3A_100 = tpu.memref_squeeze %dma_start3A_99 : memref<1x1x128xi32, #tpu.memory_space<hbm>> -> memref<1x128xi32, #tpu.memory_space<hbm>>
        tpu.enqueue_dma source(%dma_start3A_100 : memref<1x128xi32, #tpu.memory_space<hbm>>) target(%dma_start3A_97 : memref<1x128xi32, #tpu.memory_space<vmem>>) target_semaphore(%run_scoped3A_88 : memref<!tpu.dma_semaphore, #tpu.memory_space<semaphore_mem>>)
        %dma_wait3A_101 = arith.constant 0 : i32
        %dma_wait3A_102 = arith.constant 0 : i32
        %dma_wait3A_103 = tpu.memref_slice %arg6[%dma_wait3A_101, %dma_wait3A_102] : memref<78x128xi32, #tpu.memory_space<vmem>> -> memref<1x128xi32, #tpu.memory_space<vmem>>
        %dma_wait3A_104 = arith.constant 0 : i32
        %dma_wait3A_105 = tpu.memref_slice %arg3[%run_scoped3A_85, %add3A_84, %dma_wait3A_104] : memref<2x2500x128xi32, #tpu.memory_space<hbm>> -> memref<1x1x128xi32, #tpu.memory_space<hbm>>
        %dma_wait3A_106 = tpu.memref_squeeze %dma_wait3A_105 : memref<1x1x128xi32, #tpu.memory_space<hbm>> -> memref<1x128xi32, #tpu.memory_space<hbm>>
        %dma_wait3A_107 = arith.constant 0 : i32
        %dma_wait3A_108 = arith.constant 0 : i32
        %dma_wait3A_109 = tpu.memref_slice %arg6[%dma_wait3A_107, %dma_wait3A_108] : memref<78x128xi32, #tpu.memory_space<vmem>> -> memref<1x128xi32, #tpu.memory_space<vmem>>
        %dma_wait3A_110 = arith.constant 0 : i32
        %dma_wait3A_111 = tpu.memref_slice %arg3[%run_scoped3A_85, %add3A_84, %dma_wait3A_110] : memref<2x2500x128xi32, #tpu.memory_space<hbm>> -> memref<1x1x128xi32, #tpu.memory_space<hbm>>
        %dma_wait3A_112 = tpu.memref_squeeze %dma_wait3A_111 : memref<1x1x128xi32, #tpu.memory_space<hbm>> -> memref<1x128xi32, #tpu.memory_space<hbm>>
        tpu.wait_dma2 semaphore(%run_scoped3A_88 : memref<!tpu.dma_semaphore, #tpu.memory_space<semaphore_mem>>) src(%dma_wait3A_112 : memref<1x128xi32, #tpu.memory_space<hbm>>) dst(%dma_wait3A_109 : memref<1x128xi32, #tpu.memory_space<vmem>>)
        tpu.yield
      }) : () -> ()
      %run_scoped3A_86 = arith.constant 0 : i32
      "tpu.region"() ({
        %run_scoped3A_88 = tpu.sem_alloc : memref<!tpu.dma_semaphore, #tpu.memory_space<semaphore_mem>>
        %dma_start3A_89 = arith.constant 0 : i32
        %dma_start3A_90 = tpu.memref_slice %arg5[%run_scoped3A_86, %dma_start3A_89] : memref<78x128xi32, #tpu.memory_space<vmem>> -> memref<1x128xi32, #tpu.memory_space<vmem>>
        %dma_start3A_91 = tpu.memref_squeeze %dma_start3A_90 : memref<1x128xi32, #tpu.memory_space<vmem>> -> memref<128xi32, #tpu.memory_space<vmem>>
        %dma_start3A_92 = arith.constant 0 : i32
        %dma_start3A_93 = arith.constant 0 : i32
        %dma_start3A_94 = tpu.memref_slice %arg10[%dma_start3A_92, %dma_start3A_93] : memref<10240x48xf32, #tpu.memory_space<vmem_shared>> -> memref<10240x48xf32, #tpu.memory_space<vmem_shared>>
        tpu.enqueue_indirect_dma source(%dma_start3A_94 : memref<10240x48xf32, #tpu.memory_space<vmem_shared>>) target(%arg7 : memref<128x48xf32, #tpu.memory_space<vmem>>) offsets(%dma_start3A_91 : memref<128xi32, #tpu.memory_space<vmem>>) semaphore(%run_scoped3A_88 : memref<!tpu.dma_semaphore, #tpu.memory_space<semaphore_mem>>)
        %dma_wait3A_95 = arith.constant 0 : i32
        %dma_wait3A_96 = tpu.memref_slice %arg5[%run_scoped3A_86, %dma_wait3A_95] : memref<78x128xi32, #tpu.memory_space<vmem>> -> memref<1x128xi32, #tpu.memory_space<vmem>>
        %dma_wait3A_97 = tpu.memref_squeeze %dma_wait3A_96 : memref<1x128xi32, #tpu.memory_space<vmem>> -> memref<128xi32, #tpu.memory_space<vmem>>
        %dma_wait3A_98 = arith.constant 0 : i32
        %dma_wait3A_99 = arith.constant 0 : i32
        %dma_wait3A_100 = tpu.memref_slice %arg10[%dma_wait3A_98, %dma_wait3A_99] : memref<10240x48xf32, #tpu.memory_space<vmem_shared>> -> memref<10240x48xf32, #tpu.memory_space<vmem_shared>>
        tpu.wait_indirect_dma semaphore(%run_scoped3A_88 : memref<!tpu.dma_semaphore, #tpu.memory_space<semaphore_mem>>) src(%dma_wait3A_100 : memref<10240x48xf32, #tpu.memory_space<vmem_shared>>) dst(%arg7 : memref<128x48xf32, #tpu.memory_space<vmem>>)
        tpu.yield
      }) : () -> ()
      %run_scoped3A_87 = arith.constant 0 : i32
      "tpu.region"() ({
        %run_scoped3A_88 = tpu.sem_alloc : memref<!tpu.dma_semaphore, #tpu.memory_space<semaphore_mem>>
        %dma_start3A_89 = arith.constant 0 : i32
        %dma_start3A_90 = tpu.memref_slice %arg6[%run_scoped3A_87, %dma_start3A_89] : memref<78x128xi32, #tpu.memory_space<vmem>> -> memref<1x128xi32, #tpu.memory_space<vmem>>
        %dma_start3A_91 = tpu.memref_squeeze %dma_start3A_90 : memref<1x128xi32, #tpu.memory_space<vmem>> -> memref<128xi32, #tpu.memory_space<vmem>>
        %dma_start3A_92 = arith.constant 0 : i32
        %dma_start3A_93 = arith.constant 0 : i32
        %dma_start3A_94 = tpu.memref_slice %arg9[%dma_start3A_92, %dma_start3A_93] : memref<10240x48xf32, #tpu.memory_space<vmem_shared>> -> memref<10240x48xf32, #tpu.memory_space<vmem_shared>>
        tpu.enqueue_indirect_dma source(%arg7 : memref<128x48xf32, #tpu.memory_space<vmem>>) target(%dma_start3A_94 : memref<10240x48xf32, #tpu.memory_space<vmem_shared>>) offsets(%dma_start3A_91 : memref<128xi32, #tpu.memory_space<vmem>>) semaphore(%run_scoped3A_88 : memref<!tpu.dma_semaphore, #tpu.memory_space<semaphore_mem>>) {add = true}
        %dma_wait3A_95 = arith.constant 0 : i32
        %dma_wait3A_96 = tpu.memref_slice %arg6[%run_scoped3A_87, %dma_wait3A_95] : memref<78x128xi32, #tpu.memory_space<vmem>> -> memref<1x128xi32, #tpu.memory_space<vmem>>
        %dma_wait3A_97 = tpu.memref_squeeze %dma_wait3A_96 : memref<1x128xi32, #tpu.memory_space<vmem>> -> memref<128xi32, #tpu.memory_space<vmem>>
        %dma_wait3A_98 = arith.constant 0 : i32
        %dma_wait3A_99 = arith.constant 0 : i32
        %dma_wait3A_100 = tpu.memref_slice %arg9[%dma_wait3A_98, %dma_wait3A_99] : memref<10240x48xf32, #tpu.memory_space<vmem_shared>> -> memref<10240x48xf32, #tpu.memory_space<vmem_shared>>
        tpu.wait_indirect_dma semaphore(%run_scoped3A_88 : memref<!tpu.dma_semaphore, #tpu.memory_space<semaphore_mem>>) src(%arg7 : memref<128x48xf32, #tpu.memory_space<vmem>>) dst(%dma_wait3A_100 : memref<10240x48xf32, #tpu.memory_space<vmem_shared>>)
        tpu.yield
      }) : () -> ()
    } else {
    }
    %barrier3A_59 = arith.constant 0 : index
    tpu.barrier barrier_id(%barrier3A_59)
    %mul3A_60 = arith.constant 640 : i32
    %mul3A_61 = arith.muli %arg1, %mul3A_60 : i32
    %add3A_62 = arith.constant 0 : i32
    %add3A_63 = arith.addi %mul3A_61, %add3A_62 : i32
    "tpu.region"() ({
      %run_scoped3A_80 = tpu.sem_alloc : memref<!tpu.dma_semaphore, #tpu.memory_space<semaphore_mem>>
      %dma_start3A_81 = arith.constant 0 : i32
      %dma_start3A_82 = tpu.memref_slice %arg9[%add3A_63, %dma_start3A_81] : memref<10240x48xf32, #tpu.memory_space<vmem_shared>> -> memref<128x48xf32, #tpu.memory_space<vmem_shared>>
      %dma_start3A_83 = arith.constant 0 : i32
      %dma_start3A_84 = tpu.memref_slice %arg9[%add3A_63, %dma_start3A_83] : memref<10240x48xf32, #tpu.memory_space<vmem_shared>> -> memref<128x48xf32, #tpu.memory_space<vmem_shared>>
      tpu.enqueue_dma source(%dma_start3A_84 : memref<128x48xf32, #tpu.memory_space<vmem_shared>>) target(%arg7 : memref<128x48xf32, #tpu.memory_space<vmem>>) target_semaphore(%run_scoped3A_80 : memref<!tpu.dma_semaphore, #tpu.memory_space<semaphore_mem>>)
      %dma_wait3A_85 = arith.constant 0 : i32
      %dma_wait3A_86 = tpu.memref_slice %arg9[%add3A_63, %dma_wait3A_85] : memref<10240x48xf32, #tpu.memory_space<vmem_shared>> -> memref<128x48xf32, #tpu.memory_space<vmem_shared>>
      %dma_wait3A_87 = arith.constant 0 : i32
      %dma_wait3A_88 = tpu.memref_slice %arg9[%add3A_63, %dma_wait3A_87] : memref<10240x48xf32, #tpu.memory_space<vmem_shared>> -> memref<128x48xf32, #tpu.memory_space<vmem_shared>>
      tpu.wait_dma2 semaphore(%run_scoped3A_80 : memref<!tpu.dma_semaphore, #tpu.memory_space<semaphore_mem>>) src(%dma_wait3A_88 : memref<128x48xf32, #tpu.memory_space<vmem_shared>>) dst(%arg7 : memref<128x48xf32, #tpu.memory_space<vmem>>)
      tpu.yield
    }) : () -> ()
    "tpu.region"() ({
      %run_scoped3A_80 = tpu.sem_alloc : memref<!tpu.dma_semaphore, #tpu.memory_space<semaphore_mem>>
      %dma_start3A_81 = arith.constant 0 : i32
      %dma_start3A_82 = tpu.memref_slice %arg4[%arg0, %add3A_63, %dma_start3A_81] : memref<2x10240x48xf32, #tpu.memory_space<hbm>> -> memref<1x128x48xf32, #tpu.memory_space<hbm>>
      %dma_start3A_83 = tpu.memref_squeeze %dma_start3A_82 : memref<1x128x48xf32, #tpu.memory_space<hbm>> -> memref<128x48xf32, #tpu.memory_space<hbm>>
      %dma_start3A_84 = arith.constant 0 : i32
      %dma_start3A_85 = tpu.memref_slice %arg4[%arg0, %add3A_63, %dma_start3A_84] : memref<2x10240x48xf32, #tpu.memory_space<hbm>> -> memref<1x128x48xf32, #tpu.memory_space<hbm>>
      %dma_start3A_86 = tpu.memref_squeeze %dma_start3A_85 : memref<1x128x48xf32, #tpu.memory_space<hbm>> -> memref<128x48xf32, #tpu.memory_space<hbm>>
      tpu.enqueue_dma source(%arg7 : memref<128x48xf32, #tpu.memory_space<vmem>>) target(%dma_start3A_86 : memref<128x48xf32, #tpu.memory_space<hbm>>) target_semaphore(%run_scoped3A_80 : memref<!tpu.dma_semaphore, #tpu.memory_space<semaphore_mem>>)
      %dma_wait3A_87 = arith.constant 0 : i32
      %dma_wait3A_88 = tpu.memref_slice %arg4[%arg0, %add3A_63, %dma_wait3A_87] : memref<2x10240x48xf32, #tpu.memory_space<hbm>> -> memref<1x128x48xf32, #tpu.memory_space<hbm>>
      %dma_wait3A_89 = tpu.memref_squeeze %dma_wait3A_88 : memref<1x128x48xf32, #tpu.memory_space<hbm>> -> memref<128x48xf32, #tpu.memory_space<hbm>>
      %dma_wait3A_90 = arith.constant 0 : i32
      %dma_wait3A_91 = tpu.memref_slice %arg4[%arg0, %add3A_63, %dma_wait3A_90] : memref<2x10240x48xf32, #tpu.memory_space<hbm>> -> memref<1x128x48xf32, #tpu.memory_space<hbm>>
      %dma_wait3A_92 = tpu.memref_squeeze %dma_wait3A_91 : memref<1x128x48xf32, #tpu.memory_space<hbm>> -> memref<128x48xf32, #tpu.memory_space<hbm>>
      tpu.wait_dma2 semaphore(%run_scoped3A_80 : memref<!tpu.dma_semaphore, #tpu.memory_space<semaphore_mem>>) src(%arg7 : memref<128x48xf32, #tpu.memory_space<vmem>>) dst(%dma_wait3A_92 : memref<128x48xf32, #tpu.memory_space<hbm>>)
      tpu.yield
    }) : () -> ()
    %mul3A_64 = arith.constant 640 : i32
    %mul3A_65 = arith.muli %arg1, %mul3A_64 : i32
    %add3A_66 = arith.constant 128 : i32
    %add3A_67 = arith.addi %mul3A_65, %add3A_66 : i32
    "tpu.region"() ({
      %run_scoped3A_80 = tpu.sem_alloc : memref<!tpu.dma_semaphore, #tpu.memory_space<semaphore_mem>>
      %dma_start3A_81 = arith.constant 0 : i32
      %dma_start3A_82 = tpu.memref_slice %arg9[%add3A_67, %dma_start3A_81] : memref<10240x48xf32, #tpu.memory_space<vmem_shared>> -> memref<128x48xf32, #tpu.memory_space<vmem_shared>>
      %dma_start3A_83 = arith.constant 0 : i32
      %dma_start3A_84 = tpu.memref_slice %arg9[%add3A_67, %dma_start3A_83] : memref<10240x48xf32, #tpu.memory_space<vmem_shared>> -> memref<128x48xf32, #tpu.memory_space<vmem_shared>>
      tpu.enqueue_dma source(%dma_start3A_84 : memref<128x48xf32, #tpu.memory_space<vmem_shared>>) target(%arg7 : memref<128x48xf32, #tpu.memory_space<vmem>>) target_semaphore(%run_scoped3A_80 : memref<!tpu.dma_semaphore, #tpu.memory_space<semaphore_mem>>)
      %dma_wait3A_85 = arith.constant 0 : i32
      %dma_wait3A_86 = tpu.memref_slice %arg9[%add3A_67, %dma_wait3A_85] : memref<10240x48xf32, #tpu.memory_space<vmem_shared>> -> memref<128x48xf32, #tpu.memory_space<vmem_shared>>
      %dma_wait3A_87 = arith.constant 0 : i32
      %dma_wait3A_88 = tpu.memref_slice %arg9[%add3A_67, %dma_wait3A_87] : memref<10240x48xf32, #tpu.memory_space<vmem_shared>> -> memref<128x48xf32, #tpu.memory_space<vmem_shared>>
      tpu.wait_dma2 semaphore(%run_scoped3A_80 : memref<!tpu.dma_semaphore, #tpu.memory_space<semaphore_mem>>) src(%dma_wait3A_88 : memref<128x48xf32, #tpu.memory_space<vmem_shared>>) dst(%arg7 : memref<128x48xf32, #tpu.memory_space<vmem>>)
      tpu.yield
    }) : () -> ()
    "tpu.region"() ({
      %run_scoped3A_80 = tpu.sem_alloc : memref<!tpu.dma_semaphore, #tpu.memory_space<semaphore_mem>>
      %dma_start3A_81 = arith.constant 0 : i32
      %dma_start3A_82 = tpu.memref_slice %arg4[%arg0, %add3A_67, %dma_start3A_81] : memref<2x10240x48xf32, #tpu.memory_space<hbm>> -> memref<1x128x48xf32, #tpu.memory_space<hbm>>
      %dma_start3A_83 = tpu.memref_squeeze %dma_start3A_82 : memref<1x128x48xf32, #tpu.memory_space<hbm>> -> memref<128x48xf32, #tpu.memory_space<hbm>>
      %dma_start3A_84 = arith.constant 0 : i32
      %dma_start3A_85 = tpu.memref_slice %arg4[%arg0, %add3A_67, %dma_start3A_84] : memref<2x10240x48xf32, #tpu.memory_space<hbm>> -> memref<1x128x48xf32, #tpu.memory_space<hbm>>
      %dma_start3A_86 = tpu.memref_squeeze %dma_start3A_85 : memref<1x128x48xf32, #tpu.memory_space<hbm>> -> memref<128x48xf32, #tpu.memory_space<hbm>>
      tpu.enqueue_dma source(%arg7 : memref<128x48xf32, #tpu.memory_space<vmem>>) target(%dma_start3A_86 : memref<128x48xf32, #tpu.memory_space<hbm>>) target_semaphore(%run_scoped3A_80 : memref<!tpu.dma_semaphore, #tpu.memory_space<semaphore_mem>>)
      %dma_wait3A_87 = arith.constant 0 : i32
      %dma_wait3A_88 = tpu.memref_slice %arg4[%arg0, %add3A_67, %dma_wait3A_87] : memref<2x10240x48xf32, #tpu.memory_space<hbm>> -> memref<1x128x48xf32, #tpu.memory_space<hbm>>
      %dma_wait3A_89 = tpu.memref_squeeze %dma_wait3A_88 : memref<1x128x48xf32, #tpu.memory_space<hbm>> -> memref<128x48xf32, #tpu.memory_space<hbm>>
      %dma_wait3A_90 = arith.constant 0 : i32
      %dma_wait3A_91 = tpu.memref_slice %arg4[%arg0, %add3A_67, %dma_wait3A_90] : memref<2x10240x48xf32, #tpu.memory_space<hbm>> -> memref<1x128x48xf32, #tpu.memory_space<hbm>>
      %dma_wait3A_92 = tpu.memref_squeeze %dma_wait3A_91 : memref<1x128x48xf32, #tpu.memory_space<hbm>> -> memref<128x48xf32, #tpu.memory_space<hbm>>
      tpu.wait_dma2 semaphore(%run_scoped3A_80 : memref<!tpu.dma_semaphore, #tpu.memory_space<semaphore_mem>>) src(%arg7 : memref<128x48xf32, #tpu.memory_space<vmem>>) dst(%dma_wait3A_92 : memref<128x48xf32, #tpu.memory_space<hbm>>)
      tpu.yield
    }) : () -> ()
    %mul3A_68 = arith.constant 640 : i32
    %mul3A_69 = arith.muli %arg1, %mul3A_68 : i32
    %add3A_70 = arith.constant 256 : i32
    %add3A_71 = arith.addi %mul3A_69, %add3A_70 : i32
    "tpu.region"() ({
      %run_scoped3A_80 = tpu.sem_alloc : memref<!tpu.dma_semaphore, #tpu.memory_space<semaphore_mem>>
      %dma_start3A_81 = arith.constant 0 : i32
      %dma_start3A_82 = tpu.memref_slice %arg9[%add3A_71, %dma_start3A_81] : memref<10240x48xf32, #tpu.memory_space<vmem_shared>> -> memref<128x48xf32, #tpu.memory_space<vmem_shared>>
      %dma_start3A_83 = arith.constant 0 : i32
      %dma_start3A_84 = tpu.memref_slice %arg9[%add3A_71, %dma_start3A_83] : memref<10240x48xf32, #tpu.memory_space<vmem_shared>> -> memref<128x48xf32, #tpu.memory_space<vmem_shared>>
      tpu.enqueue_dma source(%dma_start3A_84 : memref<128x48xf32, #tpu.memory_space<vmem_shared>>) target(%arg7 : memref<128x48xf32, #tpu.memory_space<vmem>>) target_semaphore(%run_scoped3A_80 : memref<!tpu.dma_semaphore, #tpu.memory_space<semaphore_mem>>)
      %dma_wait3A_85 = arith.constant 0 : i32
      %dma_wait3A_86 = tpu.memref_slice %arg9[%add3A_71, %dma_wait3A_85] : memref<10240x48xf32, #tpu.memory_space<vmem_shared>> -> memref<128x48xf32, #tpu.memory_space<vmem_shared>>
      %dma_wait3A_87 = arith.constant 0 : i32
      %dma_wait3A_88 = tpu.memref_slice %arg9[%add3A_71, %dma_wait3A_87] : memref<10240x48xf32, #tpu.memory_space<vmem_shared>> -> memref<128x48xf32, #tpu.memory_space<vmem_shared>>
      tpu.wait_dma2 semaphore(%run_scoped3A_80 : memref<!tpu.dma_semaphore, #tpu.memory_space<semaphore_mem>>) src(%dma_wait3A_88 : memref<128x48xf32, #tpu.memory_space<vmem_shared>>) dst(%arg7 : memref<128x48xf32, #tpu.memory_space<vmem>>)
      tpu.yield
    }) : () -> ()
    "tpu.region"() ({
      %run_scoped3A_80 = tpu.sem_alloc : memref<!tpu.dma_semaphore, #tpu.memory_space<semaphore_mem>>
      %dma_start3A_81 = arith.constant 0 : i32
      %dma_start3A_82 = tpu.memref_slice %arg4[%arg0, %add3A_71, %dma_start3A_81] : memref<2x10240x48xf32, #tpu.memory_space<hbm>> -> memref<1x128x48xf32, #tpu.memory_space<hbm>>
      %dma_start3A_83 = tpu.memref_squeeze %dma_start3A_82 : memref<1x128x48xf32, #tpu.memory_space<hbm>> -> memref<128x48xf32, #tpu.memory_space<hbm>>
      %dma_start3A_84 = arith.constant 0 : i32
      %dma_start3A_85 = tpu.memref_slice %arg4[%arg0, %add3A_71, %dma_start3A_84] : memref<2x10240x48xf32, #tpu.memory_space<hbm>> -> memref<1x128x48xf32, #tpu.memory_space<hbm>>
      %dma_start3A_86 = tpu.memref_squeeze %dma_start3A_85 : memref<1x128x48xf32, #tpu.memory_space<hbm>> -> memref<128x48xf32, #tpu.memory_space<hbm>>
      tpu.enqueue_dma source(%arg7 : memref<128x48xf32, #tpu.memory_space<vmem>>) target(%dma_start3A_86 : memref<128x48xf32, #tpu.memory_space<hbm>>) target_semaphore(%run_scoped3A_80 : memref<!tpu.dma_semaphore, #tpu.memory_space<semaphore_mem>>)
      %dma_wait3A_87 = arith.constant 0 : i32
      %dma_wait3A_88 = tpu.memref_slice %arg4[%arg0, %add3A_71, %dma_wait3A_87] : memref<2x10240x48xf32, #tpu.memory_space<hbm>> -> memref<1x128x48xf32, #tpu.memory_space<hbm>>
      %dma_wait3A_89 = tpu.memref_squeeze %dma_wait3A_88 : memref<1x128x48xf32, #tpu.memory_space<hbm>> -> memref<128x48xf32, #tpu.memory_space<hbm>>
      %dma_wait3A_90 = arith.constant 0 : i32
      %dma_wait3A_91 = tpu.memref_slice %arg4[%arg0, %add3A_71, %dma_wait3A_90] : memref<2x10240x48xf32, #tpu.memory_space<hbm>> -> memref<1x128x48xf32, #tpu.memory_space<hbm>>
      %dma_wait3A_92 = tpu.memref_squeeze %dma_wait3A_91 : memref<1x128x48xf32, #tpu.memory_space<hbm>> -> memref<128x48xf32, #tpu.memory_space<hbm>>
      tpu.wait_dma2 semaphore(%run_scoped3A_80 : memref<!tpu.dma_semaphore, #tpu.memory_space<semaphore_mem>>) src(%arg7 : memref<128x48xf32, #tpu.memory_space<vmem>>) dst(%dma_wait3A_92 : memref<128x48xf32, #tpu.memory_space<hbm>>)
      tpu.yield
    }) : () -> ()
    %mul3A_72 = arith.constant 640 : i32
    %mul3A_73 = arith.muli %arg1, %mul3A_72 : i32
    %add3A_74 = arith.constant 384 : i32
    %add3A_75 = arith.addi %mul3A_73, %add3A_74 : i32
    "tpu.region"() ({
      %run_scoped3A_80 = tpu.sem_alloc : memref<!tpu.dma_semaphore, #tpu.memory_space<semaphore_mem>>
      %dma_start3A_81 = arith.constant 0 : i32
      %dma_start3A_82 = tpu.memref_slice %arg9[%add3A_75, %dma_start3A_81] : memref<10240x48xf32, #tpu.memory_space<vmem_shared>> -> memref<128x48xf32, #tpu.memory_space<vmem_shared>>
      %dma_start3A_83 = arith.constant 0 : i32
      %dma_start3A_84 = tpu.memref_slice %arg9[%add3A_75, %dma_start3A_83] : memref<10240x48xf32, #tpu.memory_space<vmem_shared>> -> memref<128x48xf32, #tpu.memory_space<vmem_shared>>
      tpu.enqueue_dma source(%dma_start3A_84 : memref<128x48xf32, #tpu.memory_space<vmem_shared>>) target(%arg7 : memref<128x48xf32, #tpu.memory_space<vmem>>) target_semaphore(%run_scoped3A_80 : memref<!tpu.dma_semaphore, #tpu.memory_space<semaphore_mem>>)
      %dma_wait3A_85 = arith.constant 0 : i32
      %dma_wait3A_86 = tpu.memref_slice %arg9[%add3A_75, %dma_wait3A_85] : memref<10240x48xf32, #tpu.memory_space<vmem_shared>> -> memref<128x48xf32, #tpu.memory_space<vmem_shared>>
      %dma_wait3A_87 = arith.constant 0 : i32
      %dma_wait3A_88 = tpu.memref_slice %arg9[%add3A_75, %dma_wait3A_87] : memref<10240x48xf32, #tpu.memory_space<vmem_shared>> -> memref<128x48xf32, #tpu.memory_space<vmem_shared>>
      tpu.wait_dma2 semaphore(%run_scoped3A_80 : memref<!tpu.dma_semaphore, #tpu.memory_space<semaphore_mem>>) src(%dma_wait3A_88 : memref<128x48xf32, #tpu.memory_space<vmem_shared>>) dst(%arg7 : memref<128x48xf32, #tpu.memory_space<vmem>>)
      tpu.yield
    }) : () -> ()
    "tpu.region"() ({
      %run_scoped3A_80 = tpu.sem_alloc : memref<!tpu.dma_semaphore, #tpu.memory_space<semaphore_mem>>
      %dma_start3A_81 = arith.constant 0 : i32
      %dma_start3A_82 = tpu.memref_slice %arg4[%arg0, %add3A_75, %dma_start3A_81] : memref<2x10240x48xf32, #tpu.memory_space<hbm>> -> memref<1x128x48xf32, #tpu.memory_space<hbm>>
      %dma_start3A_83 = tpu.memref_squeeze %dma_start3A_82 : memref<1x128x48xf32, #tpu.memory_space<hbm>> -> memref<128x48xf32, #tpu.memory_space<hbm>>
      %dma_start3A_84 = arith.constant 0 : i32
      %dma_start3A_85 = tpu.memref_slice %arg4[%arg0, %add3A_75, %dma_start3A_84] : memref<2x10240x48xf32, #tpu.memory_space<hbm>> -> memref<1x128x48xf32, #tpu.memory_space<hbm>>
      %dma_start3A_86 = tpu.memref_squeeze %dma_start3A_85 : memref<1x128x48xf32, #tpu.memory_space<hbm>> -> memref<128x48xf32, #tpu.memory_space<hbm>>
      tpu.enqueue_dma source(%arg7 : memref<128x48xf32, #tpu.memory_space<vmem>>) target(%dma_start3A_86 : memref<128x48xf32, #tpu.memory_space<hbm>>) target_semaphore(%run_scoped3A_80 : memref<!tpu.dma_semaphore, #tpu.memory_space<semaphore_mem>>)
      %dma_wait3A_87 = arith.constant 0 : i32
      %dma_wait3A_88 = tpu.memref_slice %arg4[%arg0, %add3A_75, %dma_wait3A_87] : memref<2x10240x48xf32, #tpu.memory_space<hbm>> -> memref<1x128x48xf32, #tpu.memory_space<hbm>>
      %dma_wait3A_89 = tpu.memref_squeeze %dma_wait3A_88 : memref<1x128x48xf32, #tpu.memory_space<hbm>> -> memref<128x48xf32, #tpu.memory_space<hbm>>
      %dma_wait3A_90 = arith.constant 0 : i32
      %dma_wait3A_91 = tpu.memref_slice %arg4[%arg0, %add3A_75, %dma_wait3A_90] : memref<2x10240x48xf32, #tpu.memory_space<hbm>> -> memref<1x128x48xf32, #tpu.memory_space<hbm>>
      %dma_wait3A_92 = tpu.memref_squeeze %dma_wait3A_91 : memref<1x128x48xf32, #tpu.memory_space<hbm>> -> memref<128x48xf32, #tpu.memory_space<hbm>>
      tpu.wait_dma2 semaphore(%run_scoped3A_80 : memref<!tpu.dma_semaphore, #tpu.memory_space<semaphore_mem>>) src(%arg7 : memref<128x48xf32, #tpu.memory_space<vmem>>) dst(%dma_wait3A_92 : memref<128x48xf32, #tpu.memory_space<hbm>>)
      tpu.yield
    }) : () -> ()
    %mul3A_76 = arith.constant 640 : i32
    %mul3A_77 = arith.muli %arg1, %mul3A_76 : i32
    %add3A_78 = arith.constant 512 : i32
    %add3A_79 = arith.addi %mul3A_77, %add3A_78 : i32
    "tpu.region"() ({
      %run_scoped3A_80 = tpu.sem_alloc : memref<!tpu.dma_semaphore, #tpu.memory_space<semaphore_mem>>
      %dma_start3A_81 = arith.constant 0 : i32
      %dma_start3A_82 = tpu.memref_slice %arg9[%add3A_79, %dma_start3A_81] : memref<10240x48xf32, #tpu.memory_space<vmem_shared>> -> memref<128x48xf32, #tpu.memory_space<vmem_shared>>
      %dma_start3A_83 = arith.constant 0 : i32
      %dma_start3A_84 = tpu.memref_slice %arg9[%add3A_79, %dma_start3A_83] : memref<10240x48xf32, #tpu.memory_space<vmem_shared>> -> memref<128x48xf32, #tpu.memory_space<vmem_shared>>
      tpu.enqueue_dma source(%dma_start3A_84 : memref<128x48xf32, #tpu.memory_space<vmem_shared>>) target(%arg7 : memref<128x48xf32, #tpu.memory_space<vmem>>) target_semaphore(%run_scoped3A_80 : memref<!tpu.dma_semaphore, #tpu.memory_space<semaphore_mem>>)
      %dma_wait3A_85 = arith.constant 0 : i32
      %dma_wait3A_86 = tpu.memref_slice %arg9[%add3A_79, %dma_wait3A_85] : memref<10240x48xf32, #tpu.memory_space<vmem_shared>> -> memref<128x48xf32, #tpu.memory_space<vmem_shared>>
      %dma_wait3A_87 = arith.constant 0 : i32
      %dma_wait3A_88 = tpu.memref_slice %arg9[%add3A_79, %dma_wait3A_87] : memref<10240x48xf32, #tpu.memory_space<vmem_shared>> -> memref<128x48xf32, #tpu.memory_space<vmem_shared>>
      tpu.wait_dma2 semaphore(%run_scoped3A_80 : memref<!tpu.dma_semaphore, #tpu.memory_space<semaphore_mem>>) src(%dma_wait3A_88 : memref<128x48xf32, #tpu.memory_space<vmem_shared>>) dst(%arg7 : memref<128x48xf32, #tpu.memory_space<vmem>>)
      tpu.yield
    }) : () -> ()
    "tpu.region"() ({
      %run_scoped3A_80 = tpu.sem_alloc : memref<!tpu.dma_semaphore, #tpu.memory_space<semaphore_mem>>
      %dma_start3A_81 = arith.constant 0 : i32
      %dma_start3A_82 = tpu.memref_slice %arg4[%arg0, %add3A_79, %dma_start3A_81] : memref<2x10240x48xf32, #tpu.memory_space<hbm>> -> memref<1x128x48xf32, #tpu.memory_space<hbm>>
      %dma_start3A_83 = tpu.memref_squeeze %dma_start3A_82 : memref<1x128x48xf32, #tpu.memory_space<hbm>> -> memref<128x48xf32, #tpu.memory_space<hbm>>
      %dma_start3A_84 = arith.constant 0 : i32
      %dma_start3A_85 = tpu.memref_slice %arg4[%arg0, %add3A_79, %dma_start3A_84] : memref<2x10240x48xf32, #tpu.memory_space<hbm>> -> memref<1x128x48xf32, #tpu.memory_space<hbm>>
      %dma_start3A_86 = tpu.memref_squeeze %dma_start3A_85 : memref<1x128x48xf32, #tpu.memory_space<hbm>> -> memref<128x48xf32, #tpu.memory_space<hbm>>
      tpu.enqueue_dma source(%arg7 : memref<128x48xf32, #tpu.memory_space<vmem>>) target(%dma_start3A_86 : memref<128x48xf32, #tpu.memory_space<hbm>>) target_semaphore(%run_scoped3A_80 : memref<!tpu.dma_semaphore, #tpu.memory_space<semaphore_mem>>)
      %dma_wait3A_87 = arith.constant 0 : i32
      %dma_wait3A_88 = tpu.memref_slice %arg4[%arg0, %add3A_79, %dma_wait3A_87] : memref<2x10240x48xf32, #tpu.memory_space<hbm>> -> memref<1x128x48xf32, #tpu.memory_space<hbm>>
      %dma_wait3A_89 = tpu.memref_squeeze %dma_wait3A_88 : memref<1x128x48xf32, #tpu.memory_space<hbm>> -> memref<128x48xf32, #tpu.memory_space<hbm>>
      %dma_wait3A_90 = arith.constant 0 : i32
      %dma_wait3A_91 = tpu.memref_slice %arg4[%arg0, %add3A_79, %dma_wait3A_90] : memref<2x10240x48xf32, #tpu.memory_space<hbm>> -> memref<1x128x48xf32, #tpu.memory_space<hbm>>
      %dma_wait3A_92 = tpu.memref_squeeze %dma_wait3A_91 : memref<1x128x48xf32, #tpu.memory_space<hbm>> -> memref<128x48xf32, #tpu.memory_space<hbm>>
      tpu.wait_dma2 semaphore(%run_scoped3A_80 : memref<!tpu.dma_semaphore, #tpu.memory_space<semaphore_mem>>) src(%arg7 : memref<128x48xf32, #tpu.memory_space<vmem>>) dst(%dma_wait3A_92 : memref<128x48xf32, #tpu.memory_space<hbm>>)
      tpu.yield
    }) : () -> ()
    return
  }
}

#map = affine_map<(d0, d1) -> (0, 0, 0)>
#map1 = affine_map<(d0, d1) -> (0)>
module attributes {stable_mosaic.version = 14 : i64} {
  func.func @body(%arg0: i32, %arg1: i32, %arg2: memref<2x2500x128xi32, #tpu.memory_space<hbm>>, %arg3: memref<20480xf32, #tpu.memory_space<hbm>>, %arg4: memref<78x128xi32, #tpu.memory_space<vmem>>, %arg5: memref<128xf32, #tpu.memory_space<vmem>>, %arg6: memref<640xf32, #tpu.memory_space<vmem>>, %arg7: memref<10240xf32, #tpu.memory_space<vmem_shared>>) attributes {dimension_semantics = [#tpu.dimension_semantics<core_parallel>, #tpu.dimension_semantics<subcore_parallel>], iteration_bounds = array<i64: 2, 16>, scalar_prefetch = 0 : i64, scratch_operands = 4 : i64, tpu.core_type = #tpu.core_type<sc_vector_subcore>, window_params = [{transform_indices = #map}, {transform_indices = #map1}]} {
    %scan3A = arith.constant 0 : i32
    %scan3A_0 = arith.constant 0 : i32
    %scan3A_1 = arith.constant 8 : i32
    %scan3A_2 = arith.addi %scan3A_0, %scan3A_1 : i32
    %scan3A_3 = arith.constant 1 : i32
    %scan3A_4 = scf.for %scan3A_36 = %scan3A_0 to %scan3A_2 step %scan3A_3 iter_args(%scan3A_37 = %scan3A) -> (i32)  : i32 {
      %broadcast_in_dim3A = arith.constant 1.000000e+00 : f32
      %broadcast_in_dim3A_38 = vector.broadcast %broadcast_in_dim3A : f32 to vector<16xf32>
      %mul3A_39 = arith.constant 16 : i32
      %mul3A_40 = arith.muli %scan3A_36, %mul3A_39 : i32
      %swap3A = arith.index_cast %mul3A_40 : i32 to index
      %swap3A_41 = tpu.vector_load %arg5[%swap3A] {strides = array<i32>} : memref<128xf32, #tpu.memory_space<vmem>>, vector<16xf32>,
      %swap3A_42 = vector.shape_cast %swap3A_41 : vector<16xf32> to vector<16xf32>
      %swap3A_43 = vector.shape_cast %broadcast_in_dim3A_38 : vector<16xf32> to vector<16xf32>
      tpu.vector_store %arg5[%swap3A], %swap3A_43 {strides = array<i32>} : memref<128xf32, #tpu.memory_space<vmem>>, vector<16xf32>,
      %scan3A_44 = arith.constant 0 : i32
      scf.yield %scan3A_44 : i32
    }
    %scan3A_5 = arith.constant 8 : i32
    %scan3A_6 = arith.constant 0 : i32
    %scan3A_7 = arith.constant 0 : i32
    %scan3A_8 = arith.constant 40 : i32
    %scan3A_9 = arith.addi %scan3A_7, %scan3A_8 : i32
    %scan3A_10 = arith.constant 1 : i32
    %scan3A_11 = scf.for %scan3A_36 = %scan3A_7 to %scan3A_9 step %scan3A_10 iter_args(%scan3A_37 = %scan3A_6) -> (i32)  : i32 {
      %broadcast_in_dim3A = arith.constant 0.000000e+00 : f32
      %broadcast_in_dim3A_38 = vector.broadcast %broadcast_in_dim3A : f32 to vector<16xf32>
      %mul3A_39 = arith.constant 16 : i32
      %mul3A_40 = arith.muli %scan3A_36, %mul3A_39 : i32
      %swap3A = arith.index_cast %mul3A_40 : i32 to index
      %swap3A_41 = tpu.vector_load %arg6[%swap3A] {strides = array<i32>} : memref<640xf32, #tpu.memory_space<vmem>>, vector<16xf32>,
      %swap3A_42 = vector.shape_cast %swap3A_41 : vector<16xf32> to vector<16xf32>
      %swap3A_43 = vector.shape_cast %broadcast_in_dim3A_38 : vector<16xf32> to vector<16xf32>
      tpu.vector_store %arg6[%swap3A], %swap3A_43 {strides = array<i32>} : memref<640xf32, #tpu.memory_space<vmem>>, vector<16xf32>,
      %scan3A_44 = arith.constant 0 : i32
      scf.yield %scan3A_44 : i32
    }
    %scan3A_12 = arith.constant 40 : i32
    %mul3A = arith.constant 640 : i32
    %mul3A_13 = arith.muli %arg1, %mul3A : i32
    "tpu.region"() ({
      %run_scoped3A_36 = tpu.sem_alloc : memref<!tpu.dma_semaphore, #tpu.memory_space<semaphore_mem>>
      %dma_start3A = tpu.memref_slice %arg7[%mul3A_13] : memref<10240xf32, #tpu.memory_space<vmem_shared>> -> memref<640xf32, #tpu.memory_space<vmem_shared>>
      %dma_start3A_37 = tpu.memref_slice %arg7[%mul3A_13] : memref<10240xf32, #tpu.memory_space<vmem_shared>> -> memref<640xf32, #tpu.memory_space<vmem_shared>>
      tpu.enqueue_dma source(%arg6 : memref<640xf32, #tpu.memory_space<vmem>>) target(%dma_start3A_37 : memref<640xf32, #tpu.memory_space<vmem_shared>>) target_semaphore(%run_scoped3A_36 : memref<!tpu.dma_semaphore, #tpu.memory_space<semaphore_mem>>)
      %dma_wait3A = tpu.memref_slice %arg7[%mul3A_13] : memref<10240xf32, #tpu.memory_space<vmem_shared>> -> memref<640xf32, #tpu.memory_space<vmem_shared>>
      %dma_wait3A_38 = tpu.memref_slice %arg7[%mul3A_13] : memref<10240xf32, #tpu.memory_space<vmem_shared>> -> memref<640xf32, #tpu.memory_space<vmem_shared>>
      tpu.wait_dma2 semaphore(%run_scoped3A_36 : memref<!tpu.dma_semaphore, #tpu.memory_space<semaphore_mem>>) src(%arg6 : memref<640xf32, #tpu.memory_space<vmem>>) dst(%dma_wait3A_38 : memref<640xf32, #tpu.memory_space<vmem_shared>>)
      tpu.yield
    }) : () -> ()
    %barrier3A = arith.constant 0 : index
    tpu.barrier barrier_id(%barrier3A)
    %mul3A_14 = arith.constant 16 : i32
    %mul3A_15 = arith.muli %arg0, %mul3A_14 : i32
    %add3A = arith.addi %mul3A_15, %arg1 : i32
    %mul3A_16 = arith.constant 78 : i32
    %mul3A_17 = arith.muli %add3A, %mul3A_16 : i32
    %run_scoped3A = arith.constant 1 : i32
    "tpu.region"() ({
      %run_scoped3A_36 = tpu.sem_alloc : memref<!tpu.dma_semaphore, #tpu.memory_space<semaphore_mem>>
      %dma_start3A = arith.constant 0 : i32
      %dma_start3A_37 = tpu.memref_slice %arg2[%run_scoped3A, %mul3A_17, %dma_start3A] : memref<2x2500x128xi32, #tpu.memory_space<hbm>> -> memref<1x78x128xi32, #tpu.memory_space<hbm>>
      %dma_start3A_38 = tpu.memref_squeeze %dma_start3A_37 : memref<1x78x128xi32, #tpu.memory_space<hbm>> -> memref<78x128xi32, #tpu.memory_space<hbm>>
      %dma_start3A_39 = arith.constant 0 : i32
      %dma_start3A_40 = tpu.memref_slice %arg2[%run_scoped3A, %mul3A_17, %dma_start3A_39] : memref<2x2500x128xi32, #tpu.memory_space<hbm>> -> memref<1x78x128xi32, #tpu.memory_space<hbm>>
      %dma_start3A_41 = tpu.memref_squeeze %dma_start3A_40 : memref<1x78x128xi32, #tpu.memory_space<hbm>> -> memref<78x128xi32, #tpu.memory_space<hbm>>
      tpu.enqueue_dma source(%dma_start3A_41 : memref<78x128xi32, #tpu.memory_space<hbm>>) target(%arg4 : memref<78x128xi32, #tpu.memory_space<vmem>>) target_semaphore(%run_scoped3A_36 : memref<!tpu.dma_semaphore, #tpu.memory_space<semaphore_mem>>)
      %dma_wait3A = arith.constant 0 : i32
      %dma_wait3A_42 = tpu.memref_slice %arg2[%run_scoped3A, %mul3A_17, %dma_wait3A] : memref<2x2500x128xi32, #tpu.memory_space<hbm>> -> memref<1x78x128xi32, #tpu.memory_space<hbm>>
      %dma_wait3A_43 = tpu.memref_squeeze %dma_wait3A_42 : memref<1x78x128xi32, #tpu.memory_space<hbm>> -> memref<78x128xi32, #tpu.memory_space<hbm>>
      %dma_wait3A_44 = arith.constant 0 : i32
      %dma_wait3A_45 = tpu.memref_slice %arg2[%run_scoped3A, %mul3A_17, %dma_wait3A_44] : memref<2x2500x128xi32, #tpu.memory_space<hbm>> -> memref<1x78x128xi32, #tpu.memory_space<hbm>>
      %dma_wait3A_46 = tpu.memref_squeeze %dma_wait3A_45 : memref<1x78x128xi32, #tpu.memory_space<hbm>> -> memref<78x128xi32, #tpu.memory_space<hbm>>
      tpu.wait_dma2 semaphore(%run_scoped3A_36 : memref<!tpu.dma_semaphore, #tpu.memory_space<semaphore_mem>>) src(%dma_wait3A_46 : memref<78x128xi32, #tpu.memory_space<hbm>>) dst(%arg4 : memref<78x128xi32, #tpu.memory_space<vmem>>)
      tpu.yield
    }) : () -> ()
    %scan3A_18 = arith.constant 0 : i32
    %scan3A_19 = arith.constant 0 : i32
    %scan3A_20 = arith.constant 78 : i32
    %scan3A_21 = arith.addi %scan3A_19, %scan3A_20 : i32
    %scan3A_22 = arith.constant 1 : i32
    %scan3A_23 = scf.for %scan3A_36 = %scan3A_19 to %scan3A_21 step %scan3A_22 iter_args(%scan3A_37 = %scan3A_18) -> (i32)  : i32 {
      "tpu.region"() ({
        %run_scoped3A_39 = tpu.sem_alloc : memref<!tpu.dma_semaphore, #tpu.memory_space<semaphore_mem>>
        %dma_start3A = arith.constant 0 : i32
        %dma_start3A_40 = tpu.memref_slice %arg4[%scan3A_36, %dma_start3A] : memref<78x128xi32, #tpu.memory_space<vmem>> -> memref<1x128xi32, #tpu.memory_space<vmem>>
        %dma_start3A_41 = tpu.memref_squeeze %dma_start3A_40 : memref<1x128xi32, #tpu.memory_space<vmem>> -> memref<128xi32, #tpu.memory_space<vmem>>
        %dma_start3A_42 = arith.constant 0 : i32
        %dma_start3A_43 = tpu.memref_slice %arg7[%dma_start3A_42] : memref<10240xf32, #tpu.memory_space<vmem_shared>> -> memref<10240xf32, #tpu.memory_space<vmem_shared>>
        tpu.enqueue_indirect_dma source(%arg5 : memref<128xf32, #tpu.memory_space<vmem>>) target(%dma_start3A_43 : memref<10240xf32, #tpu.memory_space<vmem_shared>>) offsets(%dma_start3A_41 : memref<128xi32, #tpu.memory_space<vmem>>) semaphore(%run_scoped3A_39 : memref<!tpu.dma_semaphore, #tpu.memory_space<semaphore_mem>>) {add = true}
        %dma_wait3A = arith.constant 0 : i32
        %dma_wait3A_44 = tpu.memref_slice %arg4[%scan3A_36, %dma_wait3A] : memref<78x128xi32, #tpu.memory_space<vmem>> -> memref<1x128xi32, #tpu.memory_space<vmem>>
        %dma_wait3A_45 = tpu.memref_squeeze %dma_wait3A_44 : memref<1x128xi32, #tpu.memory_space<vmem>> -> memref<128xi32, #tpu.memory_space<vmem>>
        %dma_wait3A_46 = arith.constant 0 : i32
        %dma_wait3A_47 = tpu.memref_slice %arg7[%dma_wait3A_46] : memref<10240xf32, #tpu.memory_space<vmem_shared>> -> memref<10240xf32, #tpu.memory_space<vmem_shared>>
        tpu.wait_indirect_dma semaphore(%run_scoped3A_39 : memref<!tpu.dma_semaphore, #tpu.memory_space<semaphore_mem>>) src(%arg5 : memref<128xf32, #tpu.memory_space<vmem>>) dst(%dma_wait3A_47 : memref<10240xf32, #tpu.memory_space<vmem_shared>>)
        tpu.yield
      }) : () -> ()
      %scan3A_38 = arith.constant 0 : i32
      scf.yield %scan3A_38 : i32
    }
    %scan3A_24 = arith.constant 78 : i32
    %eq3A = arith.constant 0 : i32
    %eq3A_25 = arith.cmpi eq, %arg0, %eq3A : i32
    %lt3A = arith.constant 4 : i32
    %lt3A_26 = arith.cmpi slt, %arg1, %lt3A : i32
    %and3A = arith.andi %eq3A_25, %lt3A_26 : i1
    %convert_element_type3A = arith.extui %and3A : i1 to i32
    %cond3A = arith.constant 0 : i32
    %cond3A_27 = arith.cmpi ne, %convert_element_type3A, %cond3A : i32
    scf.if %cond3A_27 {
      %add3A_36 = arith.constant 2496 : i32
      %add3A_37 = arith.addi %add3A_36, %arg1 : i32
      %run_scoped3A_38 = arith.constant 1 : i32
      "tpu.region"() ({
        %run_scoped3A_40 = tpu.sem_alloc : memref<!tpu.dma_semaphore, #tpu.memory_space<semaphore_mem>>
        %dma_start3A = arith.constant 0 : i32
        %dma_start3A_41 = arith.constant 0 : i32
        %dma_start3A_42 = tpu.memref_slice %arg4[%dma_start3A, %dma_start3A_41] : memref<78x128xi32, #tpu.memory_space<vmem>> -> memref<1x128xi32, #tpu.memory_space<vmem>>
        %dma_start3A_43 = arith.constant 0 : i32
        %dma_start3A_44 = tpu.memref_slice %arg2[%run_scoped3A_38, %add3A_37, %dma_start3A_43] : memref<2x2500x128xi32, #tpu.memory_space<hbm>> -> memref<1x1x128xi32, #tpu.memory_space<hbm>>
        %dma_start3A_45 = tpu.memref_squeeze %dma_start3A_44 : memref<1x1x128xi32, #tpu.memory_space<hbm>> -> memref<1x128xi32, #tpu.memory_space<hbm>>
        %dma_start3A_46 = arith.constant 0 : i32
        %dma_start3A_47 = arith.constant 0 : i32
        %dma_start3A_48 = tpu.memref_slice %arg4[%dma_start3A_46, %dma_start3A_47] : memref<78x128xi32, #tpu.memory_space<vmem>> -> memref<1x128xi32, #tpu.memory_space<vmem>>
        %dma_start3A_49 = arith.constant 0 : i32
        %dma_start3A_50 = tpu.memref_slice %arg2[%run_scoped3A_38, %add3A_37, %dma_start3A_49] : memref<2x2500x128xi32, #tpu.memory_space<hbm>> -> memref<1x1x128xi32, #tpu.memory_space<hbm>>
        %dma_start3A_51 = tpu.memref_squeeze %dma_start3A_50 : memref<1x1x128xi32, #tpu.memory_space<hbm>> -> memref<1x128xi32, #tpu.memory_space<hbm>>
        tpu.enqueue_dma source(%dma_start3A_51 : memref<1x128xi32, #tpu.memory_space<hbm>>) target(%dma_start3A_48 : memref<1x128xi32, #tpu.memory_space<vmem>>) target_semaphore(%run_scoped3A_40 : memref<!tpu.dma_semaphore, #tpu.memory_space<semaphore_mem>>)
        %dma_wait3A = arith.constant 0 : i32
        %dma_wait3A_52 = arith.constant 0 : i32
        %dma_wait3A_53 = tpu.memref_slice %arg4[%dma_wait3A, %dma_wait3A_52] : memref<78x128xi32, #tpu.memory_space<vmem>> -> memref<1x128xi32, #tpu.memory_space<vmem>>
        %dma_wait3A_54 = arith.constant 0 : i32
        %dma_wait3A_55 = tpu.memref_slice %arg2[%run_scoped3A_38, %add3A_37, %dma_wait3A_54] : memref<2x2500x128xi32, #tpu.memory_space<hbm>> -> memref<1x1x128xi32, #tpu.memory_space<hbm>>
        %dma_wait3A_56 = tpu.memref_squeeze %dma_wait3A_55 : memref<1x1x128xi32, #tpu.memory_space<hbm>> -> memref<1x128xi32, #tpu.memory_space<hbm>>
        %dma_wait3A_57 = arith.constant 0 : i32
        %dma_wait3A_58 = arith.constant 0 : i32
        %dma_wait3A_59 = tpu.memref_slice %arg4[%dma_wait3A_57, %dma_wait3A_58] : memref<78x128xi32, #tpu.memory_space<vmem>> -> memref<1x128xi32, #tpu.memory_space<vmem>>
        %dma_wait3A_60 = arith.constant 0 : i32
        %dma_wait3A_61 = tpu.memref_slice %arg2[%run_scoped3A_38, %add3A_37, %dma_wait3A_60] : memref<2x2500x128xi32, #tpu.memory_space<hbm>> -> memref<1x1x128xi32, #tpu.memory_space<hbm>>
        %dma_wait3A_62 = tpu.memref_squeeze %dma_wait3A_61 : memref<1x1x128xi32, #tpu.memory_space<hbm>> -> memref<1x128xi32, #tpu.memory_space<hbm>>
        tpu.wait_dma2 semaphore(%run_scoped3A_40 : memref<!tpu.dma_semaphore, #tpu.memory_space<semaphore_mem>>) src(%dma_wait3A_62 : memref<1x128xi32, #tpu.memory_space<hbm>>) dst(%dma_wait3A_59 : memref<1x128xi32, #tpu.memory_space<vmem>>)
        tpu.yield
      }) : () -> ()
      %run_scoped3A_39 = arith.constant 0 : i32
      "tpu.region"() ({
        %run_scoped3A_40 = tpu.sem_alloc : memref<!tpu.dma_semaphore, #tpu.memory_space<semaphore_mem>>
        %dma_start3A = arith.constant 0 : i32
        %dma_start3A_41 = tpu.memref_slice %arg4[%run_scoped3A_39, %dma_start3A] : memref<78x128xi32, #tpu.memory_space<vmem>> -> memref<1x128xi32, #tpu.memory_space<vmem>>
        %dma_start3A_42 = tpu.memref_squeeze %dma_start3A_41 : memref<1x128xi32, #tpu.memory_space<vmem>> -> memref<128xi32, #tpu.memory_space<vmem>>
        %dma_start3A_43 = arith.constant 0 : i32
        %dma_start3A_44 = tpu.memref_slice %arg7[%dma_start3A_43] : memref<10240xf32, #tpu.memory_space<vmem_shared>> -> memref<10240xf32, #tpu.memory_space<vmem_shared>>
        tpu.enqueue_indirect_dma source(%arg5 : memref<128xf32, #tpu.memory_space<vmem>>) target(%dma_start3A_44 : memref<10240xf32, #tpu.memory_space<vmem_shared>>) offsets(%dma_start3A_42 : memref<128xi32, #tpu.memory_space<vmem>>) semaphore(%run_scoped3A_40 : memref<!tpu.dma_semaphore, #tpu.memory_space<semaphore_mem>>) {add = true}
        %dma_wait3A = arith.constant 0 : i32
        %dma_wait3A_45 = tpu.memref_slice %arg4[%run_scoped3A_39, %dma_wait3A] : memref<78x128xi32, #tpu.memory_space<vmem>> -> memref<1x128xi32, #tpu.memory_space<vmem>>
        %dma_wait3A_46 = tpu.memref_squeeze %dma_wait3A_45 : memref<1x128xi32, #tpu.memory_space<vmem>> -> memref<128xi32, #tpu.memory_space<vmem>>
        %dma_wait3A_47 = arith.constant 0 : i32
        %dma_wait3A_48 = tpu.memref_slice %arg7[%dma_wait3A_47] : memref<10240xf32, #tpu.memory_space<vmem_shared>> -> memref<10240xf32, #tpu.memory_space<vmem_shared>>
        tpu.wait_indirect_dma semaphore(%run_scoped3A_40 : memref<!tpu.dma_semaphore, #tpu.memory_space<semaphore_mem>>) src(%arg5 : memref<128xf32, #tpu.memory_space<vmem>>) dst(%dma_wait3A_48 : memref<10240xf32, #tpu.memory_space<vmem_shared>>)
        tpu.yield
      }) : () -> ()
    } else {
    }
    %barrier3A_28 = arith.constant 0 : index
    tpu.barrier barrier_id(%barrier3A_28)
    %mul3A_29 = arith.constant 640 : i32
    %mul3A_30 = arith.muli %arg1, %mul3A_29 : i32
    "tpu.region"() ({
      %run_scoped3A_36 = tpu.sem_alloc : memref<!tpu.dma_semaphore, #tpu.memory_space<semaphore_mem>>
      %dma_start3A = tpu.memref_slice %arg7[%mul3A_30] : memref<10240xf32, #tpu.memory_space<vmem_shared>> -> memref<640xf32, #tpu.memory_space<vmem_shared>>
      %dma_start3A_37 = tpu.memref_slice %arg7[%mul3A_30] : memref<10240xf32, #tpu.memory_space<vmem_shared>> -> memref<640xf32, #tpu.memory_space<vmem_shared>>
      tpu.enqueue_dma source(%dma_start3A_37 : memref<640xf32, #tpu.memory_space<vmem_shared>>) target(%arg6 : memref<640xf32, #tpu.memory_space<vmem>>) target_semaphore(%run_scoped3A_36 : memref<!tpu.dma_semaphore, #tpu.memory_space<semaphore_mem>>)
      %dma_wait3A = tpu.memref_slice %arg7[%mul3A_30] : memref<10240xf32, #tpu.memory_space<vmem_shared>> -> memref<640xf32, #tpu.memory_space<vmem_shared>>
      %dma_wait3A_38 = tpu.memref_slice %arg7[%mul3A_30] : memref<10240xf32, #tpu.memory_space<vmem_shared>> -> memref<640xf32, #tpu.memory_space<vmem_shared>>
      tpu.wait_dma2 semaphore(%run_scoped3A_36 : memref<!tpu.dma_semaphore, #tpu.memory_space<semaphore_mem>>) src(%dma_wait3A_38 : memref<640xf32, #tpu.memory_space<vmem_shared>>) dst(%arg6 : memref<640xf32, #tpu.memory_space<vmem>>)
      tpu.yield
    }) : () -> ()
    %mul3A_31 = arith.constant 10240 : i32
    %mul3A_32 = arith.muli %arg0, %mul3A_31 : i32
    %mul3A_33 = arith.constant 640 : i32
    %mul3A_34 = arith.muli %arg1, %mul3A_33 : i32
    %add3A_35 = arith.addi %mul3A_32, %mul3A_34 : i32
    "tpu.region"() ({
      %run_scoped3A_36 = tpu.sem_alloc : memref<!tpu.dma_semaphore, #tpu.memory_space<semaphore_mem>>
      %dma_start3A = tpu.memref_slice %arg3[%add3A_35] : memref<20480xf32, #tpu.memory_space<hbm>> -> memref<640xf32, #tpu.memory_space<hbm>>
      %dma_start3A_37 = tpu.memref_slice %arg3[%add3A_35] : memref<20480xf32, #tpu.memory_space<hbm>> -> memref<640xf32, #tpu.memory_space<hbm>>
      tpu.enqueue_dma source(%arg6 : memref<640xf32, #tpu.memory_space<vmem>>) target(%dma_start3A_37 : memref<640xf32, #tpu.memory_space<hbm>>) target_semaphore(%run_scoped3A_36 : memref<!tpu.dma_semaphore, #tpu.memory_space<semaphore_mem>>)
      %dma_wait3A = tpu.memref_slice %arg3[%add3A_35] : memref<20480xf32, #tpu.memory_space<hbm>> -> memref<640xf32, #tpu.memory_space<hbm>>
      %dma_wait3A_38 = tpu.memref_slice %arg3[%add3A_35] : memref<20480xf32, #tpu.memory_space<hbm>> -> memref<640xf32, #tpu.memory_space<hbm>>
      tpu.wait_dma2 semaphore(%run_scoped3A_36 : memref<!tpu.dma_semaphore, #tpu.memory_space<semaphore_mem>>) src(%arg6 : memref<640xf32, #tpu.memory_space<vmem>>) dst(%dma_wait3A_38 : memref<640xf32, #tpu.memory_space<hbm>>)
      tpu.yield
    }) : () -> ()
    return
  }
}

#map = affine_map<(d0, d1) -> (0, 0)>
#map1 = affine_map<(d0, d1) -> (0, 0, 0)>
module attributes {stable_mosaic.version = 14 : i64} {
  func.func @body(%arg0: i32, %arg1: i32, %arg2: memref<10240x48xf32, #tpu.memory_space<hbm>>, %arg3: memref<2x2500x128xi32, #tpu.memory_space<hbm>>, %arg4: memref<2x10240x48xf32, #tpu.memory_space<hbm>>, %arg5: memref<78x128xi32, #tpu.memory_space<vmem>>, %arg6: memref<78x128xi32, #tpu.memory_space<vmem>>, %arg7: memref<128x48xf32, #tpu.memory_space<vmem>>, %arg8: memref<128x48xf32, #tpu.memory_space<vmem>>, %arg9: memref<10240x48xf32, #tpu.memory_space<vmem_shared>>, %arg10: memref<10240x48xf32, #tpu.memory_space<vmem_shared>>, %arg11: memref<!tpu.dma_semaphore, #tpu.memory_space<semaphore_mem>>, %arg12: memref<!tpu.dma_semaphore, #tpu.memory_space<semaphore_mem>>, %arg13: memref<!tpu.dma_semaphore, #tpu.memory_space<semaphore_mem>>, %arg14: memref<!tpu.dma_semaphore, #tpu.memory_space<semaphore_mem>>) attributes {dimension_semantics = [#tpu.dimension_semantics<core_parallel>, #tpu.dimension_semantics<subcore_parallel>], iteration_bounds = array<i64: 2, 16>, scalar_prefetch = 0 : i64, scratch_operands = 10 : i64, tpu.core_type = #tpu.core_type<sc_vector_subcore>, window_params = [{transform_indices = #map}, {transform_indices = #map1}, {transform_indices = #map1}]} {
    %scan3A = arith.constant 0 : i32
    %scan3A_0 = arith.constant 0 : i32
    %scan3A_1 = arith.constant 128 : i32
    %scan3A_2 = arith.addi %scan3A_0, %scan3A_1 : i32
    %scan3A_3 = arith.constant 1 : i32
    %scan3A_4 = scf.for %scan3A_80 = %scan3A_0 to %scan3A_2 step %scan3A_3 iter_args(%scan3A_81 = %scan3A) -> (i32)  : i32 {
      %broadcast_in_dim3A = arith.constant 0.000000e+00 : f32
      %broadcast_in_dim3A_82 = vector.broadcast %broadcast_in_dim3A : f32 to vector<16xf32>
      %swap3A = arith.index_cast %scan3A_80 : i32 to index
      %swap3A_83 = arith.constant 0 : index
      %swap3A_84 = tpu.vector_load %arg7[%swap3A, %swap3A_83] {strides = array<i32>} : memref<128x48xf32, #tpu.memory_space<vmem>>, vector<1x16xf32>,
      %swap3A_85 = vector.shape_cast %swap3A_84 : vector<1x16xf32> to vector<16xf32>
      %swap3A_86 = vector.shape_cast %broadcast_in_dim3A_82 : vector<16xf32> to vector<1x16xf32>
      tpu.vector_store %arg7[%swap3A, %swap3A_83], %swap3A_86 {strides = array<i32>} : memref<128x48xf32, #tpu.memory_space<vmem>>, vector<1x16xf32>,
      %broadcast_in_dim3A_87 = arith.constant 0.000000e+00 : f32
      %broadcast_in_dim3A_88 = vector.broadcast %broadcast_in_dim3A_87 : f32 to vector<16xf32>
      %swap3A_89 = arith.index_cast %scan3A_80 : i32 to index
      %swap3A_90 = arith.constant 16 : index
      %swap3A_91 = tpu.vector_load %arg7[%swap3A_89, %swap3A_90] {strides = array<i32>} : memref<128x48xf32, #tpu.memory_space<vmem>>, vector<1x16xf32>,
      %swap3A_92 = vector.shape_cast %swap3A_91 : vector<1x16xf32> to vector<16xf32>
      %swap3A_93 = vector.shape_cast %broadcast_in_dim3A_88 : vector<16xf32> to vector<1x16xf32>
      tpu.vector_store %arg7[%swap3A_89, %swap3A_90], %swap3A_93 {strides = array<i32>} : memref<128x48xf32, #tpu.memory_space<vmem>>, vector<1x16xf32>,
      %broadcast_in_dim3A_94 = arith.constant 0.000000e+00 : f32
      %broadcast_in_dim3A_95 = vector.broadcast %broadcast_in_dim3A_94 : f32 to vector<16xf32>
      %swap3A_96 = arith.index_cast %scan3A_80 : i32 to index
      %swap3A_97 = arith.constant 32 : index
      %swap3A_98 = tpu.vector_load %arg7[%swap3A_96, %swap3A_97] {strides = array<i32>} : memref<128x48xf32, #tpu.memory_space<vmem>>, vector<1x16xf32>,
      %swap3A_99 = vector.shape_cast %swap3A_98 : vector<1x16xf32> to vector<16xf32>
      %swap3A_100 = vector.shape_cast %broadcast_in_dim3A_95 : vector<16xf32> to vector<1x16xf32>
      tpu.vector_store %arg7[%swap3A_96, %swap3A_97], %swap3A_100 {strides = array<i32>} : memref<128x48xf32, #tpu.memory_space<vmem>>, vector<1x16xf32>,
      %scan3A_101 = arith.constant 0 : i32
      scf.yield %scan3A_101 : i32
    }
    %scan3A_5 = arith.constant 128 : i32
    %mul3A = arith.constant 640 : i32
    %mul3A_6 = arith.muli %arg1, %mul3A : i32
    %add3A = arith.constant 0 : i32
    %add3A_7 = arith.addi %mul3A_6, %add3A : i32
    "tpu.region"() ({
      %run_scoped3A_80 = tpu.sem_alloc : memref<!tpu.dma_semaphore, #tpu.memory_space<semaphore_mem>>
      %dma_start3A_81 = arith.constant 0 : i32
      %dma_start3A_82 = tpu.memref_slice %arg9[%add3A_7, %dma_start3A_81] : memref<10240x48xf32, #tpu.memory_space<vmem_shared>> -> memref<128x48xf32, #tpu.memory_space<vmem_shared>>
      %dma_start3A_83 = arith.constant 0 : i32
      %dma_start3A_84 = tpu.memref_slice %arg9[%add3A_7, %dma_start3A_83] : memref<10240x48xf32, #tpu.memory_space<vmem_shared>> -> memref<128x48xf32, #tpu.memory_space<vmem_shared>>
      tpu.enqueue_dma source(%arg7 : memref<128x48xf32, #tpu.memory_space<vmem>>) target(%dma_start3A_84 : memref<128x48xf32, #tpu.memory_space<vmem_shared>>) target_semaphore(%run_scoped3A_80 : memref<!tpu.dma_semaphore, #tpu.memory_space<semaphore_mem>>)
      %dma_wait3A_85 = arith.constant 0 : i32
      %dma_wait3A_86 = tpu.memref_slice %arg9[%add3A_7, %dma_wait3A_85] : memref<10240x48xf32, #tpu.memory_space<vmem_shared>> -> memref<128x48xf32, #tpu.memory_space<vmem_shared>>
      %dma_wait3A_87 = arith.constant 0 : i32
      %dma_wait3A_88 = tpu.memref_slice %arg9[%add3A_7, %dma_wait3A_87] : memref<10240x48xf32, #tpu.memory_space<vmem_shared>> -> memref<128x48xf32, #tpu.memory_space<vmem_shared>>
      tpu.wait_dma2 semaphore(%run_scoped3A_80 : memref<!tpu.dma_semaphore, #tpu.memory_space<semaphore_mem>>) src(%arg7 : memref<128x48xf32, #tpu.memory_space<vmem>>) dst(%dma_wait3A_88 : memref<128x48xf32, #tpu.memory_space<vmem_shared>>)
      tpu.yield
    }) : () -> ()
    "tpu.region"() ({
      %run_scoped3A_80 = tpu.sem_alloc : memref<!tpu.dma_semaphore, #tpu.memory_space<semaphore_mem>>
      %dma_start3A_81 = arith.constant 0 : i32
      %dma_start3A_82 = tpu.memref_slice %arg2[%add3A_7, %dma_start3A_81] : memref<10240x48xf32, #tpu.memory_space<hbm>> -> memref<128x48xf32, #tpu.memory_space<hbm>>
      %dma_start3A_83 = arith.constant 0 : i32
      %dma_start3A_84 = tpu.memref_slice %arg2[%add3A_7, %dma_start3A_83] : memref<10240x48xf32, #tpu.memory_space<hbm>> -> memref<128x48xf32, #tpu.memory_space<hbm>>
      tpu.enqueue_dma source(%dma_start3A_84 : memref<128x48xf32, #tpu.memory_space<hbm>>) target(%arg8 : memref<128x48xf32, #tpu.memory_space<vmem>>) target_semaphore(%run_scoped3A_80 : memref<!tpu.dma_semaphore, #tpu.memory_space<semaphore_mem>>)
      %dma_wait3A_85 = arith.constant 0 : i32
      %dma_wait3A_86 = tpu.memref_slice %arg2[%add3A_7, %dma_wait3A_85] : memref<10240x48xf32, #tpu.memory_space<hbm>> -> memref<128x48xf32, #tpu.memory_space<hbm>>
      %dma_wait3A_87 = arith.constant 0 : i32
      %dma_wait3A_88 = tpu.memref_slice %arg2[%add3A_7, %dma_wait3A_87] : memref<10240x48xf32, #tpu.memory_space<hbm>> -> memref<128x48xf32, #tpu.memory_space<hbm>>
      tpu.wait_dma2 semaphore(%run_scoped3A_80 : memref<!tpu.dma_semaphore, #tpu.memory_space<semaphore_mem>>) src(%dma_wait3A_88 : memref<128x48xf32, #tpu.memory_space<hbm>>) dst(%arg8 : memref<128x48xf32, #tpu.memory_space<vmem>>)
      tpu.yield
    }) : () -> ()
    "tpu.region"() ({
      %run_scoped3A_80 = tpu.sem_alloc : memref<!tpu.dma_semaphore, #tpu.memory_space<semaphore_mem>>
      %dma_start3A_81 = arith.constant 0 : i32
      %dma_start3A_82 = tpu.memref_slice %arg10[%add3A_7, %dma_start3A_81] : memref<10240x48xf32, #tpu.memory_space<vmem_shared>> -> memref<128x48xf32, #tpu.memory_space<vmem_shared>>
      %dma_start3A_83 = arith.constant 0 : i32
      %dma_start3A_84 = tpu.memref_slice %arg10[%add3A_7, %dma_start3A_83] : memref<10240x48xf32, #tpu.memory_space<vmem_shared>> -> memref<128x48xf32, #tpu.memory_space<vmem_shared>>
      tpu.enqueue_dma source(%arg8 : memref<128x48xf32, #tpu.memory_space<vmem>>) target(%dma_start3A_84 : memref<128x48xf32, #tpu.memory_space<vmem_shared>>) target_semaphore(%run_scoped3A_80 : memref<!tpu.dma_semaphore, #tpu.memory_space<semaphore_mem>>)
      %dma_wait3A_85 = arith.constant 0 : i32
      %dma_wait3A_86 = tpu.memref_slice %arg10[%add3A_7, %dma_wait3A_85] : memref<10240x48xf32, #tpu.memory_space<vmem_shared>> -> memref<128x48xf32, #tpu.memory_space<vmem_shared>>
      %dma_wait3A_87 = arith.constant 0 : i32
      %dma_wait3A_88 = tpu.memref_slice %arg10[%add3A_7, %dma_wait3A_87] : memref<10240x48xf32, #tpu.memory_space<vmem_shared>> -> memref<128x48xf32, #tpu.memory_space<vmem_shared>>
      tpu.wait_dma2 semaphore(%run_scoped3A_80 : memref<!tpu.dma_semaphore, #tpu.memory_space<semaphore_mem>>) src(%arg8 : memref<128x48xf32, #tpu.memory_space<vmem>>) dst(%dma_wait3A_88 : memref<128x48xf32, #tpu.memory_space<vmem_shared>>)
      tpu.yield
    }) : () -> ()
    %mul3A_8 = arith.constant 640 : i32
    %mul3A_9 = arith.muli %arg1, %mul3A_8 : i32
    %add3A_10 = arith.constant 128 : i32
    %add3A_11 = arith.addi %mul3A_9, %add3A_10 : i32
    "tpu.region"() ({
      %run_scoped3A_80 = tpu.sem_alloc : memref<!tpu.dma_semaphore, #tpu.memory_space<semaphore_mem>>
      %dma_start3A_81 = arith.constant 0 : i32
      %dma_start3A_82 = tpu.memref_slice %arg9[%add3A_11, %dma_start3A_81] : memref<10240x48xf32, #tpu.memory_space<vmem_shared>> -> memref<128x48xf32, #tpu.memory_space<vmem_shared>>
      %dma_start3A_83 = arith.constant 0 : i32
      %dma_start3A_84 = tpu.memref_slice %arg9[%add3A_11, %dma_start3A_83] : memref<10240x48xf32, #tpu.memory_space<vmem_shared>> -> memref<128x48xf32, #tpu.memory_space<vmem_shared>>
      tpu.enqueue_dma source(%arg7 : memref<128x48xf32, #tpu.memory_space<vmem>>) target(%dma_start3A_84 : memref<128x48xf32, #tpu.memory_space<vmem_shared>>) target_semaphore(%run_scoped3A_80 : memref<!tpu.dma_semaphore, #tpu.memory_space<semaphore_mem>>)
      %dma_wait3A_85 = arith.constant 0 : i32
      %dma_wait3A_86 = tpu.memref_slice %arg9[%add3A_11, %dma_wait3A_85] : memref<10240x48xf32, #tpu.memory_space<vmem_shared>> -> memref<128x48xf32, #tpu.memory_space<vmem_shared>>
      %dma_wait3A_87 = arith.constant 0 : i32
      %dma_wait3A_88 = tpu.memref_slice %arg9[%add3A_11, %dma_wait3A_87] : memref<10240x48xf32, #tpu.memory_space<vmem_shared>> -> memref<128x48xf32, #tpu.memory_space<vmem_shared>>
      tpu.wait_dma2 semaphore(%run_scoped3A_80 : memref<!tpu.dma_semaphore, #tpu.memory_space<semaphore_mem>>) src(%arg7 : memref<128x48xf32, #tpu.memory_space<vmem>>) dst(%dma_wait3A_88 : memref<128x48xf32, #tpu.memory_space<vmem_shared>>)
      tpu.yield
    }) : () -> ()
    "tpu.region"() ({
      %run_scoped3A_80 = tpu.sem_alloc : memref<!tpu.dma_semaphore, #tpu.memory_space<semaphore_mem>>
      %dma_start3A_81 = arith.constant 0 : i32
      %dma_start3A_82 = tpu.memref_slice %arg2[%add3A_11, %dma_start3A_81] : memref<10240x48xf32, #tpu.memory_space<hbm>> -> memref<128x48xf32, #tpu.memory_space<hbm>>
      %dma_start3A_83 = arith.constant 0 : i32
      %dma_start3A_84 = tpu.memref_slice %arg2[%add3A_11, %dma_start3A_83] : memref<10240x48xf32, #tpu.memory_space<hbm>> -> memref<128x48xf32, #tpu.memory_space<hbm>>
      tpu.enqueue_dma source(%dma_start3A_84 : memref<128x48xf32, #tpu.memory_space<hbm>>) target(%arg8 : memref<128x48xf32, #tpu.memory_space<vmem>>) target_semaphore(%run_scoped3A_80 : memref<!tpu.dma_semaphore, #tpu.memory_space<semaphore_mem>>)
      %dma_wait3A_85 = arith.constant 0 : i32
      %dma_wait3A_86 = tpu.memref_slice %arg2[%add3A_11, %dma_wait3A_85] : memref<10240x48xf32, #tpu.memory_space<hbm>> -> memref<128x48xf32, #tpu.memory_space<hbm>>
      %dma_wait3A_87 = arith.constant 0 : i32
      %dma_wait3A_88 = tpu.memref_slice %arg2[%add3A_11, %dma_wait3A_87] : memref<10240x48xf32, #tpu.memory_space<hbm>> -> memref<128x48xf32, #tpu.memory_space<hbm>>
      tpu.wait_dma2 semaphore(%run_scoped3A_80 : memref<!tpu.dma_semaphore, #tpu.memory_space<semaphore_mem>>) src(%dma_wait3A_88 : memref<128x48xf32, #tpu.memory_space<hbm>>) dst(%arg8 : memref<128x48xf32, #tpu.memory_space<vmem>>)
      tpu.yield
    }) : () -> ()
    "tpu.region"() ({
      %run_scoped3A_80 = tpu.sem_alloc : memref<!tpu.dma_semaphore, #tpu.memory_space<semaphore_mem>>
      %dma_start3A_81 = arith.constant 0 : i32
      %dma_start3A_82 = tpu.memref_slice %arg10[%add3A_11, %dma_start3A_81] : memref<10240x48xf32, #tpu.memory_space<vmem_shared>> -> memref<128x48xf32, #tpu.memory_space<vmem_shared>>
      %dma_start3A_83 = arith.constant 0 : i32
      %dma_start3A_84 = tpu.memref_slice %arg10[%add3A_11, %dma_start3A_83] : memref<10240x48xf32, #tpu.memory_space<vmem_shared>> -> memref<128x48xf32, #tpu.memory_space<vmem_shared>>
      tpu.enqueue_dma source(%arg8 : memref<128x48xf32, #tpu.memory_space<vmem>>) target(%dma_start3A_84 : memref<128x48xf32, #tpu.memory_space<vmem_shared>>) target_semaphore(%run_scoped3A_80 : memref<!tpu.dma_semaphore, #tpu.memory_space<semaphore_mem>>)
      %dma_wait3A_85 = arith.constant 0 : i32
      %dma_wait3A_86 = tpu.memref_slice %arg10[%add3A_11, %dma_wait3A_85] : memref<10240x48xf32, #tpu.memory_space<vmem_shared>> -> memref<128x48xf32, #tpu.memory_space<vmem_shared>>
      %dma_wait3A_87 = arith.constant 0 : i32
      %dma_wait3A_88 = tpu.memref_slice %arg10[%add3A_11, %dma_wait3A_87] : memref<10240x48xf32, #tpu.memory_space<vmem_shared>> -> memref<128x48xf32, #tpu.memory_space<vmem_shared>>
      tpu.wait_dma2 semaphore(%run_scoped3A_80 : memref<!tpu.dma_semaphore, #tpu.memory_space<semaphore_mem>>) src(%arg8 : memref<128x48xf32, #tpu.memory_space<vmem>>) dst(%dma_wait3A_88 : memref<128x48xf32, #tpu.memory_space<vmem_shared>>)
      tpu.yield
    }) : () -> ()
    %mul3A_12 = arith.constant 640 : i32
    %mul3A_13 = arith.muli %arg1, %mul3A_12 : i32
    %add3A_14 = arith.constant 256 : i32
    %add3A_15 = arith.addi %mul3A_13, %add3A_14 : i32
    "tpu.region"() ({
      %run_scoped3A_80 = tpu.sem_alloc : memref<!tpu.dma_semaphore, #tpu.memory_space<semaphore_mem>>
      %dma_start3A_81 = arith.constant 0 : i32
      %dma_start3A_82 = tpu.memref_slice %arg9[%add3A_15, %dma_start3A_81] : memref<10240x48xf32, #tpu.memory_space<vmem_shared>> -> memref<128x48xf32, #tpu.memory_space<vmem_shared>>
      %dma_start3A_83 = arith.constant 0 : i32
      %dma_start3A_84 = tpu.memref_slice %arg9[%add3A_15, %dma_start3A_83] : memref<10240x48xf32, #tpu.memory_space<vmem_shared>> -> memref<128x48xf32, #tpu.memory_space<vmem_shared>>
      tpu.enqueue_dma source(%arg7 : memref<128x48xf32, #tpu.memory_space<vmem>>) target(%dma_start3A_84 : memref<128x48xf32, #tpu.memory_space<vmem_shared>>) target_semaphore(%run_scoped3A_80 : memref<!tpu.dma_semaphore, #tpu.memory_space<semaphore_mem>>)
      %dma_wait3A_85 = arith.constant 0 : i32
      %dma_wait3A_86 = tpu.memref_slice %arg9[%add3A_15, %dma_wait3A_85] : memref<10240x48xf32, #tpu.memory_space<vmem_shared>> -> memref<128x48xf32, #tpu.memory_space<vmem_shared>>
      %dma_wait3A_87 = arith.constant 0 : i32
      %dma_wait3A_88 = tpu.memref_slice %arg9[%add3A_15, %dma_wait3A_87] : memref<10240x48xf32, #tpu.memory_space<vmem_shared>> -> memref<128x48xf32, #tpu.memory_space<vmem_shared>>
      tpu.wait_dma2 semaphore(%run_scoped3A_80 : memref<!tpu.dma_semaphore, #tpu.memory_space<semaphore_mem>>) src(%arg7 : memref<128x48xf32, #tpu.memory_space<vmem>>) dst(%dma_wait3A_88 : memref<128x48xf32, #tpu.memory_space<vmem_shared>>)
      tpu.yield
    }) : () -> ()
    "tpu.region"() ({
      %run_scoped3A_80 = tpu.sem_alloc : memref<!tpu.dma_semaphore, #tpu.memory_space<semaphore_mem>>
      %dma_start3A_81 = arith.constant 0 : i32
      %dma_start3A_82 = tpu.memref_slice %arg2[%add3A_15, %dma_start3A_81] : memref<10240x48xf32, #tpu.memory_space<hbm>> -> memref<128x48xf32, #tpu.memory_space<hbm>>
      %dma_start3A_83 = arith.constant 0 : i32
      %dma_start3A_84 = tpu.memref_slice %arg2[%add3A_15, %dma_start3A_83] : memref<10240x48xf32, #tpu.memory_space<hbm>> -> memref<128x48xf32, #tpu.memory_space<hbm>>
      tpu.enqueue_dma source(%dma_start3A_84 : memref<128x48xf32, #tpu.memory_space<hbm>>) target(%arg8 : memref<128x48xf32, #tpu.memory_space<vmem>>) target_semaphore(%run_scoped3A_80 : memref<!tpu.dma_semaphore, #tpu.memory_space<semaphore_mem>>)
      %dma_wait3A_85 = arith.constant 0 : i32
      %dma_wait3A_86 = tpu.memref_slice %arg2[%add3A_15, %dma_wait3A_85] : memref<10240x48xf32, #tpu.memory_space<hbm>> -> memref<128x48xf32, #tpu.memory_space<hbm>>
      %dma_wait3A_87 = arith.constant 0 : i32
      %dma_wait3A_88 = tpu.memref_slice %arg2[%add3A_15, %dma_wait3A_87] : memref<10240x48xf32, #tpu.memory_space<hbm>> -> memref<128x48xf32, #tpu.memory_space<hbm>>
      tpu.wait_dma2 semaphore(%run_scoped3A_80 : memref<!tpu.dma_semaphore, #tpu.memory_space<semaphore_mem>>) src(%dma_wait3A_88 : memref<128x48xf32, #tpu.memory_space<hbm>>) dst(%arg8 : memref<128x48xf32, #tpu.memory_space<vmem>>)
      tpu.yield
    }) : () -> ()
    "tpu.region"() ({
      %run_scoped3A_80 = tpu.sem_alloc : memref<!tpu.dma_semaphore, #tpu.memory_space<semaphore_mem>>
      %dma_start3A_81 = arith.constant 0 : i32
      %dma_start3A_82 = tpu.memref_slice %arg10[%add3A_15, %dma_start3A_81] : memref<10240x48xf32, #tpu.memory_space<vmem_shared>> -> memref<128x48xf32, #tpu.memory_space<vmem_shared>>
      %dma_start3A_83 = arith.constant 0 : i32
      %dma_start3A_84 = tpu.memref_slice %arg10[%add3A_15, %dma_start3A_83] : memref<10240x48xf32, #tpu.memory_space<vmem_shared>> -> memref<128x48xf32, #tpu.memory_space<vmem_shared>>
      tpu.enqueue_dma source(%arg8 : memref<128x48xf32, #tpu.memory_space<vmem>>) target(%dma_start3A_84 : memref<128x48xf32, #tpu.memory_space<vmem_shared>>) target_semaphore(%run_scoped3A_80 : memref<!tpu.dma_semaphore, #tpu.memory_space<semaphore_mem>>)
      %dma_wait3A_85 = arith.constant 0 : i32
      %dma_wait3A_86 = tpu.memref_slice %arg10[%add3A_15, %dma_wait3A_85] : memref<10240x48xf32, #tpu.memory_space<vmem_shared>> -> memref<128x48xf32, #tpu.memory_space<vmem_shared>>
      %dma_wait3A_87 = arith.constant 0 : i32
      %dma_wait3A_88 = tpu.memref_slice %arg10[%add3A_15, %dma_wait3A_87] : memref<10240x48xf32, #tpu.memory_space<vmem_shared>> -> memref<128x48xf32, #tpu.memory_space<vmem_shared>>
      tpu.wait_dma2 semaphore(%run_scoped3A_80 : memref<!tpu.dma_semaphore, #tpu.memory_space<semaphore_mem>>) src(%arg8 : memref<128x48xf32, #tpu.memory_space<vmem>>) dst(%dma_wait3A_88 : memref<128x48xf32, #tpu.memory_space<vmem_shared>>)
      tpu.yield
    }) : () -> ()
    %mul3A_16 = arith.constant 640 : i32
    %mul3A_17 = arith.muli %arg1, %mul3A_16 : i32
    %add3A_18 = arith.constant 384 : i32
    %add3A_19 = arith.addi %mul3A_17, %add3A_18 : i32
    "tpu.region"() ({
      %run_scoped3A_80 = tpu.sem_alloc : memref<!tpu.dma_semaphore, #tpu.memory_space<semaphore_mem>>
      %dma_start3A_81 = arith.constant 0 : i32
      %dma_start3A_82 = tpu.memref_slice %arg9[%add3A_19, %dma_start3A_81] : memref<10240x48xf32, #tpu.memory_space<vmem_shared>> -> memref<128x48xf32, #tpu.memory_space<vmem_shared>>
      %dma_start3A_83 = arith.constant 0 : i32
      %dma_start3A_84 = tpu.memref_slice %arg9[%add3A_19, %dma_start3A_83] : memref<10240x48xf32, #tpu.memory_space<vmem_shared>> -> memref<128x48xf32, #tpu.memory_space<vmem_shared>>
      tpu.enqueue_dma source(%arg7 : memref<128x48xf32, #tpu.memory_space<vmem>>) target(%dma_start3A_84 : memref<128x48xf32, #tpu.memory_space<vmem_shared>>) target_semaphore(%run_scoped3A_80 : memref<!tpu.dma_semaphore, #tpu.memory_space<semaphore_mem>>)
      %dma_wait3A_85 = arith.constant 0 : i32
      %dma_wait3A_86 = tpu.memref_slice %arg9[%add3A_19, %dma_wait3A_85] : memref<10240x48xf32, #tpu.memory_space<vmem_shared>> -> memref<128x48xf32, #tpu.memory_space<vmem_shared>>
      %dma_wait3A_87 = arith.constant 0 : i32
      %dma_wait3A_88 = tpu.memref_slice %arg9[%add3A_19, %dma_wait3A_87] : memref<10240x48xf32, #tpu.memory_space<vmem_shared>> -> memref<128x48xf32, #tpu.memory_space<vmem_shared>>
      tpu.wait_dma2 semaphore(%run_scoped3A_80 : memref<!tpu.dma_semaphore, #tpu.memory_space<semaphore_mem>>) src(%arg7 : memref<128x48xf32, #tpu.memory_space<vmem>>) dst(%dma_wait3A_88 : memref<128x48xf32, #tpu.memory_space<vmem_shared>>)
      tpu.yield
    }) : () -> ()
    "tpu.region"() ({
      %run_scoped3A_80 = tpu.sem_alloc : memref<!tpu.dma_semaphore, #tpu.memory_space<semaphore_mem>>
      %dma_start3A_81 = arith.constant 0 : i32
      %dma_start3A_82 = tpu.memref_slice %arg2[%add3A_19, %dma_start3A_81] : memref<10240x48xf32, #tpu.memory_space<hbm>> -> memref<128x48xf32, #tpu.memory_space<hbm>>
      %dma_start3A_83 = arith.constant 0 : i32
      %dma_start3A_84 = tpu.memref_slice %arg2[%add3A_19, %dma_start3A_83] : memref<10240x48xf32, #tpu.memory_space<hbm>> -> memref<128x48xf32, #tpu.memory_space<hbm>>
      tpu.enqueue_dma source(%dma_start3A_84 : memref<128x48xf32, #tpu.memory_space<hbm>>) target(%arg8 : memref<128x48xf32, #tpu.memory_space<vmem>>) target_semaphore(%run_scoped3A_80 : memref<!tpu.dma_semaphore, #tpu.memory_space<semaphore_mem>>)
      %dma_wait3A_85 = arith.constant 0 : i32
      %dma_wait3A_86 = tpu.memref_slice %arg2[%add3A_19, %dma_wait3A_85] : memref<10240x48xf32, #tpu.memory_space<hbm>> -> memref<128x48xf32, #tpu.memory_space<hbm>>
      %dma_wait3A_87 = arith.constant 0 : i32
      %dma_wait3A_88 = tpu.memref_slice %arg2[%add3A_19, %dma_wait3A_87] : memref<10240x48xf32, #tpu.memory_space<hbm>> -> memref<128x48xf32, #tpu.memory_space<hbm>>
      tpu.wait_dma2 semaphore(%run_scoped3A_80 : memref<!tpu.dma_semaphore, #tpu.memory_space<semaphore_mem>>) src(%dma_wait3A_88 : memref<128x48xf32, #tpu.memory_space<hbm>>) dst(%arg8 : memref<128x48xf32, #tpu.memory_space<vmem>>)
      tpu.yield
    }) : () -> ()
    "tpu.region"() ({
      %run_scoped3A_80 = tpu.sem_alloc : memref<!tpu.dma_semaphore, #tpu.memory_space<semaphore_mem>>
      %dma_start3A_81 = arith.constant 0 : i32
      %dma_start3A_82 = tpu.memref_slice %arg10[%add3A_19, %dma_start3A_81] : memref<10240x48xf32, #tpu.memory_space<vmem_shared>> -> memref<128x48xf32, #tpu.memory_space<vmem_shared>>
      %dma_start3A_83 = arith.constant 0 : i32
      %dma_start3A_84 = tpu.memref_slice %arg10[%add3A_19, %dma_start3A_83] : memref<10240x48xf32, #tpu.memory_space<vmem_shared>> -> memref<128x48xf32, #tpu.memory_space<vmem_shared>>
      tpu.enqueue_dma source(%arg8 : memref<128x48xf32, #tpu.memory_space<vmem>>) target(%dma_start3A_84 : memref<128x48xf32, #tpu.memory_space<vmem_shared>>) target_semaphore(%run_scoped3A_80 : memref<!tpu.dma_semaphore, #tpu.memory_space<semaphore_mem>>)
      %dma_wait3A_85 = arith.constant 0 : i32
      %dma_wait3A_86 = tpu.memref_slice %arg10[%add3A_19, %dma_wait3A_85] : memref<10240x48xf32, #tpu.memory_space<vmem_shared>> -> memref<128x48xf32, #tpu.memory_space<vmem_shared>>
      %dma_wait3A_87 = arith.constant 0 : i32
      %dma_wait3A_88 = tpu.memref_slice %arg10[%add3A_19, %dma_wait3A_87] : memref<10240x48xf32, #tpu.memory_space<vmem_shared>> -> memref<128x48xf32, #tpu.memory_space<vmem_shared>>
      tpu.wait_dma2 semaphore(%run_scoped3A_80 : memref<!tpu.dma_semaphore, #tpu.memory_space<semaphore_mem>>) src(%arg8 : memref<128x48xf32, #tpu.memory_space<vmem>>) dst(%dma_wait3A_88 : memref<128x48xf32, #tpu.memory_space<vmem_shared>>)
      tpu.yield
    }) : () -> ()
    %mul3A_20 = arith.constant 640 : i32
    %mul3A_21 = arith.muli %arg1, %mul3A_20 : i32
    %add3A_22 = arith.constant 512 : i32
    %add3A_23 = arith.addi %mul3A_21, %add3A_22 : i32
    "tpu.region"() ({
      %run_scoped3A_80 = tpu.sem_alloc : memref<!tpu.dma_semaphore, #tpu.memory_space<semaphore_mem>>
      %dma_start3A_81 = arith.constant 0 : i32
      %dma_start3A_82 = tpu.memref_slice %arg9[%add3A_23, %dma_start3A_81] : memref<10240x48xf32, #tpu.memory_space<vmem_shared>> -> memref<128x48xf32, #tpu.memory_space<vmem_shared>>
      %dma_start3A_83 = arith.constant 0 : i32
      %dma_start3A_84 = tpu.memref_slice %arg9[%add3A_23, %dma_start3A_83] : memref<10240x48xf32, #tpu.memory_space<vmem_shared>> -> memref<128x48xf32, #tpu.memory_space<vmem_shared>>
      tpu.enqueue_dma source(%arg7 : memref<128x48xf32, #tpu.memory_space<vmem>>) target(%dma_start3A_84 : memref<128x48xf32, #tpu.memory_space<vmem_shared>>) target_semaphore(%run_scoped3A_80 : memref<!tpu.dma_semaphore, #tpu.memory_space<semaphore_mem>>)
      %dma_wait3A_85 = arith.constant 0 : i32
      %dma_wait3A_86 = tpu.memref_slice %arg9[%add3A_23, %dma_wait3A_85] : memref<10240x48xf32, #tpu.memory_space<vmem_shared>> -> memref<128x48xf32, #tpu.memory_space<vmem_shared>>
      %dma_wait3A_87 = arith.constant 0 : i32
      %dma_wait3A_88 = tpu.memref_slice %arg9[%add3A_23, %dma_wait3A_87] : memref<10240x48xf32, #tpu.memory_space<vmem_shared>> -> memref<128x48xf32, #tpu.memory_space<vmem_shared>>
      tpu.wait_dma2 semaphore(%run_scoped3A_80 : memref<!tpu.dma_semaphore, #tpu.memory_space<semaphore_mem>>) src(%arg7 : memref<128x48xf32, #tpu.memory_space<vmem>>) dst(%dma_wait3A_88 : memref<128x48xf32, #tpu.memory_space<vmem_shared>>)
      tpu.yield
    }) : () -> ()
    "tpu.region"() ({
      %run_scoped3A_80 = tpu.sem_alloc : memref<!tpu.dma_semaphore, #tpu.memory_space<semaphore_mem>>
      %dma_start3A_81 = arith.constant 0 : i32
      %dma_start3A_82 = tpu.memref_slice %arg2[%add3A_23, %dma_start3A_81] : memref<10240x48xf32, #tpu.memory_space<hbm>> -> memref<128x48xf32, #tpu.memory_space<hbm>>
      %dma_start3A_83 = arith.constant 0 : i32
      %dma_start3A_84 = tpu.memref_slice %arg2[%add3A_23, %dma_start3A_83] : memref<10240x48xf32, #tpu.memory_space<hbm>> -> memref<128x48xf32, #tpu.memory_space<hbm>>
      tpu.enqueue_dma source(%dma_start3A_84 : memref<128x48xf32, #tpu.memory_space<hbm>>) target(%arg8 : memref<128x48xf32, #tpu.memory_space<vmem>>) target_semaphore(%run_scoped3A_80 : memref<!tpu.dma_semaphore, #tpu.memory_space<semaphore_mem>>)
      %dma_wait3A_85 = arith.constant 0 : i32
      %dma_wait3A_86 = tpu.memref_slice %arg2[%add3A_23, %dma_wait3A_85] : memref<10240x48xf32, #tpu.memory_space<hbm>> -> memref<128x48xf32, #tpu.memory_space<hbm>>
      %dma_wait3A_87 = arith.constant 0 : i32
      %dma_wait3A_88 = tpu.memref_slice %arg2[%add3A_23, %dma_wait3A_87] : memref<10240x48xf32, #tpu.memory_space<hbm>> -> memref<128x48xf32, #tpu.memory_space<hbm>>
      tpu.wait_dma2 semaphore(%run_scoped3A_80 : memref<!tpu.dma_semaphore, #tpu.memory_space<semaphore_mem>>) src(%dma_wait3A_88 : memref<128x48xf32, #tpu.memory_space<hbm>>) dst(%arg8 : memref<128x48xf32, #tpu.memory_space<vmem>>)
      tpu.yield
    }) : () -> ()
    "tpu.region"() ({
      %run_scoped3A_80 = tpu.sem_alloc : memref<!tpu.dma_semaphore, #tpu.memory_space<semaphore_mem>>
      %dma_start3A_81 = arith.constant 0 : i32
      %dma_start3A_82 = tpu.memref_slice %arg10[%add3A_23, %dma_start3A_81] : memref<10240x48xf32, #tpu.memory_space<vmem_shared>> -> memref<128x48xf32, #tpu.memory_space<vmem_shared>>
      %dma_start3A_83 = arith.constant 0 : i32
      %dma_start3A_84 = tpu.memref_slice %arg10[%add3A_23, %dma_start3A_83] : memref<10240x48xf32, #tpu.memory_space<vmem_shared>> -> memref<128x48xf32, #tpu.memory_space<vmem_shared>>
      tpu.enqueue_dma source(%arg8 : memref<128x48xf32, #tpu.memory_space<vmem>>) target(%dma_start3A_84 : memref<128x48xf32, #tpu.memory_space<vmem_shared>>) target_semaphore(%run_scoped3A_80 : memref<!tpu.dma_semaphore, #tpu.memory_space<semaphore_mem>>)
      %dma_wait3A_85 = arith.constant 0 : i32
      %dma_wait3A_86 = tpu.memref_slice %arg10[%add3A_23, %dma_wait3A_85] : memref<10240x48xf32, #tpu.memory_space<vmem_shared>> -> memref<128x48xf32, #tpu.memory_space<vmem_shared>>
      %dma_wait3A_87 = arith.constant 0 : i32
      %dma_wait3A_88 = tpu.memref_slice %arg10[%add3A_23, %dma_wait3A_87] : memref<10240x48xf32, #tpu.memory_space<vmem_shared>> -> memref<128x48xf32, #tpu.memory_space<vmem_shared>>
      tpu.wait_dma2 semaphore(%run_scoped3A_80 : memref<!tpu.dma_semaphore, #tpu.memory_space<semaphore_mem>>) src(%arg8 : memref<128x48xf32, #tpu.memory_space<vmem>>) dst(%dma_wait3A_88 : memref<128x48xf32, #tpu.memory_space<vmem_shared>>)
      tpu.yield
    }) : () -> ()
    %barrier3A = arith.constant 0 : index
    tpu.barrier barrier_id(%barrier3A)
    %mul3A_24 = arith.constant 16 : i32
    %mul3A_25 = arith.muli %arg0, %mul3A_24 : i32
    %add3A_26 = arith.addi %mul3A_25, %arg1 : i32
    %mul3A_27 = arith.constant 78 : i32
    %mul3A_28 = arith.muli %add3A_26, %mul3A_27 : i32
    %run_scoped3A = arith.constant 0 : i32
    "tpu.region"() ({
      %run_scoped3A_80 = tpu.sem_alloc : memref<!tpu.dma_semaphore, #tpu.memory_space<semaphore_mem>>
      %dma_start3A_81 = arith.constant 0 : i32
      %dma_start3A_82 = tpu.memref_slice %arg3[%run_scoped3A, %mul3A_28, %dma_start3A_81] : memref<2x2500x128xi32, #tpu.memory_space<hbm>> -> memref<1x78x128xi32, #tpu.memory_space<hbm>>
      %dma_start3A_83 = tpu.memref_squeeze %dma_start3A_82 : memref<1x78x128xi32, #tpu.memory_space<hbm>> -> memref<78x128xi32, #tpu.memory_space<hbm>>
      %dma_start3A_84 = arith.constant 0 : i32
      %dma_start3A_85 = tpu.memref_slice %arg3[%run_scoped3A, %mul3A_28, %dma_start3A_84] : memref<2x2500x128xi32, #tpu.memory_space<hbm>> -> memref<1x78x128xi32, #tpu.memory_space<hbm>>
      %dma_start3A_86 = tpu.memref_squeeze %dma_start3A_85 : memref<1x78x128xi32, #tpu.memory_space<hbm>> -> memref<78x128xi32, #tpu.memory_space<hbm>>
      tpu.enqueue_dma source(%dma_start3A_86 : memref<78x128xi32, #tpu.memory_space<hbm>>) target(%arg5 : memref<78x128xi32, #tpu.memory_space<vmem>>) target_semaphore(%run_scoped3A_80 : memref<!tpu.dma_semaphore, #tpu.memory_space<semaphore_mem>>)
      %dma_wait3A_87 = arith.constant 0 : i32
      %dma_wait3A_88 = tpu.memref_slice %arg3[%run_scoped3A, %mul3A_28, %dma_wait3A_87] : memref<2x2500x128xi32, #tpu.memory_space<hbm>> -> memref<1x78x128xi32, #tpu.memory_space<hbm>>
      %dma_wait3A_89 = tpu.memref_squeeze %dma_wait3A_88 : memref<1x78x128xi32, #tpu.memory_space<hbm>> -> memref<78x128xi32, #tpu.memory_space<hbm>>
      %dma_wait3A_90 = arith.constant 0 : i32
      %dma_wait3A_91 = tpu.memref_slice %arg3[%run_scoped3A, %mul3A_28, %dma_wait3A_90] : memref<2x2500x128xi32, #tpu.memory_space<hbm>> -> memref<1x78x128xi32, #tpu.memory_space<hbm>>
      %dma_wait3A_92 = tpu.memref_squeeze %dma_wait3A_91 : memref<1x78x128xi32, #tpu.memory_space<hbm>> -> memref<78x128xi32, #tpu.memory_space<hbm>>
      tpu.wait_dma2 semaphore(%run_scoped3A_80 : memref<!tpu.dma_semaphore, #tpu.memory_space<semaphore_mem>>) src(%dma_wait3A_92 : memref<78x128xi32, #tpu.memory_space<hbm>>) dst(%arg5 : memref<78x128xi32, #tpu.memory_space<vmem>>)
      tpu.yield
    }) : () -> ()
    %run_scoped3A_29 = arith.constant 1 : i32
    "tpu.region"() ({
      %run_scoped3A_80 = tpu.sem_alloc : memref<!tpu.dma_semaphore, #tpu.memory_space<semaphore_mem>>
      %dma_start3A_81 = arith.constant 0 : i32
      %dma_start3A_82 = tpu.memref_slice %arg3[%run_scoped3A_29, %mul3A_28, %dma_start3A_81] : memref<2x2500x128xi32, #tpu.memory_space<hbm>> -> memref<1x78x128xi32, #tpu.memory_space<hbm>>
      %dma_start3A_83 = tpu.memref_squeeze %dma_start3A_82 : memref<1x78x128xi32, #tpu.memory_space<hbm>> -> memref<78x128xi32, #tpu.memory_space<hbm>>
      %dma_start3A_84 = arith.constant 0 : i32
      %dma_start3A_85 = tpu.memref_slice %arg3[%run_scoped3A_29, %mul3A_28, %dma_start3A_84] : memref<2x2500x128xi32, #tpu.memory_space<hbm>> -> memref<1x78x128xi32, #tpu.memory_space<hbm>>
      %dma_start3A_86 = tpu.memref_squeeze %dma_start3A_85 : memref<1x78x128xi32, #tpu.memory_space<hbm>> -> memref<78x128xi32, #tpu.memory_space<hbm>>
      tpu.enqueue_dma source(%dma_start3A_86 : memref<78x128xi32, #tpu.memory_space<hbm>>) target(%arg6 : memref<78x128xi32, #tpu.memory_space<vmem>>) target_semaphore(%run_scoped3A_80 : memref<!tpu.dma_semaphore, #tpu.memory_space<semaphore_mem>>)
      %dma_wait3A_87 = arith.constant 0 : i32
      %dma_wait3A_88 = tpu.memref_slice %arg3[%run_scoped3A_29, %mul3A_28, %dma_wait3A_87] : memref<2x2500x128xi32, #tpu.memory_space<hbm>> -> memref<1x78x128xi32, #tpu.memory_space<hbm>>
      %dma_wait3A_89 = tpu.memref_squeeze %dma_wait3A_88 : memref<1x78x128xi32, #tpu.memory_space<hbm>> -> memref<78x128xi32, #tpu.memory_space<hbm>>
      %dma_wait3A_90 = arith.constant 0 : i32
      %dma_wait3A_91 = tpu.memref_slice %arg3[%run_scoped3A_29, %mul3A_28, %dma_wait3A_90] : memref<2x2500x128xi32, #tpu.memory_space<hbm>> -> memref<1x78x128xi32, #tpu.memory_space<hbm>>
      %dma_wait3A_92 = tpu.memref_squeeze %dma_wait3A_91 : memref<1x78x128xi32, #tpu.memory_space<hbm>> -> memref<78x128xi32, #tpu.memory_space<hbm>>
      tpu.wait_dma2 semaphore(%run_scoped3A_80 : memref<!tpu.dma_semaphore, #tpu.memory_space<semaphore_mem>>) src(%dma_wait3A_92 : memref<78x128xi32, #tpu.memory_space<hbm>>) dst(%arg6 : memref<78x128xi32, #tpu.memory_space<vmem>>)
      tpu.yield
    }) : () -> ()
    %dma_start3A = arith.constant 0 : i32
    %dma_start3A_30 = arith.constant 0 : i32
    %dma_start3A_31 = tpu.memref_slice %arg5[%dma_start3A, %dma_start3A_30] : memref<78x128xi32, #tpu.memory_space<vmem>> -> memref<1x128xi32, #tpu.memory_space<vmem>>
    %dma_start3A_32 = tpu.memref_squeeze %dma_start3A_31 : memref<1x128xi32, #tpu.memory_space<vmem>> -> memref<128xi32, #tpu.memory_space<vmem>>
    %dma_start3A_33 = arith.constant 0 : i32
    %dma_start3A_34 = arith.constant 0 : i32
    %dma_start3A_35 = tpu.memref_slice %arg10[%dma_start3A_33, %dma_start3A_34] : memref<10240x48xf32, #tpu.memory_space<vmem_shared>> -> memref<10240x48xf32, #tpu.memory_space<vmem_shared>>
    tpu.enqueue_indirect_dma source(%dma_start3A_35 : memref<10240x48xf32, #tpu.memory_space<vmem_shared>>) target(%arg7 : memref<128x48xf32, #tpu.memory_space<vmem>>) offsets(%dma_start3A_32 : memref<128xi32, #tpu.memory_space<vmem>>) semaphore(%arg11 : memref<!tpu.dma_semaphore, #tpu.memory_space<semaphore_mem>>)
    %scan3A_36 = arith.constant 0 : i32
    %scan3A_37 = arith.constant 0 : i32
    %scan3A_38 = arith.constant 39 : i32
    %scan3A_39 = arith.addi %scan3A_37, %scan3A_38 : i32
    %scan3A_40 = arith.constant 1 : i32
    %scan3A_41 = scf.for %scan3A_80 = %scan3A_37 to %scan3A_39 step %scan3A_40 iter_args(%scan3A_81 = %scan3A_36) -> (i32)  : i32 {
      %mul3A_82 = arith.constant 2 : i32
      %mul3A_83 = arith.muli %mul3A_82, %scan3A_80 : i32
      %ne3A = arith.constant 0 : i32
      %ne3A_84 = arith.cmpi ne, %scan3A_80, %ne3A : i32
      %convert_element_type3A_85 = arith.extui %ne3A_84 : i1 to i32
      %cond3A_86 = arith.constant 0 : i32
      %cond3A_87 = arith.cmpi ne, %convert_element_type3A_85, %cond3A_86 : i32
      scf.if %cond3A_87 {
        %dma_wait3A_130 = arith.constant 0 : i32
        %dma_wait3A_131 = tpu.memref_slice %arg6[%mul3A_83, %dma_wait3A_130] : memref<78x128xi32, #tpu.memory_space<vmem>> -> memref<1x128xi32, #tpu.memory_space<vmem>>
        %dma_wait3A_132 = tpu.memref_squeeze %dma_wait3A_131 : memref<1x128xi32, #tpu.memory_space<vmem>> -> memref<128xi32, #tpu.memory_space<vmem>>
        %dma_wait3A_133 = arith.constant 0 : i32
        %dma_wait3A_134 = arith.constant 0 : i32
        %dma_wait3A_135 = tpu.memref_slice %arg9[%dma_wait3A_133, %dma_wait3A_134] : memref<10240x48xf32, #tpu.memory_space<vmem_shared>> -> memref<10240x48xf32, #tpu.memory_space<vmem_shared>>
        tpu.wait_indirect_dma semaphore(%arg14 : memref<!tpu.dma_semaphore, #tpu.memory_space<semaphore_mem>>) src(%arg8 : memref<128x48xf32, #tpu.memory_space<vmem>>) dst(%dma_wait3A_135 : memref<10240x48xf32, #tpu.memory_space<vmem_shared>>)
      } else {
      }
      %add3A_88 = arith.constant 1 : i32
      %add3A_89 = arith.addi %mul3A_83, %add3A_88 : i32
      %dma_start3A_90 = arith.constant 0 : i32
      %dma_start3A_91 = tpu.memref_slice %arg5[%add3A_89, %dma_start3A_90] : memref<78x128xi32, #tpu.memory_space<vmem>> -> memref<1x128xi32, #tpu.memory_space<vmem>>
      %dma_start3A_92 = tpu.memref_squeeze %dma_start3A_91 : memref<1x128xi32, #tpu.memory_space<vmem>> -> memref<128xi32, #tpu.memory_space<vmem>>
      %dma_start3A_93 = arith.constant 0 : i32
      %dma_start3A_94 = arith.constant 0 : i32
      %dma_start3A_95 = tpu.memref_slice %arg10[%dma_start3A_93, %dma_start3A_94] : memref<10240x48xf32, #tpu.memory_space<vmem_shared>> -> memref<10240x48xf32, #tpu.memory_space<vmem_shared>>
      tpu.enqueue_indirect_dma source(%dma_start3A_95 : memref<10240x48xf32, #tpu.memory_space<vmem_shared>>) target(%arg8 : memref<128x48xf32, #tpu.memory_space<vmem>>) offsets(%dma_start3A_92 : memref<128xi32, #tpu.memory_space<vmem>>) semaphore(%arg12 : memref<!tpu.dma_semaphore, #tpu.memory_space<semaphore_mem>>)
      %dma_wait3A_96 = arith.constant 0 : i32
      %dma_wait3A_97 = tpu.memref_slice %arg5[%mul3A_83, %dma_wait3A_96] : memref<78x128xi32, #tpu.memory_space<vmem>> -> memref<1x128xi32, #tpu.memory_space<vmem>>
      %dma_wait3A_98 = tpu.memref_squeeze %dma_wait3A_97 : memref<1x128xi32, #tpu.memory_space<vmem>> -> memref<128xi32, #tpu.memory_space<vmem>>
      %dma_wait3A_99 = arith.constant 0 : i32
      %dma_wait3A_100 = arith.constant 0 : i32
      %dma_wait3A_101 = tpu.memref_slice %arg10[%dma_wait3A_99, %dma_wait3A_100] : memref<10240x48xf32, #tpu.memory_space<vmem_shared>> -> memref<10240x48xf32, #tpu.memory_space<vmem_shared>>
      tpu.wait_indirect_dma semaphore(%arg11 : memref<!tpu.dma_semaphore, #tpu.memory_space<semaphore_mem>>) src(%dma_wait3A_101 : memref<10240x48xf32, #tpu.memory_space<vmem_shared>>) dst(%arg7 : memref<128x48xf32, #tpu.memory_space<vmem>>)
      %dma_start3A_102 = arith.constant 0 : i32
      %dma_start3A_103 = tpu.memref_slice %arg6[%mul3A_83, %dma_start3A_102] : memref<78x128xi32, #tpu.memory_space<vmem>> -> memref<1x128xi32, #tpu.memory_space<vmem>>
      %dma_start3A_104 = tpu.memref_squeeze %dma_start3A_103 : memref<1x128xi32, #tpu.memory_space<vmem>> -> memref<128xi32, #tpu.memory_space<vmem>>
      %dma_start3A_105 = arith.constant 0 : i32
      %dma_start3A_106 = arith.constant 0 : i32
      %dma_start3A_107 = tpu.memref_slice %arg9[%dma_start3A_105, %dma_start3A_106] : memref<10240x48xf32, #tpu.memory_space<vmem_shared>> -> memref<10240x48xf32, #tpu.memory_space<vmem_shared>>
      tpu.enqueue_indirect_dma source(%arg7 : memref<128x48xf32, #tpu.memory_space<vmem>>) target(%dma_start3A_107 : memref<10240x48xf32, #tpu.memory_space<vmem_shared>>) offsets(%dma_start3A_104 : memref<128xi32, #tpu.memory_space<vmem>>) semaphore(%arg13 : memref<!tpu.dma_semaphore, #tpu.memory_space<semaphore_mem>>) {add = true}
      %ne3A_108 = arith.constant 38 : i32
      %ne3A_109 = arith.cmpi ne, %scan3A_80, %ne3A_108 : i32
      %convert_element_type3A_110 = arith.extui %ne3A_109 : i1 to i32
      %cond3A_111 = arith.constant 0 : i32
      %cond3A_112 = arith.cmpi ne, %convert_element_type3A_110, %cond3A_111 : i32
      scf.if %cond3A_112 {
        %dma_wait3A_130 = arith.constant 0 : i32
        %dma_wait3A_131 = tpu.memref_slice %arg6[%mul3A_83, %dma_wait3A_130] : memref<78x128xi32, #tpu.memory_space<vmem>> -> memref<1x128xi32, #tpu.memory_space<vmem>>
        %dma_wait3A_132 = tpu.memref_squeeze %dma_wait3A_131 : memref<1x128xi32, #tpu.memory_space<vmem>> -> memref<128xi32, #tpu.memory_space<vmem>>
        %dma_wait3A_133 = arith.constant 0 : i32
        %dma_wait3A_134 = arith.constant 0 : i32
        %dma_wait3A_135 = tpu.memref_slice %arg9[%dma_wait3A_133, %dma_wait3A_134] : memref<10240x48xf32, #tpu.memory_space<vmem_shared>> -> memref<10240x48xf32, #tpu.memory_space<vmem_shared>>
        tpu.wait_indirect_dma semaphore(%arg13 : memref<!tpu.dma_semaphore, #tpu.memory_space<semaphore_mem>>) src(%arg7 : memref<128x48xf32, #tpu.memory_space<vmem>>) dst(%dma_wait3A_135 : memref<10240x48xf32, #tpu.memory_space<vmem_shared>>)
        %add3A_136 = arith.constant 2 : i32
        %add3A_137 = arith.addi %mul3A_83, %add3A_136 : i32
        %dma_start3A_138 = arith.constant 0 : i32
        %dma_start3A_139 = tpu.memref_slice %arg5[%add3A_137, %dma_start3A_138] : memref<78x128xi32, #tpu.memory_space<vmem>> -> memref<1x128xi32, #tpu.memory_space<vmem>>
        %dma_start3A_140 = tpu.memref_squeeze %dma_start3A_139 : memref<1x128xi32, #tpu.memory_space<vmem>> -> memref<128xi32, #tpu.memory_space<vmem>>
        %dma_start3A_141 = arith.constant 0 : i32
        %dma_start3A_142 = arith.constant 0 : i32
        %dma_start3A_143 = tpu.memref_slice %arg10[%dma_start3A_141, %dma_start3A_142] : memref<10240x48xf32, #tpu.memory_space<vmem_shared>> -> memref<10240x48xf32, #tpu.memory_space<vmem_shared>>
        tpu.enqueue_indirect_dma source(%dma_start3A_143 : memref<10240x48xf32, #tpu.memory_space<vmem_shared>>) target(%arg7 : memref<128x48xf32, #tpu.memory_space<vmem>>) offsets(%dma_start3A_140 : memref<128xi32, #tpu.memory_space<vmem>>) semaphore(%arg11 : memref<!tpu.dma_semaphore, #tpu.memory_space<semaphore_mem>>)
      } else {
      }
      %add3A_113 = arith.constant 1 : i32
      %add3A_114 = arith.addi %mul3A_83, %add3A_113 : i32
      %dma_wait3A_115 = arith.constant 0 : i32
      %dma_wait3A_116 = tpu.memref_slice %arg5[%add3A_114, %dma_wait3A_115] : memref<78x128xi32, #tpu.memory_space<vmem>> -> memref<1x128xi32, #tpu.memory_space<vmem>>
      %dma_wait3A_117 = tpu.memref_squeeze %dma_wait3A_116 : memref<1x128xi32, #tpu.memory_space<vmem>> -> memref<128xi32, #tpu.memory_space<vmem>>
      %dma_wait3A_118 = arith.constant 0 : i32
      %dma_wait3A_119 = arith.constant 0 : i32
      %dma_wait3A_120 = tpu.memref_slice %arg10[%dma_wait3A_118, %dma_wait3A_119] : memref<10240x48xf32, #tpu.memory_space<vmem_shared>> -> memref<10240x48xf32, #tpu.memory_space<vmem_shared>>
      tpu.wait_indirect_dma semaphore(%arg12 : memref<!tpu.dma_semaphore, #tpu.memory_space<semaphore_mem>>) src(%dma_wait3A_120 : memref<10240x48xf32, #tpu.memory_space<vmem_shared>>) dst(%arg8 : memref<128x48xf32, #tpu.memory_space<vmem>>)
      %add3A_121 = arith.constant 1 : i32
      %add3A_122 = arith.addi %mul3A_83, %add3A_121 : i32
      %dma_start3A_123 = arith.constant 0 : i32
      %dma_start3A_124 = tpu.memref_slice %arg6[%add3A_122, %dma_start3A_123] : memref<78x128xi32, #tpu.memory_space<vmem>> -> memref<1x128xi32, #tpu.memory_space<vmem>>
      %dma_start3A_125 = tpu.memref_squeeze %dma_start3A_124 : memref<1x128xi32, #tpu.memory_space<vmem>> -> memref<128xi32, #tpu.memory_space<vmem>>
      %dma_start3A_126 = arith.constant 0 : i32
      %dma_start3A_127 = arith.constant 0 : i32
      %dma_start3A_128 = tpu.memref_slice %arg9[%dma_start3A_126, %dma_start3A_127] : memref<10240x48xf32, #tpu.memory_space<vmem_shared>> -> memref<10240x48xf32, #tpu.memory_space<vmem_shared>>
      tpu.enqueue_indirect_dma source(%arg8 : memref<128x48xf32, #tpu.memory_space<vmem>>) target(%dma_start3A_128 : memref<10240x48xf32, #tpu.memory_space<vmem_shared>>) offsets(%dma_start3A_125 : memref<128xi32, #tpu.memory_space<vmem>>) semaphore(%arg14 : memref<!tpu.dma_semaphore, #tpu.memory_space<semaphore_mem>>) {add = true}
      %scan3A_129 = arith.constant 0 : i32
      scf.yield %scan3A_129 : i32
    }
    %scan3A_42 = arith.constant 39 : i32
    %dma_wait3A = arith.constant 0 : i32
    %dma_wait3A_43 = arith.constant 0 : i32
    %dma_wait3A_44 = tpu.memref_slice %arg6[%dma_wait3A, %dma_wait3A_43] : memref<78x128xi32, #tpu.memory_space<vmem>> -> memref<1x128xi32, #tpu.memory_space<vmem>>
    %dma_wait3A_45 = tpu.memref_squeeze %dma_wait3A_44 : memref<1x128xi32, #tpu.memory_space<vmem>> -> memref<128xi32, #tpu.memory_space<vmem>>
    %dma_wait3A_46 = arith.constant 0 : i32
    %dma_wait3A_47 = arith.constant 0 : i32
    %dma_wait3A_48 = tpu.memref_slice %arg9[%dma_wait3A_46, %dma_wait3A_47] : memref<10240x48xf32, #tpu.memory_space<vmem_shared>> -> memref<10240x48xf32, #tpu.memory_space<vmem_shared>>
    tpu.wait_indirect_dma semaphore(%arg13 : memref<!tpu.dma_semaphore, #tpu.memory_space<semaphore_mem>>) src(%arg7 : memref<128x48xf32, #tpu.memory_space<vmem>>) dst(%dma_wait3A_48 : memref<10240x48xf32, #tpu.memory_space<vmem_shared>>)
    %dma_wait3A_49 = arith.constant 0 : i32
    %dma_wait3A_50 = arith.constant 0 : i32
    %dma_wait3A_51 = tpu.memref_slice %arg6[%dma_wait3A_49, %dma_wait3A_50] : memref<78x128xi32, #tpu.memory_space<vmem>> -> memref<1x128xi32, #tpu.memory_space<vmem>>
    %dma_wait3A_52 = tpu.memref_squeeze %dma_wait3A_51 : memref<1x128xi32, #tpu.memory_space<vmem>> -> memref<128xi32, #tpu.memory_space<vmem>>
    %dma_wait3A_53 = arith.constant 0 : i32
    %dma_wait3A_54 = arith.constant 0 : i32
    %dma_wait3A_55 = tpu.memref_slice %arg9[%dma_wait3A_53, %dma_wait3A_54] : memref<10240x48xf32, #tpu.memory_space<vmem_shared>> -> memref<10240x48xf32, #tpu.memory_space<vmem_shared>>
    tpu.wait_indirect_dma semaphore(%arg14 : memref<!tpu.dma_semaphore, #tpu.memory_space<semaphore_mem>>) src(%arg8 : memref<128x48xf32, #tpu.memory_space<vmem>>) dst(%dma_wait3A_55 : memref<10240x48xf32, #tpu.memory_space<vmem_shared>>)
    %eq3A = arith.constant 0 : i32
    %eq3A_56 = arith.cmpi eq, %arg0, %eq3A : i32
    %lt3A = arith.constant 4 : i32
    %lt3A_57 = arith.cmpi slt, %arg1, %lt3A : i32
    %and3A = arith.andi %eq3A_56, %lt3A_57 : i1
    %convert_element_type3A = arith.extui %and3A : i1 to i32
    %cond3A = arith.constant 0 : i32
    %cond3A_58 = arith.cmpi ne, %convert_element_type3A, %cond3A : i32
    scf.if %cond3A_58 {
      %add3A_80 = arith.constant 2496 : i32
      %add3A_81 = arith.addi %add3A_80, %arg1 : i32
      %run_scoped3A_82 = arith.constant 0 : i32
      "tpu.region"() ({
        %run_scoped3A_88 = tpu.sem_alloc : memref<!tpu.dma_semaphore, #tpu.memory_space<semaphore_mem>>
        %dma_start3A_89 = arith.constant 0 : i32
        %dma_start3A_90 = arith.constant 0 : i32
        %dma_start3A_91 = tpu.memref_slice %arg5[%dma_start3A_89, %dma_start3A_90] : memref<78x128xi32, #tpu.memory_space<vmem>> -> memref<1x128xi32, #tpu.memory_space<vmem>>
        %dma_start3A_92 = arith.constant 0 : i32
        %dma_start3A_93 = tpu.memref_slice %arg3[%run_scoped3A_82, %add3A_81, %dma_start3A_92] : memref<2x2500x128xi32, #tpu.memory_space<hbm>> -> memref<1x1x128xi32, #tpu.memory_space<hbm>>
        %dma_start3A_94 = tpu.memref_squeeze %dma_start3A_93 : memref<1x1x128xi32, #tpu.memory_space<hbm>> -> memref<1x128xi32, #tpu.memory_space<hbm>>
        %dma_start3A_95 = arith.constant 0 : i32
        %dma_start3A_96 = arith.constant 0 : i32
        %dma_start3A_97 = tpu.memref_slice %arg5[%dma_start3A_95, %dma_start3A_96] : memref<78x128xi32, #tpu.memory_space<vmem>> -> memref<1x128xi32, #tpu.memory_space<vmem>>
        %dma_start3A_98 = arith.constant 0 : i32
        %dma_start3A_99 = tpu.memref_slice %arg3[%run_scoped3A_82, %add3A_81, %dma_start3A_98] : memref<2x2500x128xi32, #tpu.memory_space<hbm>> -> memref<1x1x128xi32, #tpu.memory_space<hbm>>
        %dma_start3A_100 = tpu.memref_squeeze %dma_start3A_99 : memref<1x1x128xi32, #tpu.memory_space<hbm>> -> memref<1x128xi32, #tpu.memory_space<hbm>>
        tpu.enqueue_dma source(%dma_start3A_100 : memref<1x128xi32, #tpu.memory_space<hbm>>) target(%dma_start3A_97 : memref<1x128xi32, #tpu.memory_space<vmem>>) target_semaphore(%run_scoped3A_88 : memref<!tpu.dma_semaphore, #tpu.memory_space<semaphore_mem>>)
        %dma_wait3A_101 = arith.constant 0 : i32
        %dma_wait3A_102 = arith.constant 0 : i32
        %dma_wait3A_103 = tpu.memref_slice %arg5[%dma_wait3A_101, %dma_wait3A_102] : memref<78x128xi32, #tpu.memory_space<vmem>> -> memref<1x128xi32, #tpu.memory_space<vmem>>
        %dma_wait3A_104 = arith.constant 0 : i32
        %dma_wait3A_105 = tpu.memref_slice %arg3[%run_scoped3A_82, %add3A_81, %dma_wait3A_104] : memref<2x2500x128xi32, #tpu.memory_space<hbm>> -> memref<1x1x128xi32, #tpu.memory_space<hbm>>
        %dma_wait3A_106 = tpu.memref_squeeze %dma_wait3A_105 : memref<1x1x128xi32, #tpu.memory_space<hbm>> -> memref<1x128xi32, #tpu.memory_space<hbm>>
        %dma_wait3A_107 = arith.constant 0 : i32
        %dma_wait3A_108 = arith.constant 0 : i32
        %dma_wait3A_109 = tpu.memref_slice %arg5[%dma_wait3A_107, %dma_wait3A_108] : memref<78x128xi32, #tpu.memory_space<vmem>> -> memref<1x128xi32, #tpu.memory_space<vmem>>
        %dma_wait3A_110 = arith.constant 0 : i32
        %dma_wait3A_111 = tpu.memref_slice %arg3[%run_scoped3A_82, %add3A_81, %dma_wait3A_110] : memref<2x2500x128xi32, #tpu.memory_space<hbm>> -> memref<1x1x128xi32, #tpu.memory_space<hbm>>
        %dma_wait3A_112 = tpu.memref_squeeze %dma_wait3A_111 : memref<1x1x128xi32, #tpu.memory_space<hbm>> -> memref<1x128xi32, #tpu.memory_space<hbm>>
        tpu.wait_dma2 semaphore(%run_scoped3A_88 : memref<!tpu.dma_semaphore, #tpu.memory_space<semaphore_mem>>) src(%dma_wait3A_112 : memref<1x128xi32, #tpu.memory_space<hbm>>) dst(%dma_wait3A_109 : memref<1x128xi32, #tpu.memory_space<vmem>>)
        tpu.yield
      }) : () -> ()
      %add3A_83 = arith.constant 2496 : i32
      %add3A_84 = arith.addi %add3A_83, %arg1 : i32
      %run_scoped3A_85 = arith.constant 1 : i32
      "tpu.region"() ({
        %run_scoped3A_88 = tpu.sem_alloc : memref<!tpu.dma_semaphore, #tpu.memory_space<semaphore_mem>>
        %dma_start3A_89 = arith.constant 0 : i32
        %dma_start3A_90 = arith.constant 0 : i32
        %dma_start3A_91 = tpu.memref_slice %arg6[%dma_start3A_89, %dma_start3A_90] : memref<78x128xi32, #tpu.memory_space<vmem>> -> memref<1x128xi32, #tpu.memory_space<vmem>>
        %dma_start3A_92 = arith.constant 0 : i32
        %dma_start3A_93 = tpu.memref_slice %arg3[%run_scoped3A_85, %add3A_84, %dma_start3A_92] : memref<2x2500x128xi32, #tpu.memory_space<hbm>> -> memref<1x1x128xi32, #tpu.memory_space<hbm>>
        %dma_start3A_94 = tpu.memref_squeeze %dma_start3A_93 : memref<1x1x128xi32, #tpu.memory_space<hbm>> -> memref<1x128xi32, #tpu.memory_space<hbm>>
        %dma_start3A_95 = arith.constant 0 : i32
        %dma_start3A_96 = arith.constant 0 : i32
        %dma_start3A_97 = tpu.memref_slice %arg6[%dma_start3A_95, %dma_start3A_96] : memref<78x128xi32, #tpu.memory_space<vmem>> -> memref<1x128xi32, #tpu.memory_space<vmem>>
        %dma_start3A_98 = arith.constant 0 : i32
        %dma_start3A_99 = tpu.memref_slice %arg3[%run_scoped3A_85, %add3A_84, %dma_start3A_98] : memref<2x2500x128xi32, #tpu.memory_space<hbm>> -> memref<1x1x128xi32, #tpu.memory_space<hbm>>
        %dma_start3A_100 = tpu.memref_squeeze %dma_start3A_99 : memref<1x1x128xi32, #tpu.memory_space<hbm>> -> memref<1x128xi32, #tpu.memory_space<hbm>>
        tpu.enqueue_dma source(%dma_start3A_100 : memref<1x128xi32, #tpu.memory_space<hbm>>) target(%dma_start3A_97 : memref<1x128xi32, #tpu.memory_space<vmem>>) target_semaphore(%run_scoped3A_88 : memref<!tpu.dma_semaphore, #tpu.memory_space<semaphore_mem>>)
        %dma_wait3A_101 = arith.constant 0 : i32
        %dma_wait3A_102 = arith.constant 0 : i32
        %dma_wait3A_103 = tpu.memref_slice %arg6[%dma_wait3A_101, %dma_wait3A_102] : memref<78x128xi32, #tpu.memory_space<vmem>> -> memref<1x128xi32, #tpu.memory_space<vmem>>
        %dma_wait3A_104 = arith.constant 0 : i32
        %dma_wait3A_105 = tpu.memref_slice %arg3[%run_scoped3A_85, %add3A_84, %dma_wait3A_104] : memref<2x2500x128xi32, #tpu.memory_space<hbm>> -> memref<1x1x128xi32, #tpu.memory_space<hbm>>
        %dma_wait3A_106 = tpu.memref_squeeze %dma_wait3A_105 : memref<1x1x128xi32, #tpu.memory_space<hbm>> -> memref<1x128xi32, #tpu.memory_space<hbm>>
        %dma_wait3A_107 = arith.constant 0 : i32
        %dma_wait3A_108 = arith.constant 0 : i32
        %dma_wait3A_109 = tpu.memref_slice %arg6[%dma_wait3A_107, %dma_wait3A_108] : memref<78x128xi32, #tpu.memory_space<vmem>> -> memref<1x128xi32, #tpu.memory_space<vmem>>
        %dma_wait3A_110 = arith.constant 0 : i32
        %dma_wait3A_111 = tpu.memref_slice %arg3[%run_scoped3A_85, %add3A_84, %dma_wait3A_110] : memref<2x2500x128xi32, #tpu.memory_space<hbm>> -> memref<1x1x128xi32, #tpu.memory_space<hbm>>
        %dma_wait3A_112 = tpu.memref_squeeze %dma_wait3A_111 : memref<1x1x128xi32, #tpu.memory_space<hbm>> -> memref<1x128xi32, #tpu.memory_space<hbm>>
        tpu.wait_dma2 semaphore(%run_scoped3A_88 : memref<!tpu.dma_semaphore, #tpu.memory_space<semaphore_mem>>) src(%dma_wait3A_112 : memref<1x128xi32, #tpu.memory_space<hbm>>) dst(%dma_wait3A_109 : memref<1x128xi32, #tpu.memory_space<vmem>>)
        tpu.yield
      }) : () -> ()
      %run_scoped3A_86 = arith.constant 0 : i32
      "tpu.region"() ({
        %run_scoped3A_88 = tpu.sem_alloc : memref<!tpu.dma_semaphore, #tpu.memory_space<semaphore_mem>>
        %dma_start3A_89 = arith.constant 0 : i32
        %dma_start3A_90 = tpu.memref_slice %arg5[%run_scoped3A_86, %dma_start3A_89] : memref<78x128xi32, #tpu.memory_space<vmem>> -> memref<1x128xi32, #tpu.memory_space<vmem>>
        %dma_start3A_91 = tpu.memref_squeeze %dma_start3A_90 : memref<1x128xi32, #tpu.memory_space<vmem>> -> memref<128xi32, #tpu.memory_space<vmem>>
        %dma_start3A_92 = arith.constant 0 : i32
        %dma_start3A_93 = arith.constant 0 : i32
        %dma_start3A_94 = tpu.memref_slice %arg10[%dma_start3A_92, %dma_start3A_93] : memref<10240x48xf32, #tpu.memory_space<vmem_shared>> -> memref<10240x48xf32, #tpu.memory_space<vmem_shared>>
        tpu.enqueue_indirect_dma source(%dma_start3A_94 : memref<10240x48xf32, #tpu.memory_space<vmem_shared>>) target(%arg7 : memref<128x48xf32, #tpu.memory_space<vmem>>) offsets(%dma_start3A_91 : memref<128xi32, #tpu.memory_space<vmem>>) semaphore(%run_scoped3A_88 : memref<!tpu.dma_semaphore, #tpu.memory_space<semaphore_mem>>)
        %dma_wait3A_95 = arith.constant 0 : i32
        %dma_wait3A_96 = tpu.memref_slice %arg5[%run_scoped3A_86, %dma_wait3A_95] : memref<78x128xi32, #tpu.memory_space<vmem>> -> memref<1x128xi32, #tpu.memory_space<vmem>>
        %dma_wait3A_97 = tpu.memref_squeeze %dma_wait3A_96 : memref<1x128xi32, #tpu.memory_space<vmem>> -> memref<128xi32, #tpu.memory_space<vmem>>
        %dma_wait3A_98 = arith.constant 0 : i32
        %dma_wait3A_99 = arith.constant 0 : i32
        %dma_wait3A_100 = tpu.memref_slice %arg10[%dma_wait3A_98, %dma_wait3A_99] : memref<10240x48xf32, #tpu.memory_space<vmem_shared>> -> memref<10240x48xf32, #tpu.memory_space<vmem_shared>>
        tpu.wait_indirect_dma semaphore(%run_scoped3A_88 : memref<!tpu.dma_semaphore, #tpu.memory_space<semaphore_mem>>) src(%dma_wait3A_100 : memref<10240x48xf32, #tpu.memory_space<vmem_shared>>) dst(%arg7 : memref<128x48xf32, #tpu.memory_space<vmem>>)
        tpu.yield
      }) : () -> ()
      %run_scoped3A_87 = arith.constant 0 : i32
      "tpu.region"() ({
        %run_scoped3A_88 = tpu.sem_alloc : memref<!tpu.dma_semaphore, #tpu.memory_space<semaphore_mem>>
        %dma_start3A_89 = arith.constant 0 : i32
        %dma_start3A_90 = tpu.memref_slice %arg6[%run_scoped3A_87, %dma_start3A_89] : memref<78x128xi32, #tpu.memory_space<vmem>> -> memref<1x128xi32, #tpu.memory_space<vmem>>
        %dma_start3A_91 = tpu.memref_squeeze %dma_start3A_90 : memref<1x128xi32, #tpu.memory_space<vmem>> -> memref<128xi32, #tpu.memory_space<vmem>>
        %dma_start3A_92 = arith.constant 0 : i32
        %dma_start3A_93 = arith.constant 0 : i32
        %dma_start3A_94 = tpu.memref_slice %arg9[%dma_start3A_92, %dma_start3A_93] : memref<10240x48xf32, #tpu.memory_space<vmem_shared>> -> memref<10240x48xf32, #tpu.memory_space<vmem_shared>>
        tpu.enqueue_indirect_dma source(%arg7 : memref<128x48xf32, #tpu.memory_space<vmem>>) target(%dma_start3A_94 : memref<10240x48xf32, #tpu.memory_space<vmem_shared>>) offsets(%dma_start3A_91 : memref<128xi32, #tpu.memory_space<vmem>>) semaphore(%run_scoped3A_88 : memref<!tpu.dma_semaphore, #tpu.memory_space<semaphore_mem>>) {add = true}
        %dma_wait3A_95 = arith.constant 0 : i32
        %dma_wait3A_96 = tpu.memref_slice %arg6[%run_scoped3A_87, %dma_wait3A_95] : memref<78x128xi32, #tpu.memory_space<vmem>> -> memref<1x128xi32, #tpu.memory_space<vmem>>
        %dma_wait3A_97 = tpu.memref_squeeze %dma_wait3A_96 : memref<1x128xi32, #tpu.memory_space<vmem>> -> memref<128xi32, #tpu.memory_space<vmem>>
        %dma_wait3A_98 = arith.constant 0 : i32
        %dma_wait3A_99 = arith.constant 0 : i32
        %dma_wait3A_100 = tpu.memref_slice %arg9[%dma_wait3A_98, %dma_wait3A_99] : memref<10240x48xf32, #tpu.memory_space<vmem_shared>> -> memref<10240x48xf32, #tpu.memory_space<vmem_shared>>
        tpu.wait_indirect_dma semaphore(%run_scoped3A_88 : memref<!tpu.dma_semaphore, #tpu.memory_space<semaphore_mem>>) src(%arg7 : memref<128x48xf32, #tpu.memory_space<vmem>>) dst(%dma_wait3A_100 : memref<10240x48xf32, #tpu.memory_space<vmem_shared>>)
        tpu.yield
      }) : () -> ()
    } else {
    }
    %barrier3A_59 = arith.constant 0 : index
    tpu.barrier barrier_id(%barrier3A_59)
    %mul3A_60 = arith.constant 640 : i32
    %mul3A_61 = arith.muli %arg1, %mul3A_60 : i32
    %add3A_62 = arith.constant 0 : i32
    %add3A_63 = arith.addi %mul3A_61, %add3A_62 : i32
    "tpu.region"() ({
      %run_scoped3A_80 = tpu.sem_alloc : memref<!tpu.dma_semaphore, #tpu.memory_space<semaphore_mem>>
      %dma_start3A_81 = arith.constant 0 : i32
      %dma_start3A_82 = tpu.memref_slice %arg9[%add3A_63, %dma_start3A_81] : memref<10240x48xf32, #tpu.memory_space<vmem_shared>> -> memref<128x48xf32, #tpu.memory_space<vmem_shared>>
      %dma_start3A_83 = arith.constant 0 : i32
      %dma_start3A_84 = tpu.memref_slice %arg9[%add3A_63, %dma_start3A_83] : memref<10240x48xf32, #tpu.memory_space<vmem_shared>> -> memref<128x48xf32, #tpu.memory_space<vmem_shared>>
      tpu.enqueue_dma source(%dma_start3A_84 : memref<128x48xf32, #tpu.memory_space<vmem_shared>>) target(%arg7 : memref<128x48xf32, #tpu.memory_space<vmem>>) target_semaphore(%run_scoped3A_80 : memref<!tpu.dma_semaphore, #tpu.memory_space<semaphore_mem>>)
      %dma_wait3A_85 = arith.constant 0 : i32
      %dma_wait3A_86 = tpu.memref_slice %arg9[%add3A_63, %dma_wait3A_85] : memref<10240x48xf32, #tpu.memory_space<vmem_shared>> -> memref<128x48xf32, #tpu.memory_space<vmem_shared>>
      %dma_wait3A_87 = arith.constant 0 : i32
      %dma_wait3A_88 = tpu.memref_slice %arg9[%add3A_63, %dma_wait3A_87] : memref<10240x48xf32, #tpu.memory_space<vmem_shared>> -> memref<128x48xf32, #tpu.memory_space<vmem_shared>>
      tpu.wait_dma2 semaphore(%run_scoped3A_80 : memref<!tpu.dma_semaphore, #tpu.memory_space<semaphore_mem>>) src(%dma_wait3A_88 : memref<128x48xf32, #tpu.memory_space<vmem_shared>>) dst(%arg7 : memref<128x48xf32, #tpu.memory_space<vmem>>)
      tpu.yield
    }) : () -> ()
    "tpu.region"() ({
      %run_scoped3A_80 = tpu.sem_alloc : memref<!tpu.dma_semaphore, #tpu.memory_space<semaphore_mem>>
      %dma_start3A_81 = arith.constant 0 : i32
      %dma_start3A_82 = tpu.memref_slice %arg4[%arg0, %add3A_63, %dma_start3A_81] : memref<2x10240x48xf32, #tpu.memory_space<hbm>> -> memref<1x128x48xf32, #tpu.memory_space<hbm>>
      %dma_start3A_83 = tpu.memref_squeeze %dma_start3A_82 : memref<1x128x48xf32, #tpu.memory_space<hbm>> -> memref<128x48xf32, #tpu.memory_space<hbm>>
      %dma_start3A_84 = arith.constant 0 : i32
      %dma_start3A_85 = tpu.memref_slice %arg4[%arg0, %add3A_63, %dma_start3A_84] : memref<2x10240x48xf32, #tpu.memory_space<hbm>> -> memref<1x128x48xf32, #tpu.memory_space<hbm>>
      %dma_start3A_86 = tpu.memref_squeeze %dma_start3A_85 : memref<1x128x48xf32, #tpu.memory_space<hbm>> -> memref<128x48xf32, #tpu.memory_space<hbm>>
      tpu.enqueue_dma source(%arg7 : memref<128x48xf32, #tpu.memory_space<vmem>>) target(%dma_start3A_86 : memref<128x48xf32, #tpu.memory_space<hbm>>) target_semaphore(%run_scoped3A_80 : memref<!tpu.dma_semaphore, #tpu.memory_space<semaphore_mem>>)
      %dma_wait3A_87 = arith.constant 0 : i32
      %dma_wait3A_88 = tpu.memref_slice %arg4[%arg0, %add3A_63, %dma_wait3A_87] : memref<2x10240x48xf32, #tpu.memory_space<hbm>> -> memref<1x128x48xf32, #tpu.memory_space<hbm>>
      %dma_wait3A_89 = tpu.memref_squeeze %dma_wait3A_88 : memref<1x128x48xf32, #tpu.memory_space<hbm>> -> memref<128x48xf32, #tpu.memory_space<hbm>>
      %dma_wait3A_90 = arith.constant 0 : i32
      %dma_wait3A_91 = tpu.memref_slice %arg4[%arg0, %add3A_63, %dma_wait3A_90] : memref<2x10240x48xf32, #tpu.memory_space<hbm>> -> memref<1x128x48xf32, #tpu.memory_space<hbm>>
      %dma_wait3A_92 = tpu.memref_squeeze %dma_wait3A_91 : memref<1x128x48xf32, #tpu.memory_space<hbm>> -> memref<128x48xf32, #tpu.memory_space<hbm>>
      tpu.wait_dma2 semaphore(%run_scoped3A_80 : memref<!tpu.dma_semaphore, #tpu.memory_space<semaphore_mem>>) src(%arg7 : memref<128x48xf32, #tpu.memory_space<vmem>>) dst(%dma_wait3A_92 : memref<128x48xf32, #tpu.memory_space<hbm>>)
      tpu.yield
    }) : () -> ()
    %mul3A_64 = arith.constant 640 : i32
    %mul3A_65 = arith.muli %arg1, %mul3A_64 : i32
    %add3A_66 = arith.constant 128 : i32
    %add3A_67 = arith.addi %mul3A_65, %add3A_66 : i32
    "tpu.region"() ({
      %run_scoped3A_80 = tpu.sem_alloc : memref<!tpu.dma_semaphore, #tpu.memory_space<semaphore_mem>>
      %dma_start3A_81 = arith.constant 0 : i32
      %dma_start3A_82 = tpu.memref_slice %arg9[%add3A_67, %dma_start3A_81] : memref<10240x48xf32, #tpu.memory_space<vmem_shared>> -> memref<128x48xf32, #tpu.memory_space<vmem_shared>>
      %dma_start3A_83 = arith.constant 0 : i32
      %dma_start3A_84 = tpu.memref_slice %arg9[%add3A_67, %dma_start3A_83] : memref<10240x48xf32, #tpu.memory_space<vmem_shared>> -> memref<128x48xf32, #tpu.memory_space<vmem_shared>>
      tpu.enqueue_dma source(%dma_start3A_84 : memref<128x48xf32, #tpu.memory_space<vmem_shared>>) target(%arg7 : memref<128x48xf32, #tpu.memory_space<vmem>>) target_semaphore(%run_scoped3A_80 : memref<!tpu.dma_semaphore, #tpu.memory_space<semaphore_mem>>)
      %dma_wait3A_85 = arith.constant 0 : i32
      %dma_wait3A_86 = tpu.memref_slice %arg9[%add3A_67, %dma_wait3A_85] : memref<10240x48xf32, #tpu.memory_space<vmem_shared>> -> memref<128x48xf32, #tpu.memory_space<vmem_shared>>
      %dma_wait3A_87 = arith.constant 0 : i32
      %dma_wait3A_88 = tpu.memref_slice %arg9[%add3A_67, %dma_wait3A_87] : memref<10240x48xf32, #tpu.memory_space<vmem_shared>> -> memref<128x48xf32, #tpu.memory_space<vmem_shared>>
      tpu.wait_dma2 semaphore(%run_scoped3A_80 : memref<!tpu.dma_semaphore, #tpu.memory_space<semaphore_mem>>) src(%dma_wait3A_88 : memref<128x48xf32, #tpu.memory_space<vmem_shared>>) dst(%arg7 : memref<128x48xf32, #tpu.memory_space<vmem>>)
      tpu.yield
    }) : () -> ()
    "tpu.region"() ({
      %run_scoped3A_80 = tpu.sem_alloc : memref<!tpu.dma_semaphore, #tpu.memory_space<semaphore_mem>>
      %dma_start3A_81 = arith.constant 0 : i32
      %dma_start3A_82 = tpu.memref_slice %arg4[%arg0, %add3A_67, %dma_start3A_81] : memref<2x10240x48xf32, #tpu.memory_space<hbm>> -> memref<1x128x48xf32, #tpu.memory_space<hbm>>
      %dma_start3A_83 = tpu.memref_squeeze %dma_start3A_82 : memref<1x128x48xf32, #tpu.memory_space<hbm>> -> memref<128x48xf32, #tpu.memory_space<hbm>>
      %dma_start3A_84 = arith.constant 0 : i32
      %dma_start3A_85 = tpu.memref_slice %arg4[%arg0, %add3A_67, %dma_start3A_84] : memref<2x10240x48xf32, #tpu.memory_space<hbm>> -> memref<1x128x48xf32, #tpu.memory_space<hbm>>
      %dma_start3A_86 = tpu.memref_squeeze %dma_start3A_85 : memref<1x128x48xf32, #tpu.memory_space<hbm>> -> memref<128x48xf32, #tpu.memory_space<hbm>>
      tpu.enqueue_dma source(%arg7 : memref<128x48xf32, #tpu.memory_space<vmem>>) target(%dma_start3A_86 : memref<128x48xf32, #tpu.memory_space<hbm>>) target_semaphore(%run_scoped3A_80 : memref<!tpu.dma_semaphore, #tpu.memory_space<semaphore_mem>>)
      %dma_wait3A_87 = arith.constant 0 : i32
      %dma_wait3A_88 = tpu.memref_slice %arg4[%arg0, %add3A_67, %dma_wait3A_87] : memref<2x10240x48xf32, #tpu.memory_space<hbm>> -> memref<1x128x48xf32, #tpu.memory_space<hbm>>
      %dma_wait3A_89 = tpu.memref_squeeze %dma_wait3A_88 : memref<1x128x48xf32, #tpu.memory_space<hbm>> -> memref<128x48xf32, #tpu.memory_space<hbm>>
      %dma_wait3A_90 = arith.constant 0 : i32
      %dma_wait3A_91 = tpu.memref_slice %arg4[%arg0, %add3A_67, %dma_wait3A_90] : memref<2x10240x48xf32, #tpu.memory_space<hbm>> -> memref<1x128x48xf32, #tpu.memory_space<hbm>>
      %dma_wait3A_92 = tpu.memref_squeeze %dma_wait3A_91 : memref<1x128x48xf32, #tpu.memory_space<hbm>> -> memref<128x48xf32, #tpu.memory_space<hbm>>
      tpu.wait_dma2 semaphore(%run_scoped3A_80 : memref<!tpu.dma_semaphore, #tpu.memory_space<semaphore_mem>>) src(%arg7 : memref<128x48xf32, #tpu.memory_space<vmem>>) dst(%dma_wait3A_92 : memref<128x48xf32, #tpu.memory_space<hbm>>)
      tpu.yield
    }) : () -> ()
    %mul3A_68 = arith.constant 640 : i32
    %mul3A_69 = arith.muli %arg1, %mul3A_68 : i32
    %add3A_70 = arith.constant 256 : i32
    %add3A_71 = arith.addi %mul3A_69, %add3A_70 : i32
    "tpu.region"() ({
      %run_scoped3A_80 = tpu.sem_alloc : memref<!tpu.dma_semaphore, #tpu.memory_space<semaphore_mem>>
      %dma_start3A_81 = arith.constant 0 : i32
      %dma_start3A_82 = tpu.memref_slice %arg9[%add3A_71, %dma_start3A_81] : memref<10240x48xf32, #tpu.memory_space<vmem_shared>> -> memref<128x48xf32, #tpu.memory_space<vmem_shared>>
      %dma_start3A_83 = arith.constant 0 : i32
      %dma_start3A_84 = tpu.memref_slice %arg9[%add3A_71, %dma_start3A_83] : memref<10240x48xf32, #tpu.memory_space<vmem_shared>> -> memref<128x48xf32, #tpu.memory_space<vmem_shared>>
      tpu.enqueue_dma source(%dma_start3A_84 : memref<128x48xf32, #tpu.memory_space<vmem_shared>>) target(%arg7 : memref<128x48xf32, #tpu.memory_space<vmem>>) target_semaphore(%run_scoped3A_80 : memref<!tpu.dma_semaphore, #tpu.memory_space<semaphore_mem>>)
      %dma_wait3A_85 = arith.constant 0 : i32
      %dma_wait3A_86 = tpu.memref_slice %arg9[%add3A_71, %dma_wait3A_85] : memref<10240x48xf32, #tpu.memory_space<vmem_shared>> -> memref<128x48xf32, #tpu.memory_space<vmem_shared>>
      %dma_wait3A_87 = arith.constant 0 : i32
      %dma_wait3A_88 = tpu.memref_slice %arg9[%add3A_71, %dma_wait3A_87] : memref<10240x48xf32, #tpu.memory_space<vmem_shared>> -> memref<128x48xf32, #tpu.memory_space<vmem_shared>>
      tpu.wait_dma2 semaphore(%run_scoped3A_80 : memref<!tpu.dma_semaphore, #tpu.memory_space<semaphore_mem>>) src(%dma_wait3A_88 : memref<128x48xf32, #tpu.memory_space<vmem_shared>>) dst(%arg7 : memref<128x48xf32, #tpu.memory_space<vmem>>)
      tpu.yield
    }) : () -> ()
    "tpu.region"() ({
      %run_scoped3A_80 = tpu.sem_alloc : memref<!tpu.dma_semaphore, #tpu.memory_space<semaphore_mem>>
      %dma_start3A_81 = arith.constant 0 : i32
      %dma_start3A_82 = tpu.memref_slice %arg4[%arg0, %add3A_71, %dma_start3A_81] : memref<2x10240x48xf32, #tpu.memory_space<hbm>> -> memref<1x128x48xf32, #tpu.memory_space<hbm>>
      %dma_start3A_83 = tpu.memref_squeeze %dma_start3A_82 : memref<1x128x48xf32, #tpu.memory_space<hbm>> -> memref<128x48xf32, #tpu.memory_space<hbm>>
      %dma_start3A_84 = arith.constant 0 : i32
      %dma_start3A_85 = tpu.memref_slice %arg4[%arg0, %add3A_71, %dma_start3A_84] : memref<2x10240x48xf32, #tpu.memory_space<hbm>> -> memref<1x128x48xf32, #tpu.memory_space<hbm>>
      %dma_start3A_86 = tpu.memref_squeeze %dma_start3A_85 : memref<1x128x48xf32, #tpu.memory_space<hbm>> -> memref<128x48xf32, #tpu.memory_space<hbm>>
      tpu.enqueue_dma source(%arg7 : memref<128x48xf32, #tpu.memory_space<vmem>>) target(%dma_start3A_86 : memref<128x48xf32, #tpu.memory_space<hbm>>) target_semaphore(%run_scoped3A_80 : memref<!tpu.dma_semaphore, #tpu.memory_space<semaphore_mem>>)
      %dma_wait3A_87 = arith.constant 0 : i32
      %dma_wait3A_88 = tpu.memref_slice %arg4[%arg0, %add3A_71, %dma_wait3A_87] : memref<2x10240x48xf32, #tpu.memory_space<hbm>> -> memref<1x128x48xf32, #tpu.memory_space<hbm>>
      %dma_wait3A_89 = tpu.memref_squeeze %dma_wait3A_88 : memref<1x128x48xf32, #tpu.memory_space<hbm>> -> memref<128x48xf32, #tpu.memory_space<hbm>>
      %dma_wait3A_90 = arith.constant 0 : i32
      %dma_wait3A_91 = tpu.memref_slice %arg4[%arg0, %add3A_71, %dma_wait3A_90] : memref<2x10240x48xf32, #tpu.memory_space<hbm>> -> memref<1x128x48xf32, #tpu.memory_space<hbm>>
      %dma_wait3A_92 = tpu.memref_squeeze %dma_wait3A_91 : memref<1x128x48xf32, #tpu.memory_space<hbm>> -> memref<128x48xf32, #tpu.memory_space<hbm>>
      tpu.wait_dma2 semaphore(%run_scoped3A_80 : memref<!tpu.dma_semaphore, #tpu.memory_space<semaphore_mem>>) src(%arg7 : memref<128x48xf32, #tpu.memory_space<vmem>>) dst(%dma_wait3A_92 : memref<128x48xf32, #tpu.memory_space<hbm>>)
      tpu.yield
    }) : () -> ()
    %mul3A_72 = arith.constant 640 : i32
    %mul3A_73 = arith.muli %arg1, %mul3A_72 : i32
    %add3A_74 = arith.constant 384 : i32
    %add3A_75 = arith.addi %mul3A_73, %add3A_74 : i32
    "tpu.region"() ({
      %run_scoped3A_80 = tpu.sem_alloc : memref<!tpu.dma_semaphore, #tpu.memory_space<semaphore_mem>>
      %dma_start3A_81 = arith.constant 0 : i32
      %dma_start3A_82 = tpu.memref_slice %arg9[%add3A_75, %dma_start3A_81] : memref<10240x48xf32, #tpu.memory_space<vmem_shared>> -> memref<128x48xf32, #tpu.memory_space<vmem_shared>>
      %dma_start3A_83 = arith.constant 0 : i32
      %dma_start3A_84 = tpu.memref_slice %arg9[%add3A_75, %dma_start3A_83] : memref<10240x48xf32, #tpu.memory_space<vmem_shared>> -> memref<128x48xf32, #tpu.memory_space<vmem_shared>>
      tpu.enqueue_dma source(%dma_start3A_84 : memref<128x48xf32, #tpu.memory_space<vmem_shared>>) target(%arg7 : memref<128x48xf32, #tpu.memory_space<vmem>>) target_semaphore(%run_scoped3A_80 : memref<!tpu.dma_semaphore, #tpu.memory_space<semaphore_mem>>)
      %dma_wait3A_85 = arith.constant 0 : i32
      %dma_wait3A_86 = tpu.memref_slice %arg9[%add3A_75, %dma_wait3A_85] : memref<10240x48xf32, #tpu.memory_space<vmem_shared>> -> memref<128x48xf32, #tpu.memory_space<vmem_shared>>
      %dma_wait3A_87 = arith.constant 0 : i32
      %dma_wait3A_88 = tpu.memref_slice %arg9[%add3A_75, %dma_wait3A_87] : memref<10240x48xf32, #tpu.memory_space<vmem_shared>> -> memref<128x48xf32, #tpu.memory_space<vmem_shared>>
      tpu.wait_dma2 semaphore(%run_scoped3A_80 : memref<!tpu.dma_semaphore, #tpu.memory_space<semaphore_mem>>) src(%dma_wait3A_88 : memref<128x48xf32, #tpu.memory_space<vmem_shared>>) dst(%arg7 : memref<128x48xf32, #tpu.memory_space<vmem>>)
      tpu.yield
    }) : () -> ()
    "tpu.region"() ({
      %run_scoped3A_80 = tpu.sem_alloc : memref<!tpu.dma_semaphore, #tpu.memory_space<semaphore_mem>>
      %dma_start3A_81 = arith.constant 0 : i32
      %dma_start3A_82 = tpu.memref_slice %arg4[%arg0, %add3A_75, %dma_start3A_81] : memref<2x10240x48xf32, #tpu.memory_space<hbm>> -> memref<1x128x48xf32, #tpu.memory_space<hbm>>
      %dma_start3A_83 = tpu.memref_squeeze %dma_start3A_82 : memref<1x128x48xf32, #tpu.memory_space<hbm>> -> memref<128x48xf32, #tpu.memory_space<hbm>>
      %dma_start3A_84 = arith.constant 0 : i32
      %dma_start3A_85 = tpu.memref_slice %arg4[%arg0, %add3A_75, %dma_start3A_84] : memref<2x10240x48xf32, #tpu.memory_space<hbm>> -> memref<1x128x48xf32, #tpu.memory_space<hbm>>
      %dma_start3A_86 = tpu.memref_squeeze %dma_start3A_85 : memref<1x128x48xf32, #tpu.memory_space<hbm>> -> memref<128x48xf32, #tpu.memory_space<hbm>>
      tpu.enqueue_dma source(%arg7 : memref<128x48xf32, #tpu.memory_space<vmem>>) target(%dma_start3A_86 : memref<128x48xf32, #tpu.memory_space<hbm>>) target_semaphore(%run_scoped3A_80 : memref<!tpu.dma_semaphore, #tpu.memory_space<semaphore_mem>>)
      %dma_wait3A_87 = arith.constant 0 : i32
      %dma_wait3A_88 = tpu.memref_slice %arg4[%arg0, %add3A_75, %dma_wait3A_87] : memref<2x10240x48xf32, #tpu.memory_space<hbm>> -> memref<1x128x48xf32, #tpu.memory_space<hbm>>
      %dma_wait3A_89 = tpu.memref_squeeze %dma_wait3A_88 : memref<1x128x48xf32, #tpu.memory_space<hbm>> -> memref<128x48xf32, #tpu.memory_space<hbm>>
      %dma_wait3A_90 = arith.constant 0 : i32
      %dma_wait3A_91 = tpu.memref_slice %arg4[%arg0, %add3A_75, %dma_wait3A_90] : memref<2x10240x48xf32, #tpu.memory_space<hbm>> -> memref<1x128x48xf32, #tpu.memory_space<hbm>>
      %dma_wait3A_92 = tpu.memref_squeeze %dma_wait3A_91 : memref<1x128x48xf32, #tpu.memory_space<hbm>> -> memref<128x48xf32, #tpu.memory_space<hbm>>
      tpu.wait_dma2 semaphore(%run_scoped3A_80 : memref<!tpu.dma_semaphore, #tpu.memory_space<semaphore_mem>>) src(%arg7 : memref<128x48xf32, #tpu.memory_space<vmem>>) dst(%dma_wait3A_92 : memref<128x48xf32, #tpu.memory_space<hbm>>)
      tpu.yield
    }) : () -> ()
    %mul3A_76 = arith.constant 640 : i32
    %mul3A_77 = arith.muli %arg1, %mul3A_76 : i32
    %add3A_78 = arith.constant 512 : i32
    %add3A_79 = arith.addi %mul3A_77, %add3A_78 : i32
    "tpu.region"() ({
      %run_scoped3A_80 = tpu.sem_alloc : memref<!tpu.dma_semaphore, #tpu.memory_space<semaphore_mem>>
      %dma_start3A_81 = arith.constant 0 : i32
      %dma_start3A_82 = tpu.memref_slice %arg9[%add3A_79, %dma_start3A_81] : memref<10240x48xf32, #tpu.memory_space<vmem_shared>> -> memref<128x48xf32, #tpu.memory_space<vmem_shared>>
      %dma_start3A_83 = arith.constant 0 : i32
      %dma_start3A_84 = tpu.memref_slice %arg9[%add3A_79, %dma_start3A_83] : memref<10240x48xf32, #tpu.memory_space<vmem_shared>> -> memref<128x48xf32, #tpu.memory_space<vmem_shared>>
      tpu.enqueue_dma source(%dma_start3A_84 : memref<128x48xf32, #tpu.memory_space<vmem_shared>>) target(%arg7 : memref<128x48xf32, #tpu.memory_space<vmem>>) target_semaphore(%run_scoped3A_80 : memref<!tpu.dma_semaphore, #tpu.memory_space<semaphore_mem>>)
      %dma_wait3A_85 = arith.constant 0 : i32
      %dma_wait3A_86 = tpu.memref_slice %arg9[%add3A_79, %dma_wait3A_85] : memref<10240x48xf32, #tpu.memory_space<vmem_shared>> -> memref<128x48xf32, #tpu.memory_space<vmem_shared>>
      %dma_wait3A_87 = arith.constant 0 : i32
      %dma_wait3A_88 = tpu.memref_slice %arg9[%add3A_79, %dma_wait3A_87] : memref<10240x48xf32, #tpu.memory_space<vmem_shared>> -> memref<128x48xf32, #tpu.memory_space<vmem_shared>>
      tpu.wait_dma2 semaphore(%run_scoped3A_80 : memref<!tpu.dma_semaphore, #tpu.memory_space<semaphore_mem>>) src(%dma_wait3A_88 : memref<128x48xf32, #tpu.memory_space<vmem_shared>>) dst(%arg7 : memref<128x48xf32, #tpu.memory_space<vmem>>)
      tpu.yield
    }) : () -> ()
    "tpu.region"() ({
      %run_scoped3A_80 = tpu.sem_alloc : memref<!tpu.dma_semaphore, #tpu.memory_space<semaphore_mem>>
      %dma_start3A_81 = arith.constant 0 : i32
      %dma_start3A_82 = tpu.memref_slice %arg4[%arg0, %add3A_79, %dma_start3A_81] : memref<2x10240x48xf32, #tpu.memory_space<hbm>> -> memref<1x128x48xf32, #tpu.memory_space<hbm>>
      %dma_start3A_83 = tpu.memref_squeeze %dma_start3A_82 : memref<1x128x48xf32, #tpu.memory_space<hbm>> -> memref<128x48xf32, #tpu.memory_space<hbm>>
      %dma_start3A_84 = arith.constant 0 : i32
      %dma_start3A_85 = tpu.memref_slice %arg4[%arg0, %add3A_79, %dma_start3A_84] : memref<2x10240x48xf32, #tpu.memory_space<hbm>> -> memref<1x128x48xf32, #tpu.memory_space<hbm>>
      %dma_start3A_86 = tpu.memref_squeeze %dma_start3A_85 : memref<1x128x48xf32, #tpu.memory_space<hbm>> -> memref<128x48xf32, #tpu.memory_space<hbm>>
      tpu.enqueue_dma source(%arg7 : memref<128x48xf32, #tpu.memory_space<vmem>>) target(%dma_start3A_86 : memref<128x48xf32, #tpu.memory_space<hbm>>) target_semaphore(%run_scoped3A_80 : memref<!tpu.dma_semaphore, #tpu.memory_space<semaphore_mem>>)
      %dma_wait3A_87 = arith.constant 0 : i32
      %dma_wait3A_88 = tpu.memref_slice %arg4[%arg0, %add3A_79, %dma_wait3A_87] : memref<2x10240x48xf32, #tpu.memory_space<hbm>> -> memref<1x128x48xf32, #tpu.memory_space<hbm>>
      %dma_wait3A_89 = tpu.memref_squeeze %dma_wait3A_88 : memref<1x128x48xf32, #tpu.memory_space<hbm>> -> memref<128x48xf32, #tpu.memory_space<hbm>>
      %dma_wait3A_90 = arith.constant 0 : i32
      %dma_wait3A_91 = tpu.memref_slice %arg4[%arg0, %add3A_79, %dma_wait3A_90] : memref<2x10240x48xf32, #tpu.memory_space<hbm>> -> memref<1x128x48xf32, #tpu.memory_space<hbm>>
      %dma_wait3A_92 = tpu.memref_squeeze %dma_wait3A_91 : memref<1x128x48xf32, #tpu.memory_space<hbm>> -> memref<128x48xf32, #tpu.memory_space<hbm>>
      tpu.wait_dma2 semaphore(%run_scoped3A_80 : memref<!tpu.dma_semaphore, #tpu.memory_space<semaphore_mem>>) src(%arg7 : memref<128x48xf32, #tpu.memory_space<vmem>>) dst(%dma_wait3A_92 : memref<128x48xf32, #tpu.memory_space<hbm>>)
      tpu.yield
    }) : () -> ()
    return
  }
}

module attributes {stable_mosaic.version = 14 : i64} {
  func.func @body(%arg0: i32, %arg1: memref<512x128xf32, #tpu.memory_space<vmem>>, %arg2: memref<128x48xf32, #tpu.memory_space<vmem>>, %arg3: memref<2x512x1xf32, #tpu.memory_space<vmem>>, %arg4: memref<512x48xf32, #tpu.memory_space<vmem>>, %arg5: memref<512x1xf32, #tpu.memory_space<vmem>>) attributes {dimension_semantics = [#tpu.dimension_semantics<arbitrary>], iteration_bounds = array<i64: 20>, scalar_prefetch = 0 : i64, scratch_operands = 0 : i64, tpu.core_type = #tpu.core_type<tc>, window_params = [{transform_indices = @transform_0, window_bounds = array<i64: 512, 128>}, {pipeline_mode = #tpu.pipeline_mode<synchronous>, transform_indices = @transform_1, window_bounds = array<i64: 128, 48>}, {transform_indices = @transform_2, window_bounds = array<i64: 2, 512, 1>}, {transform_indices = @transform_3, window_bounds = array<i64: 512, 48>}, {transform_indices = @transform_4, window_bounds = array<i64: 512, 1>}]} {
    %get3A = arith.constant 0 : index
    %get3A_0 = arith.constant 0 : index
    %get3A_1 = vector.load %arg1[%get3A, %get3A_0] : memref<512x128xf32, #tpu.memory_space<vmem>>, vector<512x128xf32>
    %get3A_2 = arith.constant 0 : index
    %get3A_3 = arith.constant 0 : index
    %get3A_4 = vector.load %arg2[%get3A_2, %get3A_3] : memref<128x48xf32, #tpu.memory_space<vmem>>, vector<128x48xf32>
    %dot_general3A = arith.constant dense<0.000000e+00> : vector<512x48xf32>
    %dot_general3A_5 = tpu.matmul %get3A_1, %get3A_4, %dot_general3A {dimension_numbers = #tpu.dot_dimension_numbers<[1], [0], [0], [1], [0, 0, 1, 1], [], []>, precision = #tpu.contract_precision<fp32>, transpose_lhs_hint = false} : vector<512x128xf32>, vector<128x48xf32>, vector<512x48xf32> -> vector<512x48xf32>
    %get3A_6 = arith.constant 0 : index
    %get3A_7 = arith.constant 0 : index
    %get3A_8 = arith.constant 0 : index
    %get3A_9 = vector.load %arg3[%get3A_6, %get3A_7, %get3A_8] : memref<2x512x1xf32, #tpu.memory_space<vmem>>, vector<1x512x1xf32>
    %get3A_10 = vector.shape_cast %get3A_9 : vector<1x512x1xf32> to vector<512x1xf32>
    %get3A_11 = arith.constant 1 : index
    %get3A_12 = arith.constant 0 : index
    %get3A_13 = arith.constant 0 : index
    %get3A_14 = vector.load %arg3[%get3A_11, %get3A_12, %get3A_13] : memref<2x512x1xf32, #tpu.memory_space<vmem>>, vector<1x512x1xf32>
    %get3A_15 = vector.shape_cast %get3A_14 : vector<1x512x1xf32> to vector<512x1xf32>
    %add3A = arith.addf %get3A_10, %get3A_15 : vector<512x1xf32>
    %add3A_16 = arith.constant 1.000000e+00 : f32
    %add3A_17 = vector.broadcast %add3A_16 : f32 to vector<512x1xf32>
    %add3A_18 = arith.addf %add3A, %add3A_17 : vector<512x1xf32>
    %rsqrt3A = math.rsqrt %add3A_18 : vector<512x1xf32>
    %swap3A = arith.constant 0 : index
    %swap3A_19 = arith.constant 0 : index
    %swap3A_20 = vector.load %arg5[%swap3A, %swap3A_19] : memref<512x1xf32, #tpu.memory_space<vmem>>, vector<512x1xf32>
    tpu.vector_store %arg5[%swap3A, %swap3A_19], %rsqrt3A {strides = array<i32>} : memref<512x1xf32, #tpu.memory_space<vmem>>, vector<512x1xf32>,
    %mul3A = vector.broadcast %rsqrt3A : vector<512x1xf32> to vector<512x48xf32>
    %mul3A_21 = arith.mulf %dot_general3A_5, %mul3A : vector<512x48xf32>
    %swap3A_22 = arith.constant 0 : index
    %swap3A_23 = arith.constant 0 : index
    %swap3A_24 = vector.load %arg4[%swap3A_22, %swap3A_23] : memref<512x48xf32, #tpu.memory_space<vmem>>, vector<512x48xf32>
    tpu.vector_store %arg4[%swap3A_22, %swap3A_23], %mul3A_21 {strides = array<i32>} : memref<512x48xf32, #tpu.memory_space<vmem>>, vector<512x48xf32>,
    return
  }
  func.func @transform_0(%arg0: i32) -> (i32, i32) {
    %c0_i32 = arith.constant 0 : i32
    %c0_i32_0 = arith.constant 0 : i32
    return %arg0, %c0_i32 : i32, i32
  }
  func.func @transform_1(%arg0: i32) -> (i32, i32) {
    %c0_i32 = arith.constant 0 : i32
    %c0_i32_0 = arith.constant 0 : i32
    %c0_i32_1 = arith.constant 0 : i32
    return %c0_i32, %c0_i32_0 : i32, i32
  }
  func.func @transform_2(%arg0: i32) -> (i32, i32, i32) {
    %c0_i32 = arith.constant 0 : i32
    %c0_i32_0 = arith.constant 0 : i32
    %c0_i32_1 = arith.constant 0 : i32
    return %c0_i32, %arg0, %c0_i32_0 : i32, i32, i32
  }
  func.func @transform_3(%arg0: i32) -> (i32, i32) {
    %c0_i32 = arith.constant 0 : i32
    %c0_i32_0 = arith.constant 0 : i32
    return %arg0, %c0_i32 : i32, i32
  }
  func.func @transform_4(%arg0: i32) -> (i32, i32) {
    %c0_i32 = arith.constant 0 : i32
    %c0_i32_0 = arith.constant 0 : i32
    return %arg0, %c0_i32 : i32, i32
  }
}

module attributes {stable_mosaic.version = 14 : i64} {
  func.func @body(%arg0: i32, %arg1: memref<2x512x48xf32, #tpu.memory_space<vmem>>, %arg2: memref<512x48xf32, #tpu.memory_space<vmem>>, %arg3: memref<512x1xf32, #tpu.memory_space<vmem>>, %arg4: memref<512x48xf32, #tpu.memory_space<vmem>>) attributes {dimension_semantics = [#tpu.dimension_semantics<arbitrary>], iteration_bounds = array<i64: 20>, scalar_prefetch = 0 : i64, scratch_operands = 0 : i64, tpu.core_type = #tpu.core_type<tc>, window_params = [{transform_indices = @transform_0, window_bounds = array<i64: 2, 512, 48>}, {transform_indices = @transform_1, window_bounds = array<i64: 512, 48>}, {transform_indices = @transform_2, window_bounds = array<i64: 512, 1>}, {transform_indices = @transform_3, window_bounds = array<i64: 512, 48>}]} {
    %get3A = arith.constant 0 : index
    %get3A_0 = arith.constant 0 : index
    %get3A_1 = vector.load %arg3[%get3A, %get3A_0] : memref<512x1xf32, #tpu.memory_space<vmem>>, vector<512x1xf32>
    %get3A_2 = arith.constant 0 : index
    %get3A_3 = arith.constant 0 : index
    %get3A_4 = arith.constant 0 : index
    %get3A_5 = vector.load %arg1[%get3A_2, %get3A_3, %get3A_4] : memref<2x512x48xf32, #tpu.memory_space<vmem>>, vector<1x512x48xf32>
    %get3A_6 = vector.shape_cast %get3A_5 : vector<1x512x48xf32> to vector<512x48xf32>
    %get3A_7 = arith.constant 1 : index
    %get3A_8 = arith.constant 0 : index
    %get3A_9 = arith.constant 0 : index
    %get3A_10 = vector.load %arg1[%get3A_7, %get3A_8, %get3A_9] : memref<2x512x48xf32, #tpu.memory_space<vmem>>, vector<1x512x48xf32>
    %get3A_11 = vector.shape_cast %get3A_10 : vector<1x512x48xf32> to vector<512x48xf32>
    %add3A = arith.addf %get3A_6, %get3A_11 : vector<512x48xf32>
    %get3A_12 = arith.constant 0 : index
    %get3A_13 = arith.constant 0 : index
    %get3A_14 = vector.load %arg2[%get3A_12, %get3A_13] : memref<512x48xf32, #tpu.memory_space<vmem>>, vector<512x48xf32>
    %add3A_15 = arith.addf %add3A, %get3A_14 : vector<512x48xf32>
    %mul3A = arith.mulf %get3A_1, %get3A_1 : vector<512x1xf32>
    %mul3A_16 = vector.broadcast %mul3A : vector<512x1xf32> to vector<512x48xf32>
    %mul3A_17 = arith.mulf %add3A_15, %mul3A_16 : vector<512x48xf32>
    %swap3A = arith.constant 0 : index
    %swap3A_18 = arith.constant 0 : index
    %swap3A_19 = vector.load %arg4[%swap3A, %swap3A_18] : memref<512x48xf32, #tpu.memory_space<vmem>>, vector<512x48xf32>
    tpu.vector_store %arg4[%swap3A, %swap3A_18], %mul3A_17 {strides = array<i32>} : memref<512x48xf32, #tpu.memory_space<vmem>>, vector<512x48xf32>,
    return
  }
  func.func @transform_0(%arg0: i32) -> (i32, i32, i32) {
    %c0_i32 = arith.constant 0 : i32
    %c0_i32_0 = arith.constant 0 : i32
    %c0_i32_1 = arith.constant 0 : i32
    return %c0_i32, %arg0, %c0_i32_0 : i32, i32, i32
  }
  func.func @transform_1(%arg0: i32) -> (i32, i32) {
    %c0_i32 = arith.constant 0 : i32
    %c0_i32_0 = arith.constant 0 : i32
    return %arg0, %c0_i32 : i32, i32
  }
  func.func @transform_2(%arg0: i32) -> (i32, i32) {
    %c0_i32 = arith.constant 0 : i32
    %c0_i32_0 = arith.constant 0 : i32
    return %arg0, %c0_i32 : i32, i32
  }
  func.func @transform_3(%arg0: i32) -> (i32, i32) {
    %c0_i32 = arith.constant 0 : i32
    %c0_i32_0 = arith.constant 0 : i32
    return %arg0, %c0_i32 : i32, i32
  }
}

module attributes {stable_mosaic.version = 14 : i64} {
  func.func @body(%arg0: i32, %arg1: memref<2x512x48xf32, #tpu.memory_space<vmem>>, %arg2: memref<512x48xf32, #tpu.memory_space<vmem>>, %arg3: memref<512x1xf32, #tpu.memory_space<vmem>>, %arg4: memref<1x40xf32, #tpu.memory_space<vmem>>, %arg5: memref<512x40xf32, #tpu.memory_space<vmem>>) attributes {dimension_semantics = [#tpu.dimension_semantics<arbitrary>], iteration_bounds = array<i64: 20>, scalar_prefetch = 0 : i64, scratch_operands = 0 : i64, tpu.core_type = #tpu.core_type<tc>, window_params = [{transform_indices = @transform_0, window_bounds = array<i64: 2, 512, 48>}, {transform_indices = @transform_1, window_bounds = array<i64: 512, 48>}, {transform_indices = @transform_2, window_bounds = array<i64: 512, 1>}, {pipeline_mode = #tpu.pipeline_mode<synchronous>, transform_indices = @transform_3, window_bounds = array<i64: 1, 40>}, {transform_indices = @transform_4, window_bounds = array<i64: 512, 40>}]} {
    %get3A = arith.constant 0 : index
    %get3A_0 = arith.constant 0 : index
    %get3A_1 = arith.constant 0 : index
    %get3A_2 = vector.load %arg1[%get3A, %get3A_0, %get3A_1] : memref<2x512x48xf32, #tpu.memory_space<vmem>>, vector<1x512x48xf32>
    %get3A_3 = vector.shape_cast %get3A_2 : vector<1x512x48xf32> to vector<512x48xf32>
    %get3A_4 = arith.constant 1 : index
    %get3A_5 = arith.constant 0 : index
    %get3A_6 = arith.constant 0 : index
    %get3A_7 = vector.load %arg1[%get3A_4, %get3A_5, %get3A_6] : memref<2x512x48xf32, #tpu.memory_space<vmem>>, vector<1x512x48xf32>
    %get3A_8 = vector.shape_cast %get3A_7 : vector<1x512x48xf32> to vector<512x48xf32>
    %add3A = arith.addf %get3A_3, %get3A_8 : vector<512x48xf32>
    %get3A_9 = arith.constant 0 : index
    %get3A_10 = arith.constant 0 : index
    %get3A_11 = vector.load %arg2[%get3A_9, %get3A_10] : memref<512x48xf32, #tpu.memory_space<vmem>>, vector<512x48xf32>
    %add3A_12 = arith.addf %add3A, %get3A_11 : vector<512x48xf32>
    %get3A_13 = arith.constant 0 : index
    %get3A_14 = arith.constant 0 : index
    %get3A_15 = vector.load %arg3[%get3A_13, %get3A_14] : memref<512x1xf32, #tpu.memory_space<vmem>>, vector<512x1xf32>
    %mul3A = vector.broadcast %get3A_15 : vector<512x1xf32> to vector<512x48xf32>
    %mul3A_16 = arith.mulf %add3A_12, %mul3A : vector<512x48xf32>
    %slice3A = vector.extract_strided_slice %mul3A_16 {offsets = [0, 0], sizes = [512, 40], strides = [1, 1]} : vector<512x48xf32> to vector<512x40xf32>
    %get3A_17 = arith.constant 0 : index
    %get3A_18 = arith.constant 0 : index
    %get3A_19 = vector.load %arg4[%get3A_17, %get3A_18] : memref<1x40xf32, #tpu.memory_space<vmem>>, vector<1x40xf32>
    %add3A_20 = vector.broadcast %get3A_19 : vector<1x40xf32> to vector<512x40xf32>
    %add3A_21 = arith.addf %slice3A, %add3A_20 : vector<512x40xf32>
    %reduce_max3A = arith.constant dense<0xFF800000> : vector<512xf32>
    %reduce_max3A_22 = vector.multi_reduction <maximumf>, %add3A_21, %reduce_max3A [1] : vector<512x40xf32> to vector<512xf32>
    %broadcast_in_dim3A = vector.shape_cast %reduce_max3A_22 : vector<512xf32> to vector<512x1xf32>
    %sub3A = vector.broadcast %broadcast_in_dim3A : vector<512x1xf32> to vector<512x40xf32>
    %sub3A_23 = arith.subf %add3A_21, %sub3A : vector<512x40xf32>
    %exp3A = math.exp %sub3A_23 : vector<512x40xf32>
    %reduce_sum3A = arith.constant dense<0.000000e+00> : vector<512xf32>
    %reduce_sum3A_24 = vector.multi_reduction <add>, %exp3A, %reduce_sum3A [1] : vector<512x40xf32> to vector<512xf32>
    %broadcast_in_dim3A_25 = vector.shape_cast %reduce_sum3A_24 : vector<512xf32> to vector<512x1xf32>
    %log3A = math.log %broadcast_in_dim3A_25 : vector<512x1xf32>
    %add3A_26 = arith.addf %broadcast_in_dim3A, %log3A : vector<512x1xf32>
    %sub3A_27 = vector.broadcast %add3A_26 : vector<512x1xf32> to vector<512x40xf32>
    %sub3A_28 = arith.subf %add3A_21, %sub3A_27 : vector<512x40xf32>
    %swap3A = arith.constant 0 : index
    %swap3A_29 = arith.constant 0 : index
    %swap3A_30 = vector.load %arg5[%swap3A, %swap3A_29] : memref<512x40xf32, #tpu.memory_space<vmem>>, vector<512x40xf32>
    tpu.vector_store %arg5[%swap3A, %swap3A_29], %sub3A_28 {strides = array<i32>} : memref<512x40xf32, #tpu.memory_space<vmem>>, vector<512x40xf32>,
    return
  }
  func.func @transform_0(%arg0: i32) -> (i32, i32, i32) {
    %c0_i32 = arith.constant 0 : i32
    %c0_i32_0 = arith.constant 0 : i32
    %c0_i32_1 = arith.constant 0 : i32
    return %c0_i32, %arg0, %c0_i32_0 : i32, i32, i32
  }
  func.func @transform_1(%arg0: i32) -> (i32, i32) {
    %c0_i32 = arith.constant 0 : i32
    %c0_i32_0 = arith.constant 0 : i32
    return %arg0, %c0_i32 : i32, i32
  }
  func.func @transform_2(%arg0: i32) -> (i32, i32) {
    %c0_i32 = arith.constant 0 : i32
    %c0_i32_0 = arith.constant 0 : i32
    return %arg0, %c0_i32 : i32, i32
  }
  func.func @transform_3(%arg0: i32) -> (i32, i32) {
    %c0_i32 = arith.constant 0 : i32
    %c0_i32_0 = arith.constant 0 : i32
    %c0_i32_1 = arith.constant 0 : i32
    return %c0_i32, %c0_i32_0 : i32, i32
  }
  func.func @transform_4(%arg0: i32) -> (i32, i32) {
    %c0_i32 = arith.constant 0 : i32
    %c0_i32_0 = arith.constant 0 : i32
    return %arg0, %c0_i32 : i32, i32
  }
}

</mosaic_0001>

<sc_bundles>
// kernel: kernel.11.cloned.1.call-start
scs
__scs_entry_jumppad:
0x0: {  	(pc) =	sbr.rel $0x88, $3  }
0x1: {  	(tag) =	ssettag $0x0;
	lr =	simm.s32 $0x1  }
0x2: {  	[smem:$0x3F9D] =	sst lr;
	_ =	strace $0xD0000000  }
0x3: {  	_ = 	snop  }
0x4: {  	_ = 	snop  }
0x5: {  	_ = 	snop  }
0x6: {  	_ = 	snop  }
0x7: {  	_ = 	snop  }
__scs_overlays_trampoline_lowered:
0x8: {  	[smem:$0x3FAC] =	sst s0  }
0x9: {  	[smem:$0x3FAD] =	sst s1  }
0xa: {  	[smem:$0x3FAE] =	sst s2  }
0xb: {  	[smem:$0x3FAF] =	sst s3  }
0xc: {  	[smem:$0x3FB0] =	sst s4  }
0xd: {  	[smem:$0x3FB1] =	sst s5  }
0xe: {  	[smem:$0x3FB2] =	sst s6  }
0xf: {  	[smem:$0x3FB3] =	sst s7  }
0x10: {  	[smem:$0x3FB4] =	sst s8  }
0x11: {  	[smem:$0x3FB5] =	sst s9;
	s0 =	simm.s32 @!p0 $0x0  }
0x12: {  	s1 =	sld [smem:$0x3F9B];
	s0 =	simm.s32 @p0 $0x1  }
0x13: {  	[smem:$0x3FB6] =	sst s0;
	s0 =	simm.s32 @!p1 $0x0  }
0x14: {  	s2 =	sld [smem:$0x3F9A];
	s0 =	simm.s32 @p1 $0x1  }
0x15: {  	[smem:$0x3FB7] =	sst s0;
	s0 =	simm.s32 @!p2 $0x0  }
0x16: {  	s3 =	sld [smem:$0x3FDB];
	s0 =	simm.s32 @p2 $0x1  }
0x17: {  	s4 =	simm.s32 $0x1BF5;
	[smem:$0x3FB9] =	sst s0  }
0x18: {  	s0 =	sld [smem:$0x3F9C];
	_ =	swait.ge [sflag:s4], $0x0  }
0x19: {  	s7 =	sld [smem:$0x3F9D]  }
0x1a: {  	s8 =	sadd.s32 $0xFFFFE003, lr  }
0x1b: {  	s9 =	sadd.s32 $0xFFFFFEF7, lr;
	s5 =	simm.s32 $0xFFFFFFFF;
	p2 =	slt.u32 s8, $0xFFFFF086  }
0x1c: {  	p1 =	slt.u32 s9, $0xF7A;
	s5 =	simm.s32 @!p2 $0x0  }
0x1d: {  	s5 =	simm.s32 @p1 $0x1;
	p0 =	seq.s32 s7, s2  }
0x1e: {  	s7 =	smul.u32 @!p0 $0xF7A, s2;
	p2 =	seq.s32 @!p0 s5, $0x0  }
0x1f: {  	s9 =	smul.u32 $0xF7A, s1;
	s8 =	simm.s32 @!p0 $0x1BF5;
	p2 =	por !p2, p0  }
0x20: {  	[sflag:s8] =	ssyncset.s32 @!p0 $0xFFFFF086;
	s6 =	sadd.s32 @!p0 s3, s7;
	s7 =	simm.s32 @!p0 $0x108  }
0x21: {  	s3 =	sadd.s32 s3, s9;
	s6 =	sadd.s32 @!p0 $0x88, s6;
	s7 =	simm.s32 @p2 $0x1082  }
0x22: {  	[simem:s7], [sflag:s8] =	dma.local @!p0 [hbm:s6], $0xF7A  }
0x23: {  	s9 =	sor.u32 $0xD0000000, s2;
	s6 =	simm.s32 $0x108;
	_ =	swait.ge @!p0 [sflag:s8], $0x0  }
0x24: {  	s3 =	sadd.s32 $0x88, s3;
	s6 =	simm.s32 @!p1 $0x1082;
	[sflag:s4] =	ssyncset.s32 $0xFFFFF086  }
0x25: {  	[simem:s6], [sflag:s4] =	dma.local [hbm:s3], $0xF7A  }
0x26: {  	[smem:$0x3F9D] =	sst s1;
	(tag) =	ssettag s2;
	_ =	strace s9  }
0x27: {  	s1 =	sld [smem:$0x3FAD]  }
0x28: {  	s2 =	sld [smem:$0x3FAE]  }
0x29: {  	s4 =	sld [smem:$0x3FB0]  }
0x2a: {  	p0 =	seq.s32 s5, $0x0;
	s5 =	sld [smem:$0x3FB1]  }
0x2b: {  	s6 =	sld [smem:$0x3FB2]  }
0x2c: {  	s7 =	sld [smem:$0x3FB3]  }
0x2d: {  	s3 =	simm.s32 $0x108;
	s8 =	sld [smem:$0x3FB4]  }
0x2e: {  	s3 =	simm.s32 @!p0 $0x1082;
	s9 =	sld [smem:$0x3FB5]  }
0x2f: {  	lr =	sadd.s32 s0, s3;
	s0 =	sld [smem:$0x3FAC]  }
0x30: {  	s3 =	sld [smem:$0x3FAF]  }
0x31: {  	[smem:$0x3FB8] =	sst s10  }
0x32: {  	s10 =	sld [smem:$0x3FB6];
	_ =	sdelay $0x3  }
0x33: {  	p0 =	seq.s32 s10, $0x1;
	s10 =	sld [smem:$0x3FB8];
	_ =	sdelay $0x3  }
0x34: {  	[smem:$0x3FB8] =	sst s10  }
0x35: {  	s10 =	sld [smem:$0x3FB7];
	_ =	sdelay $0x3  }
0x36: {  	p1 =	seq.s32 s10, $0x1;
	s10 =	sld [smem:$0x3FB8];
	_ =	sdelay $0x3  }
0x37: {  	[smem:$0x3FB8] =	sst s10  }
0x38: {  	s10 =	sld [smem:$0x3FB9]  }
0x39: {  	_ = 	snop;
	(pc) =	sbr.ind lr, $3  }
0x3a: {  	_ = 	snop  }
0x3b: {  	_ = 	snop  }
0x3c: {  	p2 =	seq.s32 s10, $0x1;
	s10 =	sld [smem:$0x3FB8]  }
0x3d: {  	_ =	shalt  }
0x3e: {  	_ =	shalt  }
0x3f: {  	_ =	shalt  }
0x40: {  	_ =	shalt  }
0x41: {  	_ =	shalt  }
0x42: {  	_ =	shalt  }
0x43: {  	_ =	shalt  }
0x44: {  	_ =	shalt  }
0x45: {  	_ =	shalt  }
0x46: {  	_ =	shalt  }
0x47: {  	_ =	shalt  }
0x48: {  	_ =	shalt  }
0x49: {  	_ =	shalt  }
0x4a: {  	_ =	shalt  }
0x4b: {  	_ =	shalt  }
0x4c: {  	_ =	shalt  }
0x4d: {  	_ =	shalt  }
0x4e: {  	_ =	shalt  }
0x4f: {  	_ =	shalt  }
0x50: {  	_ =	shalt  }
0x51: {  	_ =	shalt  }
0x52: {  	_ =	shalt  }
0x53: {  	_ =	shalt  }
0x54: {  	_ =	shalt  }
0x55: {  	_ =	shalt  }
0x56: {  	_ =	shalt  }
0x57: {  	_ =	shalt  }
0x58: {  	_ =	shalt  }
0x59: {  	_ =	shalt  }
0x5a: {  	_ =	shalt  }
0x5b: {  	_ =	shalt  }
0x5c: {  	_ =	shalt  }
0x5d: {  	_ =	shalt  }
0x5e: {  	_ =	shalt  }
0x5f: {  	_ =	shalt  }
0x60: {  	_ =	shalt  }
0x61: {  	_ =	shalt  }
0x62: {  	_ =	shalt  }
0x63: {  	_ =	shalt  }
0x64: {  	_ =	shalt  }
0x65: {  	_ =	shalt  }
0x66: {  	_ =	shalt  }
0x67: {  	_ =	shalt  }
0x68: {  	_ =	shalt  }
0x69: {  	_ =	shalt  }
0x6a: {  	_ =	shalt  }
0x6b: {  	_ =	shalt  }
0x6c: {  	_ =	shalt  }
0x6d: {  	_ =	shalt  }
0x6e: {  	_ =	shalt  }
0x6f: {  	_ =	shalt  }
0x70: {  	_ =	shalt  }
0x71: {  	_ =	shalt  }
0x72: {  	_ =	shalt  }
0x73: {  	_ =	shalt  }
0x74: {  	_ =	shalt  }
0x75: {  	_ =	shalt  }
0x76: {  	_ =	shalt  }
0x77: {  	_ =	shalt  }
0x78: {  	_ =	shalt  }
0x79: {  	_ =	shalt  }
0x7a: {  	_ =	shalt  }
0x7b: {  	_ =	shalt  }
0x7c: {  	_ =	shalt  }
0x7d: {  	_ =	shalt  }
0x7e: {  	_ =	shalt  }
0x7f: {  	_ =	shalt  }
0x80: {  	_ =	shalt  }
0x81: {  	_ =	shalt  }
0x82: {  	_ =	shalt  }
0x83: {  	_ =	shalt  }
0x84: {  	_ =	shalt  }
0x85: {  	_ =	shalt  }
0x86: {  	_ =	shalt  }
0x87: {  	_ =	shalt  }
.Lfunc_end0:
.L_simem_size_0:
called_computation.1_lowered:
.L_overlay_start_0:
0x88: {  	s2 =	sld [smem:$0x3FD9]  }
0x89: {  	s3 =	sld [smem:$0x3FFE];
	_ =	sdelay $0x1  }
0x8a: {  	s1 =	srdreg.scid  }
0x8b: {  	s0 =	sand.u32 $0x1, s1  }
0x8c: {  	s16 =	sshll.u32 s0, $0xA;
	s2 =	sadd.s32 s3, s2  }
0x8d: {  	s2 =	sadd.s32 s2, s16  }
0x8e: {  	[smem:$0x3FC4] =	sst s2  }
0x8f: {  	_ = 	snop  }
0x90: {  	(tm) =	ssettm $0x1  }
0x91: {  	s17 =	sld [smem:$0x3FFB];
	_ =	sdelay $0x3  }
0x92: {  	_ =	strace s17  }
0x93: {  	s2 =	sld [smem:$0x3FFC];
	_ =	sdelay $0x3  }
0x94: {  	_ =	strace s2  }
0x95: {  	s2 =	sld [smem:$0x3FFD];
	_ =	sdelay $0x3  }
0x96: {  	_ =	strace s2  }
0x97: {  	_ =	strace $0x8FFFFFFF  }
0x98: {  	s18 =	sld [smem:$0x3FDB];
	_ =	sdelay $0x1  }
0x99: {  	s19 =	simm.s32 $_scs_section_size  }
0x9a: {  	s4 =	simm.s32 $_size__tile_overlayer_lowered;
	s5 =	simm.s32 $_tile_overlayer_lowered  }
0x9b: {  	s22 =	simm.s32 $0x1BFF;
	s21 =	sshll.u32 s5, $0x1;
	s2 =	sadd.s32 s19, s18  }
0x9c: {  	s6 =	simm.s32 $0x0;
	s20 =	sshll.u32 s4, $0x1;
	s4 =	sadd.s32 s21, s2  }
0x9d: {  	[timem:s6], [sflag:s22] =	dma.local [hbm:s4], s20  }
0x9e: {  	_ =	swait.ge [sflag:s22], s20  }
0x9f: {  	s3 =	ssub.s32 $0x0, s20;
	[sflag:s22] =	ssyncset.done $0x0  }
0xa0: {  	[sflag:s22] =	ssyncadd.s32 s3;
	_ =	sdelay $0x1  }
0xa1: {  	s23 =	simm.s32 $0x1B8B  }
0xa2: {  	_ =	swait.ge [sflag:s23], $0x1  }
0xa3: {  	[sflag:s23] =	ssyncset.done $0x0  }
0xa4: {  	s25 =	simm.s32 $0x1B8E;
	s24 =	sld [smem:$0x3FFE];
	[sflag:s23] =	ssyncadd.s32 $0xFFFFFFFF  }
0xa5: {  	s26 =	simm.s32 $execute0_lowered;
	[smem:$0x3FD2] =	sst s25  }
0xa6: {  	s4 =	sshll.u32 s26, $0x1;
	_ =	strace $0x80000049;
	[dreg:$0x1] =	wrdreg $0xFFFFFFFF  }
0xa7: {  	s28 =	simm.s32 $_size_execute0_lowered;
	s2 =	sadd.s32 s2, s4;
	[dreg:$0x0] =	wrdreg $0x0  }
0xa8: {  	s4 =	sshll.u32 s28, $0x1;
	[dreg:$0x2] =	wrdreg s2  }
0xa9: {  	[dreg:$0x3] =	wrdreg s4  }
0xaa: {  	[dreg:$0x4] =	wrdreg $0xC0  }
0xab: {  	_ =	task [dreg:s6], $0x5FFFF  }
0xac: {  	[dreg:$0x1] =	wrdreg $0xFFFFFFFF  }
0xad: {  	[dreg:$0x0] =	wrdreg $0x60  }
0xae: {  	[dreg:$0x2] =	wrdreg s24  }
0xaf: {  	[dreg:$0x3] =	wrdreg $0x7E000  }
0xb0: {  	[dreg:$0x4] =	wrdreg $0xF6000  }
0xb1: {  	[dreg:$0x5] =	wrdreg $0x9  }
0xb2: {  	_ =	task.clear_ibuf [dreg:s6], $0x6FFFF;
	_ =	strace $0x90000049  }
0xb3: {  	s29 =	simm.s32 $0x9;
	_ =	strace $0x8000004B  }
0xb4: {  	_ =	swait.ge [sflag:s29], $0x1  }
0xb5: {  	[sflag:s29] =	ssyncadd.s32 $0xFFFFFFFF  }
0xb6: {  	_ =	strace $0x9000004B  }
0xb7: {  	_ =	sfence  }
0xb8: {  	s30 =	sld [smem:$0x0];
	_ =	sdelay $0x2  }
0xb9: {  	s31 =	sshll.u32 s1, $0xD;
	s1 =	sshrl.u32 s1, $0x2  }
0xba: {  	s3 =	sand.u32 $0x4000, s31;
	s1 =	sadd.s32 s1, s30  }
0xbb: {  	s0 =	sor.u32 s3, s0;
	s1 =	sshll.u32 s1, $0x11  }
0xbc: {  	s0 =	sor.u32 s1, s0  }
0xbd: {  	s0 =	sadd.s32 $0x8F2B, s0  }
0xbe: {  	[sflag:s0] =	ssyncadd.remote.s32 $0x1  }
0xbf: {  	_ =	sfence.sel $0xFFFF  }
0xc0: {  	[dreg:$0x0] =	wrdreg $0xFFFFFFFF;
	(pc) =	sbr.abs _section_cstart, $3  }
0xc1: {  	[dreg:$0x1] =	wrdreg $0xFFFFFFFF  }
0xc2: {  	_ =	task.clear_ibuf [dreg:s6], $0x2FFFF;
	_ =	strace $0x9FFFFFFF  }
0xc3: {  	(tm) =	ssettm $0x7FFFFFFF  }
tec
execute0_lowered:
.L_overlay_start_1:
0x0: {  	(tag) =	ssettag $0x1  }
0x1: {  	s0 =	rddreg [dreg:$0x0]  }
0x2: {  	s1 =	rddreg [dreg:$0x1]  }
0x3: {  	s2 =	rddreg [dreg:$0x2];
	s4 =	simm.s32 $0x0  }
0x4: {  	s3 =	srdreg.scid;
	s18 =	stileid.u32;
	s31 =	simm.s32 $0x4E00  }
0x5: {  	[smem:$0x7FF] =	sst s4;
	s3 =	sand.u32 $0x1, s3;
	s6 =	smul.u32 $0x7800, s18  }
0x6: {  	s7 =	sadd.s32 $0x15400, s0;
	s9 =	sadd.s32 $0x1A00, s0;
	s0 =	sadd.s32 $0x24400, s0  }
0x7: {  	s19 =	sshll.u32 s18, $0x4;
	p1 =	slt.u32 s18, $0x4;
	_ =	strace $0x8000004A  }
0x8: {  	s5 =	ssub.s32 $0x2, s3;
	s24 =	sshll.u32 s3, $0x4;
	s17 =	smul.u32 $0x78000, s3  }
0x9: {  	p0 =	seq.s32 s3, $0x0;
	s3 =	sadd.s32 s19, s9;
	s8 =	sshrl.u32 s5, $0x1  }
0xa: {  	s21 =	sshrl.u32 s6, $0x3;
	s11 =	sadd.s32 $0x1800, s6;
	s22 =	sadd.s32 s6, s2  }
0xb: {  	s13 =	sadd.s32 $0x3000, s6;
	s15 =	sadd.s32 $0x4800, s6;
	p0 =	por !p0, !p1  }
0xc: {  	s28 =	sadd.s32 $0x13840, s3;
	s10 =	ssub.s32 s5, s8;
	s5 =	sadd.s32 s6, s1  }
0xd: {  	s8 =	sadd.s32 s7, s21;
	[dreg:$0x5] =	wrdreg s22;
	s12 =	sshrl.u32 s11, $0x3  }
0xe: {  	s23 =	sadd.s32 s11, s2;
	s14 =	sshrl.u32 s13, $0x3;
	s16 =	sshrl.u32 s15, $0x3  }
0xf: {  	s20 =	sadd.s32 s17, s11;
	s22 =	sadd.s32 s17, s13;
	p0 =	por !p0, !p0  }
0x10: {  	[dreg:$0x4] =	wrdreg s8;
	s8 =	sadd.s32 s11, s1;
	s12 =	sadd.s32 s7, s12  }
0x11: {  	[dreg:$0x7] =	wrdreg s23;
	s14 =	sadd.s32 s7, s14;
	s25 =	sadd.s32 s7, s16  }
0x12: {  	s16 =	sadd.s32 $0x6000, s6;
	s6 =	sadd.s32 s6, s17;
	s23 =	sadd.s32 s17, s15  }
0x13: {  	s29 =	smax.u32 s10, $0x1;
	s10 =	simm.s32 $0x3;
	[dreg:$0x6] =	wrdreg s12  }
0x14: {  	s11 =	simm.s32 $0x2;
	s12 =	sor.u32 s18, s24;
	[dreg:$0x8] =	wrdreg s14  }
0x15: {  	[dreg:$0x9] =	wrdreg s25;
	s26 =	sshrl.u32 s16, $0x3;
	s6 =	sshrl.u32 s6, $0x3  }
0x16: {  	s24 =	sadd.s32 s17, s16;
	s25 =	sshrl.u32 s23, $0x3;
	s23 =	sadd.s32 s15, s2  }
0x17: {  	s12 =	smul.u32 $0x2700, s12;
	s7 =	sadd.s32 s7, s26;
	s6 =	sadd.s32 s0, s6  }
0x18: {  	s26 =	sshrl.u32 s24, $0x3;
	s24 =	sadd.s32 s16, s1;
	[dreg:$0xa] =	wrdreg s7  }
0x19: {  	s7 =	sshrl.u32 s20, $0x3;
	[dreg:$0xb] =	wrdreg s6;
	s6 =	sshrl.u32 s22, $0x3  }
0x1a: {  	s20 =	sadd.s32 s13, s1;
	s22 =	sadd.s32 s15, s1;
	s21 =	sadd.s32 s0, s7  }
0x1b: {  	s12 =	sshrl.u32 s12, $0x3;
	s6 =	sadd.s32 s0, s6;
	[dreg:$0xc] =	wrdreg s21  }
0x1c: {  	s7 =	simm.s32 $0x80;
	s12 =	sadd.s32 s9, s12;
	[dreg:$0xd] =	wrdreg s6  }
0x1d: {  	s6 =	sadd.s32 s0, s25;
	s0 =	sadd.s32 s0, s26;
	s21 =	sadd.s32 s13, s2  }
0x1e: {  	s25 =	sadd.s32 s16, s2;
	s26 =	sadd.s32 $0x9C00, s3;
	s3 =	simm.s32 $0x6600  }
0x1f: {  	s9 =	simm.s32 $0x1;
	s13 =	simm.s32 $0x0;
	[dreg:$0xe] =	wrdreg s6  }
0x20: {  	[dreg:$0xf] =	wrdreg s0;
	s19 =	smov.u32 s12;
	s30 =	sadd.s32 $0x9C40, s12  }
0x21: {  	v0 =	vimm.f32 $0.0e+00;
	s0 =	simm.s32 $0x5;
	s6 =	simm.s32 $0x2700;
	s12 =	simm.s32 $0x4  }
.LBB2_1:
0x22: {  	s15 =	simm.s32 $0xC0;
	s16 =	simm.s32 $0x0  }
.LBB2_2:
0x23: {  	p1 =	sne.s32 s15, $0x5F40;
	[tilespmem:s16+$0x4E20] =	vst v0;
	s14 =	smov.u32 s15;
	s15 =	sadd.s32 $0xC0, s15  }
.Ltmp0:
0x24: {  	[tilespmem:s16+$0x4E00] =	vst v0;
	(pc) =	sbr.rel @p1 .LBB2_2-.Ltmp0, $2  }
0x25: {  	[tilespmem:s16+$0x4E10] =	vst v0;
	_ =	sdelay $0x2  }
0x26: {  	s16 =	sshra.s32 s14, $0x2  }
0x27: {  	[tilespmem:s16+$0x4E20] =	vst v0  }
0x28: {  	[tilespmem:s16+$0x4E00] =	vst v0  }
0x29: {  	[tilespmem:s16+$0x4E10] =	vst v0  }
0x2a: {  	[spmem:s5] =	stream.linear.scatter [tilespmem:s31], [sflag:$0x5], $0x1800, $0x38;
	[tilespmem:$0x16E00] =	vst v63  }
0x2b: {  	_ =	swait.ge [sflag:s0], $0x1800  }
0x2c: {  	[sflag:s0] =	ssyncset.done $0x0  }
0x2d: {  	s14 =	rddreg [dreg:$0x4];
	[sflag:s0] =	ssyncadd.s32 $0xFFFFE800  }
0x2e: {  	[tilespmem:s3], [sflag:$0x5] =	stream.linear.gather [hbm4b:s14+s4], $0x1800, $0x38;
	[tilespmem:$0x16E00] =	vst v63  }
0x2f: {  	_ =	swait.ge [sflag:s0], $0x1800  }
0x30: {  	[sflag:s0] =	ssyncset.done $0x0  }
0x31: {  	s16 =	rddreg [dreg:$0x5];
	[sflag:s0] =	ssyncadd.s32 $0xFFFFE800  }
0x32: {  	[spmem:s16] =	stream.linear.scatter [tilespmem:s3], [sflag:$0x5], $0x1800, $0x38;
	[tilespmem:$0x16E00] =	vst v63  }
0x33: {  	_ =	swait.ge [sflag:s0], $0x1800  }
0x34: {  	[sflag:s0] =	ssyncset.done $0x0  }
0x35: {  	[sflag:s0] =	ssyncadd.s32 $0xFFFFE800  }
0x36: {  	[spmem:s8] =	stream.linear.scatter [tilespmem:s31], [sflag:$0x5], $0x1800, $0x38;
	[tilespmem:$0x16E00] =	vst v63  }
0x37: {  	_ =	swait.ge [sflag:s0], $0x1800  }
0x38: {  	[sflag:s0] =	ssyncset.done $0x0  }
0x39: {  	s17 =	rddreg [dreg:$0x6];
	[sflag:s0] =	ssyncadd.s32 $0xFFFFE800  }
0x3a: {  	[tilespmem:s3], [sflag:$0x5] =	stream.linear.gather [hbm4b:s17+s4], $0x1800, $0x38;
	[tilespmem:$0x16E00] =	vst v63  }
0x3b: {  	_ =	swait.ge [sflag:s0], $0x1800  }
0x3c: {  	[sflag:s0] =	ssyncset.done $0x0  }
0x3d: {  	s18 =	rddreg [dreg:$0x7];
	[sflag:s0] =	ssyncadd.s32 $0xFFFFE800  }
0x3e: {  	[spmem:s18] =	stream.linear.scatter [tilespmem:s3], [sflag:$0x5], $0x1800, $0x38;
	[tilespmem:$0x16E00] =	vst v63  }
0x3f: {  	_ =	swait.ge [sflag:s0], $0x1800  }
0x40: {  	[sflag:s0] =	ssyncset.done $0x0  }
0x41: {  	[sflag:s0] =	ssyncadd.s32 $0xFFFFE800  }
0x42: {  	[spmem:s20] =	stream.linear.scatter [tilespmem:s31], [sflag:$0x5], $0x1800, $0x38;
	[tilespmem:$0x16E00] =	vst v63  }
0x43: {  	_ =	swait.ge [sflag:s0], $0x1800  }
0x44: {  	[sflag:s0] =	ssyncset.done $0x0  }
0x45: {  	s15 =	rddreg [dreg:$0x8];
	[sflag:s0] =	ssyncadd.s32 $0xFFFFE800  }
0x46: {  	[tilespmem:s3], [sflag:$0x5] =	stream.linear.gather [hbm4b:s15+s4], $0x1800, $0x38;
	[tilespmem:$0x16E00] =	vst v63  }
0x47: {  	_ =	swait.ge [sflag:s0], $0x1800  }
0x48: {  	[sflag:s0] =	ssyncset.done $0x0  }
0x49: {  	[sflag:s0] =	ssyncadd.s32 $0xFFFFE800  }
0x4a: {  	[spmem:s21] =	stream.linear.scatter [tilespmem:s3], [sflag:$0x5], $0x1800, $0x38;
	[tilespmem:$0x16E00] =	vst v63  }
0x4b: {  	_ =	swait.ge [sflag:s0], $0x1800  }
0x4c: {  	[sflag:s0] =	ssyncset.done $0x0  }
0x4d: {  	[sflag:s0] =	ssyncadd.s32 $0xFFFFE800  }
0x4e: {  	[spmem:s22] =	stream.linear.scatter [tilespmem:s31], [sflag:$0x5], $0x1800, $0x38;
	[tilespmem:$0x16E00] =	vst v63  }
0x4f: {  	_ =	swait.ge [sflag:s0], $0x1800  }
0x50: {  	[sflag:s0] =	ssyncset.done $0x0  }
0x51: {  	s16 =	rddreg [dreg:$0x9];
	[sflag:s0] =	ssyncadd.s32 $0xFFFFE800  }
0x52: {  	[tilespmem:s3], [sflag:$0x5] =	stream.linear.gather [hbm4b:s16+s4], $0x1800, $0x38;
	[tilespmem:$0x16E00] =	vst v63  }
0x53: {  	_ =	swait.ge [sflag:s0], $0x1800  }
0x54: {  	[sflag:s0] =	ssyncset.done $0x0  }
0x55: {  	[sflag:s0] =	ssyncadd.s32 $0xFFFFE800  }
0x56: {  	[spmem:s23] =	stream.linear.scatter [tilespmem:s3], [sflag:$0x5], $0x1800, $0x38;
	[tilespmem:$0x16E00] =	vst v63  }
0x57: {  	_ =	swait.ge [sflag:s0], $0x1800  }
0x58: {  	[sflag:s0] =	ssyncset.done $0x0  }
0x59: {  	[sflag:s0] =	ssyncadd.s32 $0xFFFFE800  }
0x5a: {  	[spmem:s24] =	stream.linear.scatter [tilespmem:s31], [sflag:$0x5], $0x1800, $0x38;
	[tilespmem:$0x16E00] =	vst v63  }
0x5b: {  	_ =	swait.ge [sflag:s0], $0x1800  }
0x5c: {  	[sflag:s0] =	ssyncset.done $0x0  }
0x5d: {  	s17 =	rddreg [dreg:$0xa];
	[sflag:s0] =	ssyncadd.s32 $0xFFFFE800  }
0x5e: {  	[tilespmem:s3], [sflag:$0x5] =	stream.linear.gather [hbm4b:s17+s4], $0x1800, $0x38;
	[tilespmem:$0x16E00] =	vst v63  }
0x5f: {  	_ =	swait.ge [sflag:s0], $0x1800  }
0x60: {  	[sflag:s0] =	ssyncset.done $0x0  }
0x61: {  	[sflag:s0] =	ssyncadd.s32 $0xFFFFE800  }
0x62: {  	[spmem:s25] =	stream.linear.scatter [tilespmem:s3], [sflag:$0x5], $0x1800, $0x38;
	[tilespmem:$0x16E00] =	vst v63  }
0x63: {  	_ =	swait.ge [sflag:s0], $0x1800  }
0x64: {  	[sflag:s0] =	ssyncset.done $0x0  }
0x65: {  	[sflag:s0] =	ssyncadd.s32 $0xFFFFE800  }
0x66: {  	[bflag:$0x0] =	sbarrier.arrive $0xFFFF  }
0x67: {  	[tilespmem:s4], [sflag:$0x5] =	stream.linear.gather [hbm4b:s19+s4], $0x2700, $0x38;
	[tilespmem:$0x16E00] =	vst v63  }
0x68: {  	_ =	swait.ge [sflag:s0], $0x2700  }
0x69: {  	[sflag:s0] =	ssyncset.done $0x0  }
0x6a: {  	[sflag:s0] =	ssyncadd.s32 $0xFFFFD900  }
0x6b: {  	[tilespmem:s6], [sflag:$0x5] =	stream.linear.gather [hbm4b:s30+s4], $0x2700, $0x38;
	[tilespmem:$0x16E00] =	vst v63  }
0x6c: {  	_ =	swait.ge [sflag:s0], $0x2700  }
0x6d: {  	[sflag:s0] =	ssyncset.done $0x0  }
0x6e: {  	[sflag:s0] =	ssyncadd.s32 $0xFFFFD900  }
0x6f: {  	[tilespmem:s31], [sflag:$0x1] =	stream.indirect.gather [spmem:s2], $0x30, s4, s7, $0xb8;
	[tilespmem:$0x16E00] =	vst v63  }
0x70: {  	_ = 	snop  }
0x71: {  	[tilespmem:s3], [sflag:$0x2] =	stream.indirect.gather [spmem:s2], $0x30, s7, s7, $0xb8;
	[tilespmem:$0x16E00] =	vst v63  }
0x72: {  	_ =	swait.ge [sflag:s9], $0x1800  }
0x73: {  	[sflag:s9] =	ssyncset.done $0x0  }
0x74: {  	[sflag:s9] =	ssyncadd.s32 $0xFFFFE800  }
0x75: {  	[spmem:s1] =	stream.indirect.scatter.add.f32 [tilespmem:s31], [sflag:$0x3], $0x30, s6, s7, $0xb8;
	[tilespmem:$0x16E00] =	vst v63  }
0x76: {  	_ =	swait.ge [sflag:s10], $0x1800  }
0x77: {  	[sflag:s10] =	ssyncset.done $0x0  }
0x78: {  	s18 =	simm.s32 $0x100;
	[sflag:s10] =	ssyncadd.s32 $0xFFFFE800  }
0x79: {  	[tilespmem:s31], [sflag:$0x1] =	stream.indirect.gather [spmem:s2], $0x30, s18, s7, $0xb8;
	[tilespmem:$0x16E00] =	vst v63  }
0x7a: {  	_ =	swait.ge [sflag:s11], $0x1800  }
0x7b: {  	[sflag:s11] =	ssyncset.done $0x0  }
0x7c: {  	s15 =	simm.s32 $0x2780;
	[sflag:s11] =	ssyncadd.s32 $0xFFFFE800  }
0x7d: {  	[spmem:s1] =	stream.indirect.scatter.add.f32 [tilespmem:s3], [sflag:$0x4], $0x30, s15, s7, $0xb8;
	[tilespmem:$0x16E00] =	vst v63  }
0x7e: {  	_ =	swait.ge [sflag:s12], $0x1800  }
0x7f: {  	[sflag:s12] =	ssyncset.done $0x0  }
0x80: {  	s16 =	simm.s32 $0x180;
	[sflag:s12] =	ssyncadd.s32 $0xFFFFE800  }
0x81: {  	[tilespmem:s3], [sflag:$0x2] =	stream.indirect.gather [spmem:s2], $0x30, s16, s7, $0xb8;
	[tilespmem:$0x16E00] =	vst v63  }
0x82: {  	_ =	swait.ge [sflag:s9], $0x1800  }
0x83: {  	[sflag:s9] =	ssyncset.done $0x0  }
0x84: {  	s17 =	simm.s32 $0x2800;
	[sflag:s9] =	ssyncadd.s32 $0xFFFFE800  }
0x85: {  	[spmem:s1] =	stream.indirect.scatter.add.f32 [tilespmem:s31], [sflag:$0x3], $0x30, s17, s7, $0xb8;
	[tilespmem:$0x16E00] =	vst v63  }
0x86: {  	_ =	swait.ge [sflag:s10], $0x1800  }
0x87: {  	[sflag:s10] =	ssyncset.done $0x0  }
0x88: {  	s18 =	simm.s32 $0x200;
	[sflag:s10] =	ssyncadd.s32 $0xFFFFE800  }
0x89: {  	[tilespmem:s31], [sflag:$0x1] =	stream.indirect.gather [spmem:s2], $0x30, s18, s7, $0xb8;
	[tilespmem:$0x16E00] =	vst v63  }
0x8a: {  	_ =	swait.ge [sflag:s11], $0x1800  }
0x8b: {  	[sflag:s11] =	ssyncset.done $0x0  }
0x8c: {  	s15 =	simm.s32 $0xFFFF7000;
	s16 =	simm.s32 $0x2880;
	[sflag:s11] =	ssyncadd.s32 $0xFFFFE800  }
.LBB2_4:
0x8d: {  	[spmem:s1] =	stream.indirect.scatter.add.f32 [tilespmem:s3], [sflag:$0x4], $0x30, s16, s7, $0xb8;
	[tilespmem:$0x16E00] =	vst v63  }
0x8e: {  	s14 =	smov.u32 s15  }
0x8f: {  	p1 =	sne.s32 s15, $0xFFFFFC00;
	s15 =	sadd.s32 $0x400, s15;
	_ =	swait.ge [sflag:s12], $0x1800  }
0x90: {  	s14 =	sshra.s32 s14, $0x2;
	[sflag:s12] =	ssyncset.done $0x0  }
0x91: {  	s16 =	sadd.s32 $0x2680, s14;
	[sflag:s12] =	ssyncadd.s32 $0xFFFFE800  }
0x92: {  	[tilespmem:s3], [sflag:$0x2] =	stream.indirect.gather [spmem:s2], $0x30, s16, s7, $0xb8;
	[tilespmem:$0x16E00] =	vst v63  }
0x93: {  	_ =	swait.ge [sflag:s9], $0x1800  }
0x94: {  	[sflag:s9] =	ssyncset.done $0x0  }
0x95: {  	s16 =	sadd.s32 $0x4D00, s14;
	[sflag:s9] =	ssyncadd.s32 $0xFFFFE800  }
0x96: {  	[spmem:s1] =	stream.indirect.scatter.add.f32 [tilespmem:s31], [sflag:$0x3], $0x30, s16, s7, $0xb8;
	[tilespmem:$0x16E00] =	vst v63  }
0x97: {  	_ =	swait.ge [sflag:s10], $0x1800  }
0x98: {  	[sflag:s10] =	ssyncset.done $0x0  }
.Ltmp1:
0x99: {  	s16 =	sadd.s32 $0x2700, s14;
	[sflag:s10] =	ssyncadd.s32 $0xFFFFE800;
	(pc) =	sbr.rel @p1 .LBB2_4-.Ltmp1, $4  }
0x9a: {  	[tilespmem:s31], [sflag:$0x1] =	stream.indirect.gather [spmem:s2], $0x30, s16, s7, $0xb8;
	[tilespmem:$0x16E00] =	vst v63  }
0x9b: {  	_ =	swait.ge [sflag:s11], $0x1800  }
0x9c: {  	[sflag:s11] =	ssyncset.done $0x0  }
0x9d: {  	s16 =	sadd.s32 $0x4D80, s14;
	[sflag:s11] =	ssyncadd.s32 $0xFFFFE800  }
0x9e: {  	[spmem:s1] =	stream.indirect.scatter.add.f32 [tilespmem:s3], [sflag:$0x4], $0x30, s16, s7, $0xb8;
	[tilespmem:$0x16E00] =	vst v63  }
0x9f: {  	_ =	swait.ge [sflag:s12], $0x1800  }
0xa0: {  	[sflag:s12] =	ssyncset.done $0x0  }
0xa1: {  	s14 =	simm.s32 $0x2680;
	[sflag:s12] =	ssyncadd.s32 $0xFFFFE800  }
0xa2: {  	[tilespmem:s3], [sflag:$0x2] =	stream.indirect.gather [spmem:s2], $0x30, s14, s7, $0xb8;
	[tilespmem:$0x16E00] =	vst v63  }
0xa3: {  	_ =	swait.ge [sflag:s9], $0x1800  }
0xa4: {  	[sflag:s9] =	ssyncset.done $0x0  }
0xa5: {  	s16 =	simm.s32 $0x4D00;
	[sflag:s9] =	ssyncadd.s32 $0xFFFFE800  }
0xa6: {  	[spmem:s1] =	stream.indirect.scatter.add.f32 [tilespmem:s31], [sflag:$0x3], $0x30, s16, s7, $0xb8;
	[tilespmem:$0x16E00] =	vst v63  }
0xa7: {  	_ =	swait.ge [sflag:s11], $0x1800  }
0xa8: {  	[sflag:s11] =	ssyncset.done $0x0  }
0xa9: {  	s17 =	simm.s32 $0x4D80;
	[sflag:s11] =	ssyncadd.s32 $0xFFFFE800  }
0xaa: {  	[spmem:s1] =	stream.indirect.scatter.add.f32 [tilespmem:s3], [sflag:$0x4], $0x30, s17, s7, $0xb8;
	[tilespmem:$0x16E00] =	vst v63  }
0xab: {  	_ =	swait.ge [sflag:s10], $0x1800  }
0xac: {  	[sflag:s10] =	ssyncset.done $0x0  }
0xad: {  	[sflag:s10] =	ssyncadd.s32 $0xFFFFE800  }
0xae: {  	_ =	swait.ge [sflag:s12], $0x1800  }
0xaf: {  	[sflag:s12] =	ssyncset.done $0x0  }
0xb0: {  	s15 =	simm.s32 @p0 $0x5;
	s14 =	simm.s32 @p0 $0x0;
	[sflag:s12] =	ssyncadd.s32 $0xFFFFE800  }
0xb1: {  	[tilespmem:s14], [sflag:$0x5] =	stream.linear.gather @p0 [hbm4b:s26+s14], $0x80, $0x38;
	[tilespmem:$0x16E00] =	vst v63  }
0xb2: {  	_ =	swait.ge @p0 [sflag:s15], $0x80  }
0xb3: {  	[sflag:s15] =	ssyncset.done @p0 $0x0  }
0xb4: {  	s16 =	simm.s32 @p0 $0x2700;
	[sflag:s15] =	ssyncadd.s32 @p0 $0xFFFFFF80  }
0xb5: {  	[tilespmem:s16], [sflag:$0x5] =	stream.linear.gather @p0 [hbm4b:s28+s14], $0x80, $0x38;
	[tilespmem:$0x16E00] =	vst v63  }
0xb6: {  	_ =	swait.ge @p0 [sflag:s15], $0x80  }
0xb7: {  	[sflag:s15] =	ssyncset.done @p0 $0x0  }
0xb8: {  	s18 =	simm.s32 @p0 $0x4E00;
	s17 =	simm.s32 @p0 $0x80;
	[sflag:s15] =	ssyncadd.s32 @p0 $0xFFFFFF80  }
0xb9: {  	[tilespmem:s18], [sflag:$0x5] =	stream.indirect.gather @p0 [spmem:s2], $0x30, s14, s17, $0xb8;
	[tilespmem:$0x16E00] =	vst v63  }
0xba: {  	_ =	swait.ge @p0 [sflag:s15], $0x1800  }
0xbb: {  	[sflag:s15] =	ssyncset.done @p0 $0x0  }
0xbc: {  	[sflag:s15] =	ssyncadd.s32 @p0 $0xFFFFE800  }
0xbd: {  	[spmem:s1] =	stream.indirect.scatter.add.f32 @p0 [tilespmem:s18], [sflag:$0x5], $0x30, s16, s17, $0xb8;
	[tilespmem:$0x16E00] =	vst v63  }
0xbe: {  	_ =	swait.ge @p0 [sflag:s15], $0x1800  }
0xbf: {  	[sflag:s15] =	ssyncset.done @p0 $0x0  }
0xc0: {  	[sflag:s15] =	ssyncadd.s32 @p0 $0xFFFFE800  }
0xc1: {  	[bflag:$0x0] =	sbarrier.arrive $0xFFFF  }
0xc2: {  	[tilespmem:s31], [sflag:$0x5] =	stream.linear.gather [spmem:s5], $0x1800, $0x38;
	[tilespmem:$0x16E00] =	vst v63  }
0xc3: {  	_ =	swait.ge [sflag:s0], $0x1800  }
0xc4: {  	[sflag:s0] =	ssyncset.done $0x0  }
0xc5: {  	s18 =	rddreg [dreg:$0xb];
	[sflag:s0] =	ssyncadd.s32 $0xFFFFE800  }
0xc6: {  	[hbm4b:s18+s4] =	stream.linear.scatter [tilespmem:s31], [sflag:$0x5], $0x1800, $0x38;
	[tilespmem:$0x16E00] =	vst v63  }
0xc7: {  	_ =	swait.ge [sflag:s0], $0x1800  }
0xc8: {  	[sflag:s0] =	ssyncset.done $0x0  }
0xc9: {  	[sflag:s0] =	ssyncadd.s32 $0xFFFFE800  }
0xca: {  	[tilespmem:s31], [sflag:$0x5] =	stream.linear.gather [spmem:s8], $0x1800, $0x38;
	[tilespmem:$0x16E00] =	vst v63  }
0xcb: {  	_ =	swait.ge [sflag:s0], $0x1800  }
0xcc: {  	[sflag:s0] =	ssyncset.done $0x0  }
0xcd: {  	s15 =	rddreg [dreg:$0xc];
	[sflag:s0] =	ssyncadd.s32 $0xFFFFE800  }
0xce: {  	[hbm4b:s15+s4] =	stream.linear.scatter [tilespmem:s31], [sflag:$0x5], $0x1800, $0x38;
	[tilespmem:$0x16E00] =	vst v63  }
0xcf: {  	_ =	swait.ge [sflag:s0], $0x1800  }
0xd0: {  	[sflag:s0] =	ssyncset.done $0x0  }
0xd1: {  	[sflag:s0] =	ssyncadd.s32 $0xFFFFE800  }
0xd2: {  	[tilespmem:s31], [sflag:$0x5] =	stream.linear.gather [spmem:s20], $0x1800, $0x38;
	[tilespmem:$0x16E00] =	vst v63  }
0xd3: {  	_ =	swait.ge [sflag:s0], $0x1800  }
0xd4: {  	[sflag:s0] =	ssyncset.done $0x0  }
0xd5: {  	s16 =	rddreg [dreg:$0xd];
	[sflag:s0] =	ssyncadd.s32 $0xFFFFE800  }
0xd6: {  	[hbm4b:s16+s4] =	stream.linear.scatter [tilespmem:s31], [sflag:$0x5], $0x1800, $0x38;
	[tilespmem:$0x16E00] =	vst v63  }
0xd7: {  	_ =	swait.ge [sflag:s0], $0x1800  }
0xd8: {  	[sflag:s0] =	ssyncset.done $0x0  }
0xd9: {  	[sflag:s0] =	ssyncadd.s32 $0xFFFFE800  }
0xda: {  	[tilespmem:s31], [sflag:$0x5] =	stream.linear.gather [spmem:s22], $0x1800, $0x38;
	[tilespmem:$0x16E00] =	vst v63  }
0xdb: {  	_ =	swait.ge [sflag:s0], $0x1800  }
0xdc: {  	[sflag:s0] =	ssyncset.done $0x0  }
0xdd: {  	s17 =	rddreg [dreg:$0xe];
	[sflag:s0] =	ssyncadd.s32 $0xFFFFE800  }
0xde: {  	[hbm4b:s17+s4] =	stream.linear.scatter [tilespmem:s31], [sflag:$0x5], $0x1800, $0x38;
	[tilespmem:$0x16E00] =	vst v63  }
0xdf: {  	_ =	swait.ge [sflag:s0], $0x1800  }
0xe0: {  	[sflag:s0] =	ssyncset.done $0x0  }
0xe1: {  	[sflag:s0] =	ssyncadd.s32 $0xFFFFE800  }
0xe2: {  	[tilespmem:s31], [sflag:$0x5] =	stream.linear.gather [spmem:s24], $0x1800, $0x38;
	[tilespmem:$0x16E00] =	vst v63  }
0xe3: {  	s13 =	sadd.s32 $0x1, s13;
	_ =	swait.ge [sflag:s0], $0x1800  }
0xe4: {  	p1 =	sne.s32 s13, s29;
	[sflag:s0] =	ssyncset.done $0x0  }
.Ltmp2:
0xe5: {  	s18 =	rddreg [dreg:$0xf];
	[sflag:s0] =	ssyncadd.s32 $0xFFFFE800;
	(pc) =	sbr.rel @p1 .LBB2_1-.Ltmp2, $4  }
0xe6: {  	[hbm4b:s18+s4] =	stream.linear.scatter [tilespmem:s31], [sflag:$0x5], $0x1800, $0x38;
	[tilespmem:$0x16E00] =	vst v63  }
0xe7: {  	_ =	swait.ge [sflag:s0], $0x1800  }
0xe8: {  	[sflag:s0] =	ssyncset.done $0x0  }
0xe9: {  	[sflag:s0] =	ssyncadd.s32 $0xFFFFE800  }
0xea: {  	_ =	sfence.sel $0x180000  }
0xeb: {  	[bflag:$0x0] =	sbarrier.arrive $0xFFFF  }
0xec: {  	_ =	strace $0x9000004A  }
0xed: {  	s0 =	stileid.u32;
	[bflag:$0x2] =	sbarrier.arrive $0xFFFF  }
0xee: {  	p0 =	sne.s32 s0, $0x0;
	s0 =	rddreg [dreg:$0x3]  }
0xef: {  	s0 =	sadd.s32 @!p0 $0x100000, s0  }
0xf0: {  	[sflag:s0] =	ssyncadd.tile.s32 @!p0 $0x1;
	_ =	shalt  }
.Lfunc_end2:
_tile_overlayer_lowered:
.L_overlay_start_2:
0xf1: {  	(tag) =	ssettag $0x2  }
0xf2: {  	s0 =	rddreg [dreg:$0x0];
	s2 =	stileid.u32  }
0xf3: {  	s1 =	rddreg [dreg:$0x1];
	p0 =	sne.s32 s2, $0x0  }
0xf4: {  	s3 =	rddreg [dreg:$0x2];
	[bflag:$0x3] =	sbarrier.arrive $0xFFFF;
	s2 =	simm.s32 @!p0 $0x1C05  }
0xf5: {  	[timem:s3], [sflag:s2] =	dma.local @!p0 [hbm:s0], s1  }
0xf6: {  	s0 =	simm.s32 @!p0 $0x5  }
0xf7: {  	_ =	swait.ge @!p0 [sflag:s0], s1  }
0xf8: {  	s1 =	ssub.s32 @!p0 $0x0, s1;
	[sflag:s0] =	ssyncset.done @!p0 $0x0  }
0xf9: {  	[sflag:s0] =	ssyncadd.s32 @!p0 s1  }
0xfa: {  	[bflag:$0x3] =	sbarrier.arrive $0xFFFF  }
0xfb: {  	_ =	shalt  }

// kernel: kernel.14.cloned.1.call-start
scs
__scs_entry_jumppad:
0x0: {  	(pc) =	sbr.rel $0x88, $3  }
0x1: {  	(tag) =	ssettag $0x0;
	lr =	simm.s32 $0x1  }
0x2: {  	[smem:$0x3F9D] =	sst lr;
	_ =	strace $0xD0000000  }
0x3: {  	_ = 	snop  }
0x4: {  	_ = 	snop  }
0x5: {  	_ = 	snop  }
0x6: {  	_ = 	snop  }
0x7: {  	_ = 	snop  }
__scs_overlays_trampoline_lowered:
0x8: {  	[smem:$0x3FAC] =	sst s0  }
0x9: {  	[smem:$0x3FAD] =	sst s1  }
0xa: {  	[smem:$0x3FAE] =	sst s2  }
0xb: {  	[smem:$0x3FAF] =	sst s3  }
0xc: {  	[smem:$0x3FB0] =	sst s4  }
0xd: {  	[smem:$0x3FB1] =	sst s5  }
0xe: {  	[smem:$0x3FB2] =	sst s6  }
0xf: {  	[smem:$0x3FB3] =	sst s7  }
0x10: {  	[smem:$0x3FB4] =	sst s8  }
0x11: {  	[smem:$0x3FB5] =	sst s9;
	s0 =	simm.s32 @!p0 $0x0  }
0x12: {  	s1 =	sld [smem:$0x3F9B];
	s0 =	simm.s32 @p0 $0x1  }
0x13: {  	[smem:$0x3FB6] =	sst s0;
	s0 =	simm.s32 @!p1 $0x0  }
0x14: {  	s2 =	sld [smem:$0x3F9A];
	s0 =	simm.s32 @p1 $0x1  }
0x15: {  	[smem:$0x3FB7] =	sst s0;
	s0 =	simm.s32 @!p2 $0x0  }
0x16: {  	s3 =	sld [smem:$0x3FDB];
	s0 =	simm.s32 @p2 $0x1  }
0x17: {  	s4 =	simm.s32 $0x1BF5;
	[smem:$0x3FB9] =	sst s0  }
0x18: {  	s0 =	sld [smem:$0x3F9C];
	_ =	swait.ge [sflag:s4], $0x0  }
0x19: {  	s7 =	sld [smem:$0x3F9D]  }
0x1a: {  	s8 =	sadd.s32 $0xFFFFE003, lr  }
0x1b: {  	s9 =	sadd.s32 $0xFFFFFEF7, lr;
	s5 =	simm.s32 $0xFFFFFFFF;
	p2 =	slt.u32 s8, $0xFFFFF086  }
0x1c: {  	p1 =	slt.u32 s9, $0xF7A;
	s5 =	simm.s32 @!p2 $0x0  }
0x1d: {  	s5 =	simm.s32 @p1 $0x1;
	p0 =	seq.s32 s7, s2  }
0x1e: {  	s7 =	smul.u32 @!p0 $0xF7A, s2;
	p2 =	seq.s32 @!p0 s5, $0x0  }
0x1f: {  	s9 =	smul.u32 $0xF7A, s1;
	s8 =	simm.s32 @!p0 $0x1BF5;
	p2 =	por !p2, p0  }
0x20: {  	[sflag:s8] =	ssyncset.s32 @!p0 $0xFFFFF086;
	s6 =	sadd.s32 @!p0 s3, s7;
	s7 =	simm.s32 @!p0 $0x108  }
0x21: {  	s3 =	sadd.s32 s3, s9;
	s6 =	sadd.s32 @!p0 $0x88, s6;
	s7 =	simm.s32 @p2 $0x1082  }
0x22: {  	[simem:s7], [sflag:s8] =	dma.local @!p0 [hbm:s6], $0xF7A  }
0x23: {  	s9 =	sor.u32 $0xD0000000, s2;
	s6 =	simm.s32 $0x108;
	_ =	swait.ge @!p0 [sflag:s8], $0x0  }
0x24: {  	s3 =	sadd.s32 $0x88, s3;
	s6 =	simm.s32 @!p1 $0x1082;
	[sflag:s4] =	ssyncset.s32 $0xFFFFF086  }
0x25: {  	[simem:s6], [sflag:s4] =	dma.local [hbm:s3], $0xF7A  }
0x26: {  	[smem:$0x3F9D] =	sst s1;
	(tag) =	ssettag s2;
	_ =	strace s9  }
0x27: {  	s1 =	sld [smem:$0x3FAD]  }
0x28: {  	s2 =	sld [smem:$0x3FAE]  }
0x29: {  	s4 =	sld [smem:$0x3FB0]  }
0x2a: {  	p0 =	seq.s32 s5, $0x0;
	s5 =	sld [smem:$0x3FB1]  }
0x2b: {  	s6 =	sld [smem:$0x3FB2]  }
0x2c: {  	s7 =	sld [smem:$0x3FB3]  }
0x2d: {  	s3 =	simm.s32 $0x108;
	s8 =	sld [smem:$0x3FB4]  }
0x2e: {  	s3 =	simm.s32 @!p0 $0x1082;
	s9 =	sld [smem:$0x3FB5]  }
0x2f: {  	lr =	sadd.s32 s0, s3;
	s0 =	sld [smem:$0x3FAC]  }
0x30: {  	s3 =	sld [smem:$0x3FAF]  }
0x31: {  	[smem:$0x3FB8] =	sst s10  }
0x32: {  	s10 =	sld [smem:$0x3FB6];
	_ =	sdelay $0x3  }
0x33: {  	p0 =	seq.s32 s10, $0x1;
	s10 =	sld [smem:$0x3FB8];
	_ =	sdelay $0x3  }
0x34: {  	[smem:$0x3FB8] =	sst s10  }
0x35: {  	s10 =	sld [smem:$0x3FB7];
	_ =	sdelay $0x3  }
0x36: {  	p1 =	seq.s32 s10, $0x1;
	s10 =	sld [smem:$0x3FB8];
	_ =	sdelay $0x3  }
0x37: {  	[smem:$0x3FB8] =	sst s10  }
0x38: {  	s10 =	sld [smem:$0x3FB9]  }
0x39: {  	_ = 	snop;
	(pc) =	sbr.ind lr, $3  }
0x3a: {  	_ = 	snop  }
0x3b: {  	_ = 	snop  }
0x3c: {  	p2 =	seq.s32 s10, $0x1;
	s10 =	sld [smem:$0x3FB8]  }
0x3d: {  	_ =	shalt  }
0x3e: {  	_ =	shalt  }
0x3f: {  	_ =	shalt  }
0x40: {  	_ =	shalt  }
0x41: {  	_ =	shalt  }
0x42: {  	_ =	shalt  }
0x43: {  	_ =	shalt  }
0x44: {  	_ =	shalt  }
0x45: {  	_ =	shalt  }
0x46: {  	_ =	shalt  }
0x47: {  	_ =	shalt  }
0x48: {  	_ =	shalt  }
0x49: {  	_ =	shalt  }
0x4a: {  	_ =	shalt  }
0x4b: {  	_ =	shalt  }
0x4c: {  	_ =	shalt  }
0x4d: {  	_ =	shalt  }
0x4e: {  	_ =	shalt  }
0x4f: {  	_ =	shalt  }
0x50: {  	_ =	shalt  }
0x51: {  	_ =	shalt  }
0x52: {  	_ =	shalt  }
0x53: {  	_ =	shalt  }
0x54: {  	_ =	shalt  }
0x55: {  	_ =	shalt  }
0x56: {  	_ =	shalt  }
0x57: {  	_ =	shalt  }
0x58: {  	_ =	shalt  }
0x59: {  	_ =	shalt  }
0x5a: {  	_ =	shalt  }
0x5b: {  	_ =	shalt  }
0x5c: {  	_ =	shalt  }
0x5d: {  	_ =	shalt  }
0x5e: {  	_ =	shalt  }
0x5f: {  	_ =	shalt  }
0x60: {  	_ =	shalt  }
0x61: {  	_ =	shalt  }
0x62: {  	_ =	shalt  }
0x63: {  	_ =	shalt  }
0x64: {  	_ =	shalt  }
0x65: {  	_ =	shalt  }
0x66: {  	_ =	shalt  }
0x67: {  	_ =	shalt  }
0x68: {  	_ =	shalt  }
0x69: {  	_ =	shalt  }
0x6a: {  	_ =	shalt  }
0x6b: {  	_ =	shalt  }
0x6c: {  	_ =	shalt  }
0x6d: {  	_ =	shalt  }
0x6e: {  	_ =	shalt  }
0x6f: {  	_ =	shalt  }
0x70: {  	_ =	shalt  }
0x71: {  	_ =	shalt  }
0x72: {  	_ =	shalt  }
0x73: {  	_ =	shalt  }
0x74: {  	_ =	shalt  }
0x75: {  	_ =	shalt  }
0x76: {  	_ =	shalt  }
0x77: {  	_ =	shalt  }
0x78: {  	_ =	shalt  }
0x79: {  	_ =	shalt  }
0x7a: {  	_ =	shalt  }
0x7b: {  	_ =	shalt  }
0x7c: {  	_ =	shalt  }
0x7d: {  	_ =	shalt  }
0x7e: {  	_ =	shalt  }
0x7f: {  	_ =	shalt  }
0x80: {  	_ =	shalt  }
0x81: {  	_ =	shalt  }
0x82: {  	_ =	shalt  }
0x83: {  	_ =	shalt  }
0x84: {  	_ =	shalt  }
0x85: {  	_ =	shalt  }
0x86: {  	_ =	shalt  }
0x87: {  	_ =	shalt  }
.Lfunc_end0:
.L_simem_size_0:
called_computation.2_lowered:
.L_overlay_start_0:
0x88: {  	s2 =	sld [smem:$0x3FD9]  }
0x89: {  	s3 =	sld [smem:$0x3FFE];
	_ =	sdelay $0x1  }
0x8a: {  	s1 =	srdreg.scid  }
0x8b: {  	s0 =	sand.u32 $0x1, s1  }
0x8c: {  	s16 =	sshll.u32 s0, $0xA;
	s2 =	sadd.s32 s3, s2  }
0x8d: {  	s2 =	sadd.s32 s2, s16  }
0x8e: {  	[smem:$0x3FC4] =	sst s2  }
0x8f: {  	_ = 	snop  }
0x90: {  	(tm) =	ssettm $0x1  }
0x91: {  	s17 =	sld [smem:$0x3FFB];
	_ =	sdelay $0x3  }
0x92: {  	_ =	strace s17  }
0x93: {  	s2 =	sld [smem:$0x3FFC];
	_ =	sdelay $0x3  }
0x94: {  	_ =	strace s2  }
0x95: {  	s2 =	sld [smem:$0x3FFD];
	_ =	sdelay $0x3  }
0x96: {  	_ =	strace s2  }
0x97: {  	_ =	strace $0x8FFFFFFF  }
0x98: {  	s18 =	sld [smem:$0x3FDB];
	_ =	sdelay $0x1  }
0x99: {  	s19 =	simm.s32 $_scs_section_size  }
0x9a: {  	s4 =	simm.s32 $_size__tile_overlayer_lowered;
	s5 =	simm.s32 $_tile_overlayer_lowered  }
0x9b: {  	s22 =	simm.s32 $0x1BFF;
	s21 =	sshll.u32 s5, $0x1;
	s2 =	sadd.s32 s19, s18  }
0x9c: {  	s6 =	simm.s32 $0x0;
	s20 =	sshll.u32 s4, $0x1;
	s4 =	sadd.s32 s21, s2  }
0x9d: {  	[timem:s6], [sflag:s22] =	dma.local [hbm:s4], s20  }
0x9e: {  	_ =	swait.ge [sflag:s22], s20  }
0x9f: {  	s3 =	ssub.s32 $0x0, s20;
	[sflag:s22] =	ssyncset.done $0x0  }
0xa0: {  	[sflag:s22] =	ssyncadd.s32 s3;
	_ =	sdelay $0x1  }
0xa1: {  	s23 =	simm.s32 $0x1B8B  }
0xa2: {  	_ =	swait.ge [sflag:s23], $0x1  }
0xa3: {  	[sflag:s23] =	ssyncset.done $0x0  }
0xa4: {  	s25 =	simm.s32 $0x1B8E;
	s24 =	sld [smem:$0x3FFE];
	[sflag:s23] =	ssyncadd.s32 $0xFFFFFFFF  }
0xa5: {  	s26 =	simm.s32 $execute0_lowered;
	[smem:$0x3FD2] =	sst s25  }
0xa6: {  	s4 =	sshll.u32 s26, $0x1;
	_ =	strace $0x8000004C;
	[dreg:$0x1] =	wrdreg $0xFFFFFFFF  }
0xa7: {  	s28 =	simm.s32 $_size_execute0_lowered;
	s2 =	sadd.s32 s2, s4;
	[dreg:$0x0] =	wrdreg $0x0  }
0xa8: {  	s4 =	sshll.u32 s28, $0x1;
	[dreg:$0x2] =	wrdreg s2  }
0xa9: {  	[dreg:$0x3] =	wrdreg s4  }
0xaa: {  	[dreg:$0x4] =	wrdreg $0xC0  }
0xab: {  	_ =	task [dreg:s6], $0x5FFFF  }
0xac: {  	[dreg:$0x1] =	wrdreg $0xFFFFFFFF  }
0xad: {  	[dreg:$0x0] =	wrdreg $0x60  }
0xae: {  	[dreg:$0x2] =	wrdreg s24  }
0xaf: {  	[dreg:$0x3] =	wrdreg $0x7E000  }
0xb0: {  	[dreg:$0x4] =	wrdreg $0xF6000  }
0xb1: {  	[dreg:$0x5] =	wrdreg $0x9  }
0xb2: {  	_ =	task.clear_ibuf [dreg:s6], $0x6FFFF;
	_ =	strace $0x9000004C  }
0xb3: {  	s29 =	simm.s32 $0x9;
	_ =	strace $0x8000004E  }
0xb4: {  	_ =	swait.ge [sflag:s29], $0x1  }
0xb5: {  	[sflag:s29] =	ssyncadd.s32 $0xFFFFFFFF  }
0xb6: {  	_ =	strace $0x9000004E  }
0xb7: {  	_ =	sfence  }
0xb8: {  	s30 =	sld [smem:$0x0];
	_ =	sdelay $0x2  }
0xb9: {  	s31 =	sshll.u32 s1, $0xD;
	s1 =	sshrl.u32 s1, $0x2  }
0xba: {  	s3 =	sand.u32 $0x4000, s31;
	s1 =	sadd.s32 s1, s30  }
0xbb: {  	s0 =	sor.u32 s3, s0;
	s1 =	sshll.u32 s1, $0x11  }
0xbc: {  	s0 =	sor.u32 s1, s0  }
0xbd: {  	s0 =	sadd.s32 $0x8F2B, s0  }
0xbe: {  	[sflag:s0] =	ssyncadd.remote.s32 $0x1  }
0xbf: {  	_ =	sfence.sel $0xFFFF  }
0xc0: {  	[dreg:$0x0] =	wrdreg $0xFFFFFFFF;
	(pc) =	sbr.abs _section_cstart, $3  }
0xc1: {  	[dreg:$0x1] =	wrdreg $0xFFFFFFFF  }
0xc2: {  	_ =	task.clear_ibuf [dreg:s6], $0x2FFFF;
	_ =	strace $0x9FFFFFFF  }
0xc3: {  	(tm) =	ssettm $0x7FFFFFFF  }
tec
execute0_lowered:
.L_overlay_start_1:
0x0: {  	(tag) =	ssettag $0x1  }
0x1: {  	s0 =	rddreg [dreg:$0x0]  }
0x2: {  	s1 =	rddreg [dreg:$0x1]  }
0x3: {  	s2 =	rddreg [dreg:$0x2];
	s4 =	simm.s32 $0x0  }
0x4: {  	s3 =	srdreg.scid;
	s18 =	stileid.u32;
	s31 =	simm.s32 $0x4E00  }
0x5: {  	[smem:$0x7FF] =	sst s4;
	s3 =	sand.u32 $0x1, s3;
	s6 =	smul.u32 $0x7800, s18  }
0x6: {  	s7 =	sadd.s32 $0x15400, s0;
	s9 =	sadd.s32 $0x1A00, s0;
	s0 =	sadd.s32 $0x24400, s0  }
0x7: {  	s19 =	sshll.u32 s18, $0x4;
	p1 =	slt.u32 s18, $0x4;
	_ =	strace $0x8000004D  }
0x8: {  	s5 =	ssub.s32 $0x2, s3;
	s24 =	sshll.u32 s3, $0x4;
	s17 =	smul.u32 $0x78000, s3  }
0x9: {  	p0 =	seq.s32 s3, $0x0;
	s3 =	sadd.s32 s19, s9;
	s8 =	sshrl.u32 s5, $0x1  }
0xa: {  	s21 =	sshrl.u32 s6, $0x3;
	s11 =	sadd.s32 $0x1800, s6;
	s22 =	sadd.s32 s6, s2  }
0xb: {  	s13 =	sadd.s32 $0x3000, s6;
	s15 =	sadd.s32 $0x4800, s6;
	p0 =	por !p0, !p1  }
0xc: {  	s28 =	sadd.s32 $0x13840, s3;
	s10 =	ssub.s32 s5, s8;
	s5 =	sadd.s32 s6, s1  }
0xd: {  	s8 =	sadd.s32 s7, s21;
	[dreg:$0x5] =	wrdreg s22;
	s12 =	sshrl.u32 s11, $0x3  }
0xe: {  	s23 =	sadd.s32 s11, s2;
	s14 =	sshrl.u32 s13, $0x3;
	s16 =	sshrl.u32 s15, $0x3  }
0xf: {  	s20 =	sadd.s32 s17, s11;
	s22 =	sadd.s32 s17, s13;
	p0 =	por !p0, !p0  }
0x10: {  	[dreg:$0x4] =	wrdreg s8;
	s8 =	sadd.s32 s11, s1;
	s12 =	sadd.s32 s7, s12  }
0x11: {  	[dreg:$0x7] =	wrdreg s23;
	s14 =	sadd.s32 s7, s14;
	s25 =	sadd.s32 s7, s16  }
0x12: {  	s16 =	sadd.s32 $0x6000, s6;
	s6 =	sadd.s32 s6, s17;
	s23 =	sadd.s32 s17, s15  }
0x13: {  	s29 =	smax.u32 s10, $0x1;
	s10 =	simm.s32 $0x3;
	[dreg:$0x6] =	wrdreg s12  }
0x14: {  	s11 =	simm.s32 $0x2;
	s12 =	sor.u32 s18, s24;
	[dreg:$0x8] =	wrdreg s14  }
0x15: {  	[dreg:$0x9] =	wrdreg s25;
	s26 =	sshrl.u32 s16, $0x3;
	s6 =	sshrl.u32 s6, $0x3  }
0x16: {  	s24 =	sadd.s32 s17, s16;
	s25 =	sshrl.u32 s23, $0x3;
	s23 =	sadd.s32 s15, s2  }
0x17: {  	s12 =	smul.u32 $0x2700, s12;
	s7 =	sadd.s32 s7, s26;
	s6 =	sadd.s32 s0, s6  }
0x18: {  	s26 =	sshrl.u32 s24, $0x3;
	s24 =	sadd.s32 s16, s1;
	[dreg:$0xa] =	wrdreg s7  }
0x19: {  	s7 =	sshrl.u32 s20, $0x3;
	[dreg:$0xb] =	wrdreg s6;
	s6 =	sshrl.u32 s22, $0x3  }
0x1a: {  	s20 =	sadd.s32 s13, s1;
	s22 =	sadd.s32 s15, s1;
	s21 =	sadd.s32 s0, s7  }
0x1b: {  	s12 =	sshrl.u32 s12, $0x3;
	s6 =	sadd.s32 s0, s6;
	[dreg:$0xc] =	wrdreg s21  }
0x1c: {  	s7 =	simm.s32 $0x80;
	s12 =	sadd.s32 s9, s12;
	[dreg:$0xd] =	wrdreg s6  }
0x1d: {  	s6 =	sadd.s32 s0, s25;
	s0 =	sadd.s32 s0, s26;
	s21 =	sadd.s32 s13, s2  }
0x1e: {  	s25 =	sadd.s32 s16, s2;
	s26 =	sadd.s32 $0x9C00, s3;
	s3 =	simm.s32 $0x6600  }
0x1f: {  	s9 =	simm.s32 $0x1;
	s13 =	simm.s32 $0x0;
	[dreg:$0xe] =	wrdreg s6  }
0x20: {  	[dreg:$0xf] =	wrdreg s0;
	s19 =	smov.u32 s12;
	s30 =	sadd.s32 $0x9C40, s12  }
0x21: {  	v0 =	vimm.f32 $0.0e+00;
	s0 =	simm.s32 $0x5;
	s6 =	simm.s32 $0x2700;
	s12 =	simm.s32 $0x4  }
.LBB2_1:
0x22: {  	s15 =	simm.s32 $0xC0;
	s16 =	simm.s32 $0x0  }
.LBB2_2:
0x23: {  	p1 =	sne.s32 s15, $0x5F40;
	[tilespmem:s16+$0x4E20] =	vst v0;
	s14 =	smov.u32 s15;
	s15 =	sadd.s32 $0xC0, s15  }
.Ltmp0:
0x24: {  	[tilespmem:s16+$0x4E00] =	vst v0;
	(pc) =	sbr.rel @p1 .LBB2_2-.Ltmp0, $2  }
0x25: {  	[tilespmem:s16+$0x4E10] =	vst v0;
	_ =	sdelay $0x2  }
0x26: {  	s16 =	sshra.s32 s14, $0x2  }
0x27: {  	[tilespmem:s16+$0x4E20] =	vst v0  }
0x28: {  	[tilespmem:s16+$0x4E00] =	vst v0  }
0x29: {  	[tilespmem:s16+$0x4E10] =	vst v0  }
0x2a: {  	[spmem:s5] =	stream.linear.scatter [tilespmem:s31], [sflag:$0x5], $0x1800, $0x38;
	[tilespmem:$0x16E00] =	vst v63  }
0x2b: {  	_ =	swait.ge [sflag:s0], $0x1800  }
0x2c: {  	[sflag:s0] =	ssyncset.done $0x0  }
0x2d: {  	s14 =	rddreg [dreg:$0x4];
	[sflag:s0] =	ssyncadd.s32 $0xFFFFE800  }
0x2e: {  	[tilespmem:s3], [sflag:$0x5] =	stream.linear.gather [hbm4b:s14+s4], $0x1800, $0x38;
	[tilespmem:$0x16E00] =	vst v63  }
0x2f: {  	_ =	swait.ge [sflag:s0], $0x1800  }
0x30: {  	[sflag:s0] =	ssyncset.done $0x0  }
0x31: {  	s16 =	rddreg [dreg:$0x5];
	[sflag:s0] =	ssyncadd.s32 $0xFFFFE800  }
0x32: {  	[spmem:s16] =	stream.linear.scatter [tilespmem:s3], [sflag:$0x5], $0x1800, $0x38;
	[tilespmem:$0x16E00] =	vst v63  }
0x33: {  	_ =	swait.ge [sflag:s0], $0x1800  }
0x34: {  	[sflag:s0] =	ssyncset.done $0x0  }
0x35: {  	[sflag:s0] =	ssyncadd.s32 $0xFFFFE800  }
0x36: {  	[spmem:s8] =	stream.linear.scatter [tilespmem:s31], [sflag:$0x5], $0x1800, $0x38;
	[tilespmem:$0x16E00] =	vst v63  }
0x37: {  	_ =	swait.ge [sflag:s0], $0x1800  }
0x38: {  	[sflag:s0] =	ssyncset.done $0x0  }
0x39: {  	s17 =	rddreg [dreg:$0x6];
	[sflag:s0] =	ssyncadd.s32 $0xFFFFE800  }
0x3a: {  	[tilespmem:s3], [sflag:$0x5] =	stream.linear.gather [hbm4b:s17+s4], $0x1800, $0x38;
	[tilespmem:$0x16E00] =	vst v63  }
0x3b: {  	_ =	swait.ge [sflag:s0], $0x1800  }
0x3c: {  	[sflag:s0] =	ssyncset.done $0x0  }
0x3d: {  	s18 =	rddreg [dreg:$0x7];
	[sflag:s0] =	ssyncadd.s32 $0xFFFFE800  }
0x3e: {  	[spmem:s18] =	stream.linear.scatter [tilespmem:s3], [sflag:$0x5], $0x1800, $0x38;
	[tilespmem:$0x16E00] =	vst v63  }
0x3f: {  	_ =	swait.ge [sflag:s0], $0x1800  }
0x40: {  	[sflag:s0] =	ssyncset.done $0x0  }
0x41: {  	[sflag:s0] =	ssyncadd.s32 $0xFFFFE800  }
0x42: {  	[spmem:s20] =	stream.linear.scatter [tilespmem:s31], [sflag:$0x5], $0x1800, $0x38;
	[tilespmem:$0x16E00] =	vst v63  }
0x43: {  	_ =	swait.ge [sflag:s0], $0x1800  }
0x44: {  	[sflag:s0] =	ssyncset.done $0x0  }
0x45: {  	s15 =	rddreg [dreg:$0x8];
	[sflag:s0] =	ssyncadd.s32 $0xFFFFE800  }
0x46: {  	[tilespmem:s3], [sflag:$0x5] =	stream.linear.gather [hbm4b:s15+s4], $0x1800, $0x38;
	[tilespmem:$0x16E00] =	vst v63  }
0x47: {  	_ =	swait.ge [sflag:s0], $0x1800  }
0x48: {  	[sflag:s0] =	ssyncset.done $0x0  }
0x49: {  	[sflag:s0] =	ssyncadd.s32 $0xFFFFE800  }
0x4a: {  	[spmem:s21] =	stream.linear.scatter [tilespmem:s3], [sflag:$0x5], $0x1800, $0x38;
	[tilespmem:$0x16E00] =	vst v63  }
0x4b: {  	_ =	swait.ge [sflag:s0], $0x1800  }
0x4c: {  	[sflag:s0] =	ssyncset.done $0x0  }
0x4d: {  	[sflag:s0] =	ssyncadd.s32 $0xFFFFE800  }
0x4e: {  	[spmem:s22] =	stream.linear.scatter [tilespmem:s31], [sflag:$0x5], $0x1800, $0x38;
	[tilespmem:$0x16E00] =	vst v63  }
0x4f: {  	_ =	swait.ge [sflag:s0], $0x1800  }
0x50: {  	[sflag:s0] =	ssyncset.done $0x0  }
0x51: {  	s16 =	rddreg [dreg:$0x9];
	[sflag:s0] =	ssyncadd.s32 $0xFFFFE800  }
0x52: {  	[tilespmem:s3], [sflag:$0x5] =	stream.linear.gather [hbm4b:s16+s4], $0x1800, $0x38;
	[tilespmem:$0x16E00] =	vst v63  }
0x53: {  	_ =	swait.ge [sflag:s0], $0x1800  }
0x54: {  	[sflag:s0] =	ssyncset.done $0x0  }
0x55: {  	[sflag:s0] =	ssyncadd.s32 $0xFFFFE800  }
0x56: {  	[spmem:s23] =	stream.linear.scatter [tilespmem:s3], [sflag:$0x5], $0x1800, $0x38;
	[tilespmem:$0x16E00] =	vst v63  }
0x57: {  	_ =	swait.ge [sflag:s0], $0x1800  }
0x58: {  	[sflag:s0] =	ssyncset.done $0x0  }
0x59: {  	[sflag:s0] =	ssyncadd.s32 $0xFFFFE800  }
0x5a: {  	[spmem:s24] =	stream.linear.scatter [tilespmem:s31], [sflag:$0x5], $0x1800, $0x38;
	[tilespmem:$0x16E00] =	vst v63  }
0x5b: {  	_ =	swait.ge [sflag:s0], $0x1800  }
0x5c: {  	[sflag:s0] =	ssyncset.done $0x0  }
0x5d: {  	s17 =	rddreg [dreg:$0xa];
	[sflag:s0] =	ssyncadd.s32 $0xFFFFE800  }
0x5e: {  	[tilespmem:s3], [sflag:$0x5] =	stream.linear.gather [hbm4b:s17+s4], $0x1800, $0x38;
	[tilespmem:$0x16E00] =	vst v63  }
0x5f: {  	_ =	swait.ge [sflag:s0], $0x1800  }
0x60: {  	[sflag:s0] =	ssyncset.done $0x0  }
0x61: {  	[sflag:s0] =	ssyncadd.s32 $0xFFFFE800  }
0x62: {  	[spmem:s25] =	stream.linear.scatter [tilespmem:s3], [sflag:$0x5], $0x1800, $0x38;
	[tilespmem:$0x16E00] =	vst v63  }
0x63: {  	_ =	swait.ge [sflag:s0], $0x1800  }
0x64: {  	[sflag:s0] =	ssyncset.done $0x0  }
0x65: {  	[sflag:s0] =	ssyncadd.s32 $0xFFFFE800  }
0x66: {  	[bflag:$0x0] =	sbarrier.arrive $0xFFFF  }
0x67: {  	[tilespmem:s4], [sflag:$0x5] =	stream.linear.gather [hbm4b:s19+s4], $0x2700, $0x38;
	[tilespmem:$0x16E00] =	vst v63  }
0x68: {  	_ =	swait.ge [sflag:s0], $0x2700  }
0x69: {  	[sflag:s0] =	ssyncset.done $0x0  }
0x6a: {  	[sflag:s0] =	ssyncadd.s32 $0xFFFFD900  }
0x6b: {  	[tilespmem:s6], [sflag:$0x5] =	stream.linear.gather [hbm4b:s30+s4], $0x2700, $0x38;
	[tilespmem:$0x16E00] =	vst v63  }
0x6c: {  	_ =	swait.ge [sflag:s0], $0x2700  }
0x6d: {  	[sflag:s0] =	ssyncset.done $0x0  }
0x6e: {  	[sflag:s0] =	ssyncadd.s32 $0xFFFFD900  }
0x6f: {  	[tilespmem:s31], [sflag:$0x1] =	stream.indirect.gather [spmem:s2], $0x30, s4, s7, $0xb8;
	[tilespmem:$0x16E00] =	vst v63  }
0x70: {  	_ = 	snop  }
0x71: {  	[tilespmem:s3], [sflag:$0x2] =	stream.indirect.gather [spmem:s2], $0x30, s7, s7, $0xb8;
	[tilespmem:$0x16E00] =	vst v63  }
0x72: {  	_ =	swait.ge [sflag:s9], $0x1800  }
0x73: {  	[sflag:s9] =	ssyncset.done $0x0  }
0x74: {  	[sflag:s9] =	ssyncadd.s32 $0xFFFFE800  }
0x75: {  	[spmem:s1] =	stream.indirect.scatter.add.f32 [tilespmem:s31], [sflag:$0x3], $0x30, s6, s7, $0xb8;
	[tilespmem:$0x16E00] =	vst v63  }
0x76: {  	_ =	swait.ge [sflag:s10], $0x1800  }
0x77: {  	[sflag:s10] =	ssyncset.done $0x0  }
0x78: {  	s18 =	simm.s32 $0x100;
	[sflag:s10] =	ssyncadd.s32 $0xFFFFE800  }
0x79: {  	[tilespmem:s31], [sflag:$0x1] =	stream.indirect.gather [spmem:s2], $0x30, s18, s7, $0xb8;
	[tilespmem:$0x16E00] =	vst v63  }
0x7a: {  	_ =	swait.ge [sflag:s11], $0x1800  }
0x7b: {  	[sflag:s11] =	ssyncset.done $0x0  }
0x7c: {  	s15 =	simm.s32 $0x2780;
	[sflag:s11] =	ssyncadd.s32 $0xFFFFE800  }
0x7d: {  	[spmem:s1] =	stream.indirect.scatter.add.f32 [tilespmem:s3], [sflag:$0x4], $0x30, s15, s7, $0xb8;
	[tilespmem:$0x16E00] =	vst v63  }
0x7e: {  	_ =	swait.ge [sflag:s12], $0x1800  }
0x7f: {  	[sflag:s12] =	ssyncset.done $0x0  }
0x80: {  	s16 =	simm.s32 $0x180;
	[sflag:s12] =	ssyncadd.s32 $0xFFFFE800  }
0x81: {  	[tilespmem:s3], [sflag:$0x2] =	stream.indirect.gather [spmem:s2], $0x30, s16, s7, $0xb8;
	[tilespmem:$0x16E00] =	vst v63  }
0x82: {  	_ =	swait.ge [sflag:s9], $0x1800  }
0x83: {  	[sflag:s9] =	ssyncset.done $0x0  }
0x84: {  	s17 =	simm.s32 $0x2800;
	[sflag:s9] =	ssyncadd.s32 $0xFFFFE800  }
0x85: {  	[spmem:s1] =	stream.indirect.scatter.add.f32 [tilespmem:s31], [sflag:$0x3], $0x30, s17, s7, $0xb8;
	[tilespmem:$0x16E00] =	vst v63  }
0x86: {  	_ =	swait.ge [sflag:s10], $0x1800  }
0x87: {  	[sflag:s10] =	ssyncset.done $0x0  }
0x88: {  	s18 =	simm.s32 $0x200;
	[sflag:s10] =	ssyncadd.s32 $0xFFFFE800  }
0x89: {  	[tilespmem:s31], [sflag:$0x1] =	stream.indirect.gather [spmem:s2], $0x30, s18, s7, $0xb8;
	[tilespmem:$0x16E00] =	vst v63  }
0x8a: {  	_ =	swait.ge [sflag:s11], $0x1800  }
0x8b: {  	[sflag:s11] =	ssyncset.done $0x0  }
0x8c: {  	s15 =	simm.s32 $0xFFFF7000;
	s16 =	simm.s32 $0x2880;
	[sflag:s11] =	ssyncadd.s32 $0xFFFFE800  }
.LBB2_4:
0x8d: {  	[spmem:s1] =	stream.indirect.scatter.add.f32 [tilespmem:s3], [sflag:$0x4], $0x30, s16, s7, $0xb8;
	[tilespmem:$0x16E00] =	vst v63  }
0x8e: {  	s14 =	smov.u32 s15  }
0x8f: {  	p1 =	sne.s32 s15, $0xFFFFFC00;
	s15 =	sadd.s32 $0x400, s15;
	_ =	swait.ge [sflag:s12], $0x1800  }
0x90: {  	s14 =	sshra.s32 s14, $0x2;
	[sflag:s12] =	ssyncset.done $0x0  }
0x91: {  	s16 =	sadd.s32 $0x2680, s14;
	[sflag:s12] =	ssyncadd.s32 $0xFFFFE800  }
0x92: {  	[tilespmem:s3], [sflag:$0x2] =	stream.indirect.gather [spmem:s2], $0x30, s16, s7, $0xb8;
	[tilespmem:$0x16E00] =	vst v63  }
0x93: {  	_ =	swait.ge [sflag:s9], $0x1800  }
0x94: {  	[sflag:s9] =	ssyncset.done $0x0  }
0x95: {  	s16 =	sadd.s32 $0x4D00, s14;
	[sflag:s9] =	ssyncadd.s32 $0xFFFFE800  }
0x96: {  	[spmem:s1] =	stream.indirect.scatter.add.f32 [tilespmem:s31], [sflag:$0x3], $0x30, s16, s7, $0xb8;
	[tilespmem:$0x16E00] =	vst v63  }
0x97: {  	_ =	swait.ge [sflag:s10], $0x1800  }
0x98: {  	[sflag:s10] =	ssyncset.done $0x0  }
.Ltmp1:
0x99: {  	s16 =	sadd.s32 $0x2700, s14;
	[sflag:s10] =	ssyncadd.s32 $0xFFFFE800;
	(pc) =	sbr.rel @p1 .LBB2_4-.Ltmp1, $4  }
0x9a: {  	[tilespmem:s31], [sflag:$0x1] =	stream.indirect.gather [spmem:s2], $0x30, s16, s7, $0xb8;
	[tilespmem:$0x16E00] =	vst v63  }
0x9b: {  	_ =	swait.ge [sflag:s11], $0x1800  }
0x9c: {  	[sflag:s11] =	ssyncset.done $0x0  }
0x9d: {  	s16 =	sadd.s32 $0x4D80, s14;
	[sflag:s11] =	ssyncadd.s32 $0xFFFFE800  }
0x9e: {  	[spmem:s1] =	stream.indirect.scatter.add.f32 [tilespmem:s3], [sflag:$0x4], $0x30, s16, s7, $0xb8;
	[tilespmem:$0x16E00] =	vst v63  }
0x9f: {  	_ =	swait.ge [sflag:s12], $0x1800  }
0xa0: {  	[sflag:s12] =	ssyncset.done $0x0  }
0xa1: {  	s14 =	simm.s32 $0x2680;
	[sflag:s12] =	ssyncadd.s32 $0xFFFFE800  }
0xa2: {  	[tilespmem:s3], [sflag:$0x2] =	stream.indirect.gather [spmem:s2], $0x30, s14, s7, $0xb8;
	[tilespmem:$0x16E00] =	vst v63  }
0xa3: {  	_ =	swait.ge [sflag:s9], $0x1800  }
0xa4: {  	[sflag:s9] =	ssyncset.done $0x0  }
0xa5: {  	s16 =	simm.s32 $0x4D00;
	[sflag:s9] =	ssyncadd.s32 $0xFFFFE800  }
0xa6: {  	[spmem:s1] =	stream.indirect.scatter.add.f32 [tilespmem:s31], [sflag:$0x3], $0x30, s16, s7, $0xb8;
	[tilespmem:$0x16E00] =	vst v63  }
0xa7: {  	_ =	swait.ge [sflag:s11], $0x1800  }
0xa8: {  	[sflag:s11] =	ssyncset.done $0x0  }
0xa9: {  	s17 =	simm.s32 $0x4D80;
	[sflag:s11] =	ssyncadd.s32 $0xFFFFE800  }
0xaa: {  	[spmem:s1] =	stream.indirect.scatter.add.f32 [tilespmem:s3], [sflag:$0x4], $0x30, s17, s7, $0xb8;
	[tilespmem:$0x16E00] =	vst v63  }
0xab: {  	_ =	swait.ge [sflag:s10], $0x1800  }
0xac: {  	[sflag:s10] =	ssyncset.done $0x0  }
0xad: {  	[sflag:s10] =	ssyncadd.s32 $0xFFFFE800  }
0xae: {  	_ =	swait.ge [sflag:s12], $0x1800  }
0xaf: {  	[sflag:s12] =	ssyncset.done $0x0  }
0xb0: {  	s15 =	simm.s32 @p0 $0x5;
	s14 =	simm.s32 @p0 $0x0;
	[sflag:s12] =	ssyncadd.s32 $0xFFFFE800  }
0xb1: {  	[tilespmem:s14], [sflag:$0x5] =	stream.linear.gather @p0 [hbm4b:s26+s14], $0x80, $0x38;
	[tilespmem:$0x16E00] =	vst v63  }
0xb2: {  	_ =	swait.ge @p0 [sflag:s15], $0x80  }
0xb3: {  	[sflag:s15] =	ssyncset.done @p0 $0x0  }
0xb4: {  	s16 =	simm.s32 @p0 $0x2700;
	[sflag:s15] =	ssyncadd.s32 @p0 $0xFFFFFF80  }
0xb5: {  	[tilespmem:s16], [sflag:$0x5] =	stream.linear.gather @p0 [hbm4b:s28+s14], $0x80, $0x38;
	[tilespmem:$0x16E00] =	vst v63  }
0xb6: {  	_ =	swait.ge @p0 [sflag:s15], $0x80  }
0xb7: {  	[sflag:s15] =	ssyncset.done @p0 $0x0  }
0xb8: {  	s18 =	simm.s32 @p0 $0x4E00;
	s17 =	simm.s32 @p0 $0x80;
	[sflag:s15] =	ssyncadd.s32 @p0 $0xFFFFFF80  }
0xb9: {  	[tilespmem:s18], [sflag:$0x5] =	stream.indirect.gather @p0 [spmem:s2], $0x30, s14, s17, $0xb8;
	[tilespmem:$0x16E00] =	vst v63  }
0xba: {  	_ =	swait.ge @p0 [sflag:s15], $0x1800  }
0xbb: {  	[sflag:s15] =	ssyncset.done @p0 $0x0  }
0xbc: {  	[sflag:s15] =	ssyncadd.s32 @p0 $0xFFFFE800  }
0xbd: {  	[spmem:s1] =	stream.indirect.scatter.add.f32 @p0 [tilespmem:s18], [sflag:$0x5], $0x30, s16, s17, $0xb8;
	[tilespmem:$0x16E00] =	vst v63  }
0xbe: {  	_ =	swait.ge @p0 [sflag:s15], $0x1800  }
0xbf: {  	[sflag:s15] =	ssyncset.done @p0 $0x0  }
0xc0: {  	[sflag:s15] =	ssyncadd.s32 @p0 $0xFFFFE800  }
0xc1: {  	[bflag:$0x0] =	sbarrier.arrive $0xFFFF  }
0xc2: {  	[tilespmem:s31], [sflag:$0x5] =	stream.linear.gather [spmem:s5], $0x1800, $0x38;
	[tilespmem:$0x16E00] =	vst v63  }
0xc3: {  	_ =	swait.ge [sflag:s0], $0x1800  }
0xc4: {  	[sflag:s0] =	ssyncset.done $0x0  }
0xc5: {  	s18 =	rddreg [dreg:$0xb];
	[sflag:s0] =	ssyncadd.s32 $0xFFFFE800  }
0xc6: {  	[hbm4b:s18+s4] =	stream.linear.scatter [tilespmem:s31], [sflag:$0x5], $0x1800, $0x38;
	[tilespmem:$0x16E00] =	vst v63  }
0xc7: {  	_ =	swait.ge [sflag:s0], $0x1800  }
0xc8: {  	[sflag:s0] =	ssyncset.done $0x0  }
0xc9: {  	[sflag:s0] =	ssyncadd.s32 $0xFFFFE800  }
0xca: {  	[tilespmem:s31], [sflag:$0x5] =	stream.linear.gather [spmem:s8], $0x1800, $0x38;
	[tilespmem:$0x16E00] =	vst v63  }
0xcb: {  	_ =	swait.ge [sflag:s0], $0x1800  }
0xcc: {  	[sflag:s0] =	ssyncset.done $0x0  }
0xcd: {  	s15 =	rddreg [dreg:$0xc];
	[sflag:s0] =	ssyncadd.s32 $0xFFFFE800  }
0xce: {  	[hbm4b:s15+s4] =	stream.linear.scatter [tilespmem:s31], [sflag:$0x5], $0x1800, $0x38;
	[tilespmem:$0x16E00] =	vst v63  }
0xcf: {  	_ =	swait.ge [sflag:s0], $0x1800  }
0xd0: {  	[sflag:s0] =	ssyncset.done $0x0  }
0xd1: {  	[sflag:s0] =	ssyncadd.s32 $0xFFFFE800  }
0xd2: {  	[tilespmem:s31], [sflag:$0x5] =	stream.linear.gather [spmem:s20], $0x1800, $0x38;
	[tilespmem:$0x16E00] =	vst v63  }
0xd3: {  	_ =	swait.ge [sflag:s0], $0x1800  }
0xd4: {  	[sflag:s0] =	ssyncset.done $0x0  }
0xd5: {  	s16 =	rddreg [dreg:$0xd];
	[sflag:s0] =	ssyncadd.s32 $0xFFFFE800  }
0xd6: {  	[hbm4b:s16+s4] =	stream.linear.scatter [tilespmem:s31], [sflag:$0x5], $0x1800, $0x38;
	[tilespmem:$0x16E00] =	vst v63  }
0xd7: {  	_ =	swait.ge [sflag:s0], $0x1800  }
0xd8: {  	[sflag:s0] =	ssyncset.done $0x0  }
0xd9: {  	[sflag:s0] =	ssyncadd.s32 $0xFFFFE800  }
0xda: {  	[tilespmem:s31], [sflag:$0x5] =	stream.linear.gather [spmem:s22], $0x1800, $0x38;
	[tilespmem:$0x16E00] =	vst v63  }
0xdb: {  	_ =	swait.ge [sflag:s0], $0x1800  }
0xdc: {  	[sflag:s0] =	ssyncset.done $0x0  }
0xdd: {  	s17 =	rddreg [dreg:$0xe];
	[sflag:s0] =	ssyncadd.s32 $0xFFFFE800  }
0xde: {  	[hbm4b:s17+s4] =	stream.linear.scatter [tilespmem:s31], [sflag:$0x5], $0x1800, $0x38;
	[tilespmem:$0x16E00] =	vst v63  }
0xdf: {  	_ =	swait.ge [sflag:s0], $0x1800  }
0xe0: {  	[sflag:s0] =	ssyncset.done $0x0  }
0xe1: {  	[sflag:s0] =	ssyncadd.s32 $0xFFFFE800  }
0xe2: {  	[tilespmem:s31], [sflag:$0x5] =	stream.linear.gather [spmem:s24], $0x1800, $0x38;
	[tilespmem:$0x16E00] =	vst v63  }
0xe3: {  	s13 =	sadd.s32 $0x1, s13;
	_ =	swait.ge [sflag:s0], $0x1800  }
0xe4: {  	p1 =	sne.s32 s13, s29;
	[sflag:s0] =	ssyncset.done $0x0  }
.Ltmp2:
0xe5: {  	s18 =	rddreg [dreg:$0xf];
	[sflag:s0] =	ssyncadd.s32 $0xFFFFE800;
	(pc) =	sbr.rel @p1 .LBB2_1-.Ltmp2, $4  }
0xe6: {  	[hbm4b:s18+s4] =	stream.linear.scatter [tilespmem:s31], [sflag:$0x5], $0x1800, $0x38;
	[tilespmem:$0x16E00] =	vst v63  }
0xe7: {  	_ =	swait.ge [sflag:s0], $0x1800  }
0xe8: {  	[sflag:s0] =	ssyncset.done $0x0  }
0xe9: {  	[sflag:s0] =	ssyncadd.s32 $0xFFFFE800  }
0xea: {  	_ =	sfence.sel $0x180000  }
0xeb: {  	[bflag:$0x0] =	sbarrier.arrive $0xFFFF  }
0xec: {  	_ =	strace $0x9000004D  }
0xed: {  	s0 =	stileid.u32;
	[bflag:$0x2] =	sbarrier.arrive $0xFFFF  }
0xee: {  	p0 =	sne.s32 s0, $0x0;
	s0 =	rddreg [dreg:$0x3]  }
0xef: {  	s0 =	sadd.s32 @!p0 $0x100000, s0  }
0xf0: {  	[sflag:s0] =	ssyncadd.tile.s32 @!p0 $0x1;
	_ =	shalt  }
.Lfunc_end2:
_tile_overlayer_lowered:
.L_overlay_start_2:
0xf1: {  	(tag) =	ssettag $0x2  }
0xf2: {  	s0 =	rddreg [dreg:$0x0];
	s2 =	stileid.u32  }
0xf3: {  	s1 =	rddreg [dreg:$0x1];
	p0 =	sne.s32 s2, $0x0  }
0xf4: {  	s3 =	rddreg [dreg:$0x2];
	[bflag:$0x3] =	sbarrier.arrive $0xFFFF;
	s2 =	simm.s32 @!p0 $0x1C05  }
0xf5: {  	[timem:s3], [sflag:s2] =	dma.local @!p0 [hbm:s0], s1  }
0xf6: {  	s0 =	simm.s32 @!p0 $0x5  }
0xf7: {  	_ =	swait.ge @!p0 [sflag:s0], s1  }
0xf8: {  	s1 =	ssub.s32 @!p0 $0x0, s1;
	[sflag:s0] =	ssyncset.done @!p0 $0x0  }
0xf9: {  	[sflag:s0] =	ssyncadd.s32 @!p0 s1  }
0xfa: {  	[bflag:$0x3] =	sbarrier.arrive $0xFFFF  }
0xfb: {  	_ =	shalt  }

// kernel: kernel.8.cloned.1.call-start
scs
__scs_entry_jumppad:
0x0: {  	(pc) =	sbr.rel $0x88, $3  }
0x1: {  	(tag) =	ssettag $0x0;
	lr =	simm.s32 $0x1  }
0x2: {  	[smem:$0x3F9D] =	sst lr;
	_ =	strace $0xD0000000  }
0x3: {  	_ = 	snop  }
0x4: {  	_ = 	snop  }
0x5: {  	_ = 	snop  }
0x6: {  	_ = 	snop  }
0x7: {  	_ = 	snop  }
__scs_overlays_trampoline_lowered:
0x8: {  	[smem:$0x3FAC] =	sst s0  }
0x9: {  	[smem:$0x3FAD] =	sst s1  }
0xa: {  	[smem:$0x3FAE] =	sst s2  }
0xb: {  	[smem:$0x3FAF] =	sst s3  }
0xc: {  	[smem:$0x3FB0] =	sst s4  }
0xd: {  	[smem:$0x3FB1] =	sst s5  }
0xe: {  	[smem:$0x3FB2] =	sst s6  }
0xf: {  	[smem:$0x3FB3] =	sst s7  }
0x10: {  	[smem:$0x3FB4] =	sst s8  }
0x11: {  	[smem:$0x3FB5] =	sst s9;
	s0 =	simm.s32 @!p0 $0x0  }
0x12: {  	s1 =	sld [smem:$0x3F9B];
	s0 =	simm.s32 @p0 $0x1  }
0x13: {  	[smem:$0x3FB6] =	sst s0;
	s0 =	simm.s32 @!p1 $0x0  }
0x14: {  	s2 =	sld [smem:$0x3F9A];
	s0 =	simm.s32 @p1 $0x1  }
0x15: {  	[smem:$0x3FB7] =	sst s0;
	s0 =	simm.s32 @!p2 $0x0  }
0x16: {  	s3 =	sld [smem:$0x3FDB];
	s0 =	simm.s32 @p2 $0x1  }
0x17: {  	s4 =	simm.s32 $0x1BF5;
	[smem:$0x3FB9] =	sst s0  }
0x18: {  	s0 =	sld [smem:$0x3F9C];
	_ =	swait.ge [sflag:s4], $0x0  }
0x19: {  	s7 =	sld [smem:$0x3F9D]  }
0x1a: {  	s8 =	sadd.s32 $0xFFFFE003, lr  }
0x1b: {  	s9 =	sadd.s32 $0xFFFFFEF7, lr;
	s5 =	simm.s32 $0xFFFFFFFF;
	p2 =	slt.u32 s8, $0xFFFFF086  }
0x1c: {  	p1 =	slt.u32 s9, $0xF7A;
	s5 =	simm.s32 @!p2 $0x0  }
0x1d: {  	s5 =	simm.s32 @p1 $0x1;
	p0 =	seq.s32 s7, s2  }
0x1e: {  	s7 =	smul.u32 @!p0 $0xF7A, s2;
	p2 =	seq.s32 @!p0 s5, $0x0  }
0x1f: {  	s9 =	smul.u32 $0xF7A, s1;
	s8 =	simm.s32 @!p0 $0x1BF5;
	p2 =	por !p2, p0  }
0x20: {  	[sflag:s8] =	ssyncset.s32 @!p0 $0xFFFFF086;
	s6 =	sadd.s32 @!p0 s3, s7;
	s7 =	simm.s32 @!p0 $0x108  }
0x21: {  	s3 =	sadd.s32 s3, s9;
	s6 =	sadd.s32 @!p0 $0x88, s6;
	s7 =	simm.s32 @p2 $0x1082  }
0x22: {  	[simem:s7], [sflag:s8] =	dma.local @!p0 [hbm:s6], $0xF7A  }
0x23: {  	s9 =	sor.u32 $0xD0000000, s2;
	s6 =	simm.s32 $0x108;
	_ =	swait.ge @!p0 [sflag:s8], $0x0  }
0x24: {  	s3 =	sadd.s32 $0x88, s3;
	s6 =	simm.s32 @!p1 $0x1082;
	[sflag:s4] =	ssyncset.s32 $0xFFFFF086  }
0x25: {  	[simem:s6], [sflag:s4] =	dma.local [hbm:s3], $0xF7A  }
0x26: {  	[smem:$0x3F9D] =	sst s1;
	(tag) =	ssettag s2;
	_ =	strace s9  }
0x27: {  	s1 =	sld [smem:$0x3FAD]  }
0x28: {  	s2 =	sld [smem:$0x3FAE]  }
0x29: {  	s4 =	sld [smem:$0x3FB0]  }
0x2a: {  	p0 =	seq.s32 s5, $0x0;
	s5 =	sld [smem:$0x3FB1]  }
0x2b: {  	s6 =	sld [smem:$0x3FB2]  }
0x2c: {  	s7 =	sld [smem:$0x3FB3]  }
0x2d: {  	s3 =	simm.s32 $0x108;
	s8 =	sld [smem:$0x3FB4]  }
0x2e: {  	s3 =	simm.s32 @!p0 $0x1082;
	s9 =	sld [smem:$0x3FB5]  }
0x2f: {  	lr =	sadd.s32 s0, s3;
	s0 =	sld [smem:$0x3FAC]  }
0x30: {  	s3 =	sld [smem:$0x3FAF]  }
0x31: {  	[smem:$0x3FB8] =	sst s10  }
0x32: {  	s10 =	sld [smem:$0x3FB6];
	_ =	sdelay $0x3  }
0x33: {  	p0 =	seq.s32 s10, $0x1;
	s10 =	sld [smem:$0x3FB8];
	_ =	sdelay $0x3  }
0x34: {  	[smem:$0x3FB8] =	sst s10  }
0x35: {  	s10 =	sld [smem:$0x3FB7];
	_ =	sdelay $0x3  }
0x36: {  	p1 =	seq.s32 s10, $0x1;
	s10 =	sld [smem:$0x3FB8];
	_ =	sdelay $0x3  }
0x37: {  	[smem:$0x3FB8] =	sst s10  }
0x38: {  	s10 =	sld [smem:$0x3FB9]  }
0x39: {  	_ = 	snop;
	(pc) =	sbr.ind lr, $3  }
0x3a: {  	_ = 	snop  }
0x3b: {  	_ = 	snop  }
0x3c: {  	p2 =	seq.s32 s10, $0x1;
	s10 =	sld [smem:$0x3FB8]  }
0x3d: {  	_ =	shalt  }
0x3e: {  	_ =	shalt  }
0x3f: {  	_ =	shalt  }
0x40: {  	_ =	shalt  }
0x41: {  	_ =	shalt  }
0x42: {  	_ =	shalt  }
0x43: {  	_ =	shalt  }
0x44: {  	_ =	shalt  }
0x45: {  	_ =	shalt  }
0x46: {  	_ =	shalt  }
0x47: {  	_ =	shalt  }
0x48: {  	_ =	shalt  }
0x49: {  	_ =	shalt  }
0x4a: {  	_ =	shalt  }
0x4b: {  	_ =	shalt  }
0x4c: {  	_ =	shalt  }
0x4d: {  	_ =	shalt  }
0x4e: {  	_ =	shalt  }
0x4f: {  	_ =	shalt  }
0x50: {  	_ =	shalt  }
0x51: {  	_ =	shalt  }
0x52: {  	_ =	shalt  }
0x53: {  	_ =	shalt  }
0x54: {  	_ =	shalt  }
0x55: {  	_ =	shalt  }
0x56: {  	_ =	shalt  }
0x57: {  	_ =	shalt  }
0x58: {  	_ =	shalt  }
0x59: {  	_ =	shalt  }
0x5a: {  	_ =	shalt  }
0x5b: {  	_ =	shalt  }
0x5c: {  	_ =	shalt  }
0x5d: {  	_ =	shalt  }
0x5e: {  	_ =	shalt  }
0x5f: {  	_ =	shalt  }
0x60: {  	_ =	shalt  }
0x61: {  	_ =	shalt  }
0x62: {  	_ =	shalt  }
0x63: {  	_ =	shalt  }
0x64: {  	_ =	shalt  }
0x65: {  	_ =	shalt  }
0x66: {  	_ =	shalt  }
0x67: {  	_ =	shalt  }
0x68: {  	_ =	shalt  }
0x69: {  	_ =	shalt  }
0x6a: {  	_ =	shalt  }
0x6b: {  	_ =	shalt  }
0x6c: {  	_ =	shalt  }
0x6d: {  	_ =	shalt  }
0x6e: {  	_ =	shalt  }
0x6f: {  	_ =	shalt  }
0x70: {  	_ =	shalt  }
0x71: {  	_ =	shalt  }
0x72: {  	_ =	shalt  }
0x73: {  	_ =	shalt  }
0x74: {  	_ =	shalt  }
0x75: {  	_ =	shalt  }
0x76: {  	_ =	shalt  }
0x77: {  	_ =	shalt  }
0x78: {  	_ =	shalt  }
0x79: {  	_ =	shalt  }
0x7a: {  	_ =	shalt  }
0x7b: {  	_ =	shalt  }
0x7c: {  	_ =	shalt  }
0x7d: {  	_ =	shalt  }
0x7e: {  	_ =	shalt  }
0x7f: {  	_ =	shalt  }
0x80: {  	_ =	shalt  }
0x81: {  	_ =	shalt  }
0x82: {  	_ =	shalt  }
0x83: {  	_ =	shalt  }
0x84: {  	_ =	shalt  }
0x85: {  	_ =	shalt  }
0x86: {  	_ =	shalt  }
0x87: {  	_ =	shalt  }
.Lfunc_end0:
.L_simem_size_0:
called_computation_lowered:
.L_overlay_start_0:
0x88: {  	s2 =	sld [smem:$0x3FD9]  }
0x89: {  	s3 =	sld [smem:$0x3FFE];
	_ =	sdelay $0x1  }
0x8a: {  	s1 =	srdreg.scid  }
0x8b: {  	s0 =	sand.u32 $0x1, s1  }
0x8c: {  	s17 =	sshll.u32 s0, $0xA;
	s2 =	sadd.s32 s3, s2  }
0x8d: {  	s2 =	sadd.s32 s2, s17  }
0x8e: {  	[smem:$0x3FC4] =	sst s2  }
0x8f: {  	_ = 	snop  }
0x90: {  	s2 =	sld [smem:$0x3FD0];
	(tm) =	ssettm $0x1  }
0x91: {  	s18 =	sld [smem:$0x3FFB];
	_ =	sdelay $0x3  }
0x92: {  	_ =	strace s18  }
0x93: {  	s3 =	sld [smem:$0x3FFC];
	_ =	sdelay $0x3  }
0x94: {  	_ =	strace s3  }
0x95: {  	s3 =	sld [smem:$0x3FFD];
	_ =	sdelay $0x3  }
0x96: {  	_ =	strace s3  }
0x97: {  	_ =	strace $0x8FFFFFFF  }
0x98: {  	s19 =	sld [smem:$0x3FDB];
	_ =	sdelay $0x1  }
0x99: {  	s4 =	simm.s32 $_scs_section_size  }
0x9a: {  	s5 =	simm.s32 $_size__tile_overlayer_lowered;
	s6 =	simm.s32 $_tile_overlayer_lowered  }
0x9b: {  	s22 =	simm.s32 $0x1BFF;
	s21 =	sshll.u32 s6, $0x1;
	s3 =	sadd.s32 s4, s19  }
0x9c: {  	s7 =	simm.s32 $0x0;
	s20 =	sshll.u32 s5, $0x1;
	s5 =	sadd.s32 s21, s3  }
0x9d: {  	[timem:s7], [sflag:s22] =	dma.local [hbm:s5], s20  }
0x9e: {  	_ =	swait.ge [sflag:s22], s20  }
0x9f: {  	s4 =	ssub.s32 $0x0, s20;
	[sflag:s22] =	ssyncset.done $0x0  }
0xa0: {  	[sflag:s22] =	ssyncadd.s32 s4;
	_ =	sdelay $0x1  }
0xa1: {  	s23 =	simm.s32 $0x1B8B  }
0xa2: {  	_ =	swait.ge [sflag:s23], $0x1  }
0xa3: {  	[sflag:s23] =	ssyncset.done $0x0  }
0xa4: {  	s25 =	simm.s32 $0x1B8E;
	s24 =	sld [smem:$0x3FFE];
	[sflag:s23] =	ssyncadd.s32 $0xFFFFFFFF  }
0xa5: {  	s26 =	simm.s32 $execute0_lowered;
	[smem:$0x3FD2] =	sst s25  }
0xa6: {  	s5 =	sshll.u32 s26, $0x1;
	_ =	strace $0x80000046;
	[dreg:$0x1] =	wrdreg $0xFFFFFFFF  }
0xa7: {  	s28 =	simm.s32 $_size_execute0_lowered;
	s3 =	sadd.s32 s3, s5;
	[dreg:$0x0] =	wrdreg $0x0  }
0xa8: {  	s5 =	sshll.u32 s28, $0x1;
	[dreg:$0x2] =	wrdreg s3  }
0xa9: {  	[dreg:$0x3] =	wrdreg s5  }
0xaa: {  	[dreg:$0x4] =	wrdreg $0xC0  }
0xab: {  	_ =	task [dreg:s7], $0x5FFFF  }
0xac: {  	[dreg:$0x1] =	wrdreg $0xFFFFFFFF  }
0xad: {  	[dreg:$0x0] =	wrdreg $0x60  }
0xae: {  	[dreg:$0x2] =	wrdreg s24  }
0xaf: {  	[dreg:$0x3] =	wrdreg s2  }
0xb0: {  	[dreg:$0x4] =	wrdreg $0x2A000  }
0xb1: {  	[dreg:$0x5] =	wrdreg $0x9  }
0xb2: {  	_ =	task.clear_ibuf [dreg:s7], $0x6FFFF;
	_ =	strace $0x90000046  }
0xb3: {  	s29 =	simm.s32 $0x9;
	_ =	strace $0x80000048  }
0xb4: {  	_ =	swait.ge [sflag:s29], $0x1  }
0xb5: {  	[sflag:s29] =	ssyncadd.s32 $0xFFFFFFFF  }
0xb6: {  	_ =	strace $0x90000048  }
0xb7: {  	_ =	sfence  }
0xb8: {  	s30 =	sld [smem:$0x0];
	_ =	sdelay $0x2  }
0xb9: {  	s31 =	sshll.u32 s1, $0xD;
	s1 =	sshrl.u32 s1, $0x2  }
0xba: {  	s3 =	sand.u32 $0x4000, s31;
	s1 =	sadd.s32 s1, s30  }
0xbb: {  	s0 =	sor.u32 s3, s0;
	s1 =	sshll.u32 s1, $0x11  }
0xbc: {  	s0 =	sor.u32 s1, s0  }
0xbd: {  	s0 =	sadd.s32 $0x8F2B, s0  }
0xbe: {  	[sflag:s0] =	ssyncadd.remote.s32 $0x1  }
0xbf: {  	_ =	sfence.sel $0xFFFF  }
0xc0: {  	[dreg:$0x0] =	wrdreg $0xFFFFFFFF;
	(pc) =	sbr.abs _section_cstart, $3  }
0xc1: {  	[dreg:$0x1] =	wrdreg $0xFFFFFFFF  }
0xc2: {  	_ =	task.clear_ibuf [dreg:s7], $0x2FFFF;
	_ =	strace $0x9FFFFFFF  }
0xc3: {  	(tm) =	ssettm $0x7FFFFFFF  }
tec
execute0_lowered:
.L_overlay_start_1:
0x0: {  	(tag) =	ssettag $0x1  }
0x1: {  	s4 =	rddreg [dreg:$0x0]  }
0x2: {  	s0 =	srdreg.scid;
	s7 =	rddreg [dreg:$0x1]  }
0x3: {  	s2 =	rddreg [dreg:$0x2];
	s1 =	stileid.u32;
	s3 =	simm.s32 $0x0  }
0x4: {  	s12 =	simm.s32 $0x2700;
	s6 =	sand.u32 $0x1, s0;
	s0 =	rddreg [dreg:$0x3]  }
0x5: {  	s13 =	simm.s32 $0x0;
	[smem:$0x7FF] =	sst s3;
	s8 =	sadd.s32 $0x1A00, s4  }
0x6: {  	s10 =	smul.u32 $0x280, s1;
	p1 =	slt.u32 s1, $0x4;
	s30 =	sshll.u32 s1, $0x4  }
0x7: {  	s5 =	sshll.u32 s6, $0x4;
	_ =	strace $0x80000047;
	s29 =	ssub.s32 $0x2, s6  }
0x8: {  	s11 =	smul.u32 $0x2800, s6;
	p0 =	seq.s32 s6, $0x0;
	s6 =	sadd.s32 s30, s8  }
0x9: {  	s5 =	sor.u32 s1, s5;
	s9 =	sshrl.u32 s29, $0x1;
	s4 =	sadd.s32 s10, s2  }
0xa: {  	p0 =	por !p0, !p1;
	s6 =	sadd.s32 $0x13840, s6;
	s5 =	smul.u32 $0x2700, s5  }
0xb: {  	s9 =	ssub.s32 s29, s9;
	s10 =	sadd.s32 s10, s11;
	p0 =	por !p0, !p0  }
0xc: {  	s11 =	simm.s32 $0x80;
	s31 =	sshrl.u32 s10, $0x3;
	s5 =	sshrl.u32 s5, $0x3  }
0xd: {  	s10 =	simm.s32 $0x1;
	s7 =	sadd.s32 s7, s31;
	s5 =	sadd.s32 s8, s5  }
0xe: {  	v0 =	vimm.f32 $1.000000000e+00;
	v1 =	vimm.f32 $0.0e+00;
	s8 =	smax.u32 s9, $0x1;
	s9 =	simm.s32 $0x2780;
	s5 =	sadd.s32 $0x9C40, s5  }
.LBB2_1:
0xf: {  	[tilespmem:$0x2700] =	vst v0  }
0x10: {  	[tilespmem:$0x2710] =	vst v0  }
0x11: {  	[tilespmem:$0x2720] =	vst v0  }
0x12: {  	[tilespmem:$0x2730] =	vst v0  }
0x13: {  	[tilespmem:$0x2740] =	vst v0  }
0x14: {  	[tilespmem:$0x2750] =	vst v0  }
0x15: {  	[tilespmem:$0x2760] =	vst v0  }
0x16: {  	[tilespmem:$0x2770] =	vst v0  }
0x17: {  	[tilespmem:$0x2780] =	vst v1  }
0x18: {  	[tilespmem:$0x2790] =	vst v1  }
0x19: {  	[tilespmem:$0x27A0] =	vst v1  }
0x1a: {  	[tilespmem:$0x27B0] =	vst v1  }
0x1b: {  	[tilespmem:$0x27C0] =	vst v1  }
0x1c: {  	[tilespmem:$0x27D0] =	vst v1  }
0x1d: {  	[tilespmem:$0x27E0] =	vst v1  }
0x1e: {  	[tilespmem:$0x27F0] =	vst v1  }
0x1f: {  	[tilespmem:$0x2800] =	vst v1  }
0x20: {  	[tilespmem:$0x2810] =	vst v1  }
0x21: {  	[tilespmem:$0x2820] =	vst v1  }
0x22: {  	[tilespmem:$0x2830] =	vst v1  }
0x23: {  	[tilespmem:$0x2840] =	vst v1  }
0x24: {  	[tilespmem:$0x2850] =	vst v1  }
0x25: {  	[tilespmem:$0x2860] =	vst v1  }
0x26: {  	[tilespmem:$0x2870] =	vst v1  }
0x27: {  	[tilespmem:$0x2880] =	vst v1  }
0x28: {  	[tilespmem:$0x2890] =	vst v1  }
0x29: {  	[tilespmem:$0x28A0] =	vst v1  }
0x2a: {  	[tilespmem:$0x28B0] =	vst v1  }
0x2b: {  	[tilespmem:$0x28C0] =	vst v1  }
0x2c: {  	[tilespmem:$0x28D0] =	vst v1  }
0x2d: {  	[tilespmem:$0x28E0] =	vst v1  }
0x2e: {  	[tilespmem:$0x28F0] =	vst v1  }
0x2f: {  	[tilespmem:$0x2900] =	vst v1  }
0x30: {  	[tilespmem:$0x2910] =	vst v1  }
0x31: {  	[tilespmem:$0x2920] =	vst v1  }
0x32: {  	[tilespmem:$0x2930] =	vst v1  }
0x33: {  	[tilespmem:$0x2940] =	vst v1  }
0x34: {  	[tilespmem:$0x2950] =	vst v1  }
0x35: {  	[tilespmem:$0x2960] =	vst v1  }
0x36: {  	[tilespmem:$0x2970] =	vst v1  }
0x37: {  	[tilespmem:$0x2980] =	vst v1  }
0x38: {  	[tilespmem:$0x2990] =	vst v1  }
0x39: {  	[tilespmem:$0x29A0] =	vst v1  }
0x3a: {  	[tilespmem:$0x29B0] =	vst v1  }
0x3b: {  	[tilespmem:$0x29C0] =	vst v1  }
0x3c: {  	[tilespmem:$0x29D0] =	vst v1  }
0x3d: {  	[tilespmem:$0x29E0] =	vst v1  }
0x3e: {  	[tilespmem:$0x29F0] =	vst v1  }
0x3f: {  	[spmem:s4] =	stream.linear.scatter [tilespmem:s9], [sflag:$0x1], $0x280, $0x38;
	[tilespmem:$0x2C80] =	vst v63  }
0x40: {  	_ =	swait.ge [sflag:s10], $0x280  }
0x41: {  	[sflag:s10] =	ssyncset.done $0x0  }
0x42: {  	[sflag:s10] =	ssyncadd.s32 $0xFFFFFD80  }
0x43: {  	[bflag:$0x0] =	sbarrier.arrive $0xFFFF  }
0x44: {  	[tilespmem:s3], [sflag:$0x1] =	stream.linear.gather [hbm4b:s5+s3], $0x2700, $0x38;
	[tilespmem:$0x2C80] =	vst v63  }
0x45: {  	_ =	swait.ge [sflag:s10], $0x2700  }
0x46: {  	[sflag:s10] =	ssyncset.done $0x0  }
0x47: {  	s14 =	simm.s32 $0x0;
	[sflag:s10] =	ssyncadd.s32 $0xFFFFD900  }
0x48: {  	[spmem:s2] =	stream.indirect.scatter.add.f32 [tilespmem:s12], [sflag:$0x1], $0x1, s14, s11, $0xb8;
	[tilespmem:$0x2C80] =	vst v63  }
0x49: {  	_ =	swait.ge [sflag:s10], $0x80  }
0x4a: {  	s14 =	simm.s32 $0x200;
	[sflag:s10] =	ssyncset.done $0x0  }
.LBB2_2:
0x4b: {  	s15 =	sshra.s32 s14, $0x2;
	[sflag:s10] =	ssyncadd.s32 $0xFFFFFF80;
	p1 =	sne.s32 s14, $0x9A00  }
0x4c: {  	[spmem:s2] =	stream.indirect.scatter.add.f32 [tilespmem:s12], [sflag:$0x1], $0x1, s15, s11, $0xb8;
	[tilespmem:$0x2C80] =	vst v63  }
.Ltmp0:
0x4d: {  	_ = 	snop;
	(pc) =	sbr.rel @p1 .LBB2_2-.Ltmp0, $4  }
0x4e: {  	_ = 	snop  }
0x4f: {  	s14 =	sadd.s32 $0x200, s14  }
0x50: {  	_ =	swait.ge [sflag:s10], $0x80  }
0x51: {  	[sflag:s10] =	ssyncset.done $0x0  }
0x52: {  	[sflag:s10] =	ssyncadd.s32 $0xFFFFFF80;
	s14 =	simm.s32 @p0 $0x0;
	s15 =	simm.s32 @p0 $0x1  }
0x53: {  	[tilespmem:s14], [sflag:$0x1] =	stream.linear.gather @p0 [hbm4b:s6+s14], $0x80, $0x38;
	[tilespmem:$0x2C80] =	vst v63  }
0x54: {  	_ =	swait.ge @p0 [sflag:s15], $0x80  }
0x55: {  	[sflag:s15] =	ssyncset.done @p0 $0x0  }
0x56: {  	s16 =	simm.s32 @p0 $0x80;
	s17 =	simm.s32 @p0 $0x2700;
	[sflag:s15] =	ssyncadd.s32 @p0 $0xFFFFFF80  }
0x57: {  	[spmem:s2] =	stream.indirect.scatter.add.f32 @p0 [tilespmem:s17], [sflag:$0x1], $0x1, s14, s16, $0xb8;
	[tilespmem:$0x2C80] =	vst v63  }
0x58: {  	_ =	swait.ge @p0 [sflag:s15], $0x80  }
0x59: {  	[sflag:s15] =	ssyncset.done @p0 $0x0  }
0x5a: {  	[sflag:s15] =	ssyncadd.s32 @p0 $0xFFFFFF80  }
0x5b: {  	[bflag:$0x0] =	sbarrier.arrive $0xFFFF  }
0x5c: {  	[tilespmem:s9], [sflag:$0x1] =	stream.linear.gather [spmem:s4], $0x280, $0x38;
	[tilespmem:$0x2C80] =	vst v63  }
0x5d: {  	s13 =	sadd.s32 $0x1, s13;
	_ =	swait.ge [sflag:s10], $0x280  }
0x5e: {  	p1 =	sne.s32 s13, s8;
	[sflag:s10] =	ssyncset.done $0x0  }
.Ltmp1:
0x5f: {  	[sflag:s10] =	ssyncadd.s32 $0xFFFFFD80;
	(pc) =	sbr.rel @p1 .LBB2_1-.Ltmp1, $4  }
0x60: {  	[hbm4b:s7+s3] =	stream.linear.scatter [tilespmem:s9], [sflag:$0x1], $0x280, $0x38;
	[tilespmem:$0x2C80] =	vst v63  }
0x61: {  	_ =	swait.ge [sflag:s10], $0x280  }
0x62: {  	[sflag:s10] =	ssyncset.done $0x0  }
0x63: {  	[sflag:s10] =	ssyncadd.s32 $0xFFFFFD80  }
0x64: {  	_ =	sfence.sel $0x180000  }
0x65: {  	[bflag:$0x0] =	sbarrier.arrive $0xFFFF  }
0x66: {  	p0 =	sne.s32 s1, $0x0;
	_ =	strace $0x90000047  }
0x67: {  	s0 =	sadd.s32 @!p0 $0x100000, s0;
	[bflag:$0x2] =	sbarrier.arrive $0xFFFF  }
0x68: {  	[sflag:s0] =	ssyncadd.tile.s32 @!p0 $0x1;
	_ =	shalt  }
.Lfunc_end2:
_tile_overlayer_lowered:
.L_overlay_start_2:
0x69: {  	(tag) =	ssettag $0x2  }
0x6a: {  	s0 =	rddreg [dreg:$0x0];
	s2 =	stileid.u32  }
0x6b: {  	s1 =	rddreg [dreg:$0x1];
	p0 =	sne.s32 s2, $0x0  }
0x6c: {  	s3 =	rddreg [dreg:$0x2];
	[bflag:$0x3] =	sbarrier.arrive $0xFFFF;
	s2 =	simm.s32 @!p0 $0x1C01  }
0x6d: {  	[timem:s3], [sflag:s2] =	dma.local @!p0 [hbm:s0], s1  }
0x6e: {  	s0 =	simm.s32 @!p0 $0x1  }
0x6f: {  	_ =	swait.ge @!p0 [sflag:s0], s1  }
0x70: {  	s1 =	ssub.s32 @!p0 $0x0, s1;
	[sflag:s0] =	ssyncset.done @!p0 $0x0  }
0x71: {  	[sflag:s0] =	ssyncadd.s32 @!p0 s1  }
0x72: {  	[bflag:$0x3] =	sbarrier.arrive $0xFFFF  }
0x73: {  	_ =	shalt  }

</sc_bundles>
